<compile_context>
chip_gen: v7x
topology: tpu7x:2x2x1
jax: 0.10.2.dev20260603
libtpu: 0.0.44.dev20260713+nightly
codegen_flags: <defaults>
</compile_context>

<pallas_src>
import functools

import jax
import jax.numpy as jnp
from jax import lax
from jax.experimental import pallas as pl
from jax.experimental.pallas import tpu as pltpu
from jax.experimental.pallas import tpu_sc as plsc

_NC = 2
_NS = 16
_CH = 128
_PADR = 240
_NBUF = 2

_F32 = jnp.float32


def _mesh():
    return plsc.VectorSubcoreMesh(core_axis_name="c", subcore_axis_name="s")


def _fill_vmem_f32(buf, rows, val):
    @pl.loop(0, rows)
    def _(i):
        @pl.loop(0, 8)
        def _(j):
            buf[i, pl.ds(j * 16, 16)] = jnp.full((16,), val, _F32)


def _zero_acc(acc, zbuf, sid, rpt):
    base = sid * rpt

    @pl.loop(0, rpt // 32)
    def _(r):
        pltpu.sync_copy(zbuf, acc.at[pl.ds(base + r * 32, 32)])


def _acc_to_out(acc, out_hbm, cid, sid, rpt):
    base = sid * rpt

    @pl.loop(0, rpt // 64)
    def _(r):
        pltpu.sync_copy(acc.at[pl.ds(base + r * 64, 64)],
                        out_hbm.at[cid, pl.ds(base + r * 64, 64)])


def _sc_deg(dst_rs, out_ref, accn):
    nch = dst_rs.shape[1]
    nch_h = nch // _NC
    rpt = accn // _NS

    @functools.partial(
        pl.kernel,
        out_type=(),
        mesh=_mesh(),
        scratch_types=[
            pltpu.VMEM((nch_h // 2, _CH), jnp.int32),
            pltpu.VMEM((_CH, 128), _F32),
            pltpu.VMEM((32, 128), _F32),
            pltpu.VMEM_SHARED((accn, 128), _F32),
        ],
    )
    def k(dst_hbm, out_hbm, didx, ones, zbuf, acc):
        cid = lax.axis_index("c")
        sid = lax.axis_index("s")
        nchq = nch_h // 2

        _fill_vmem_f32(ones, _CH, 1.0)
        _fill_vmem_f32(zbuf, 32, 0.0)
        _zero_acc(acc, zbuf, sid, rpt)
        plsc.subcore_barrier()

        for h in range(2):
            off = cid * nch_h + h * nchq
            pltpu.sync_copy(dst_hbm.at[sid, pl.ds(off, nchq)], didx)

            @pl.loop(0, nchq)
            def _(c):
                pltpu.sync_copy(ones, acc.at[didx.at[c]], add=True)

        plsc.subcore_barrier()
        _acc_to_out(acc, out_hbm, cid, sid, rpt)

    k(dst_rs, out_ref)


def _sc_agg(y, src_rs, dst_rs, out_ref, accn):
    nch = src_rs.shape[1]
    nch_h = nch // _NC
    nchq = nch_h // 2
    rpt = accn // _NS

    @functools.partial(
        pl.kernel,
        out_type=(),
        mesh=_mesh(),
        scratch_types=[
            pltpu.VMEM((nchq, _CH), jnp.int32),
            pltpu.VMEM((nchq, _CH), jnp.int32),
            pltpu.VMEM((32, 128), _F32),
            pltpu.VMEM_SHARED((accn, 128), _F32),
        ] + [pltpu.VMEM((_CH, 128), _F32)] * _NBUF
          + [pltpu.SemaphoreType.DMA] * _NBUF,
    )
    def k(y_hbm, src_hbm, dst_hbm, out_hbm, sidx, didx, zbuf, acc, *bufsem):
        bufs = bufsem[:_NBUF]
        sg = bufsem[_NBUF:2 * _NBUF]
        cid = lax.axis_index("c")
        sid = lax.axis_index("s")

        _fill_vmem_f32(zbuf, 32, 0.0)
        _zero_acc(acc, zbuf, sid, rpt)
        plsc.subcore_barrier()

        for h in range(2):
            off = cid * nch_h + h * nchq
            pltpu.sync_copy(src_hbm.at[sid, pl.ds(off, nchq)], sidx)
            pltpu.sync_copy(dst_hbm.at[sid, pl.ds(off, nchq)], didx)

            for j in range(_NBUF):
                pltpu.async_copy(y_hbm.at[sidx.at[j]], bufs[j], sg[j])

            @pl.loop(0, nchq // _NBUF)
            def _(i):
                c0 = _NBUF * i
                for j in range(_NBUF):
                    c = c0 + j
                    pltpu.make_async_copy(y_hbm.at[sidx.at[c]],
                                          bufs[j], sg[j]).wait()
                    pltpu.sync_copy(bufs[j], acc.at[didx.at[c]], add=True)

                    @pl.when(c + _NBUF < nchq)
                    def _():
                        pltpu.async_copy(y_hbm.at[sidx.at[c + _NBUF]],
                                         bufs[j], sg[j])

        plsc.subcore_barrier()
        _acc_to_out(acc, out_hbm, cid, sid, rpt)

    k(y, src_rs, dst_rs, out_ref)


def _dinv_block(degp_ref):
    d = degp_ref[0, :, 0:1] + degp_ref[1, :, 0:1] + 1.0
    return lax.rsqrt(d)


def _tc_p1(x, W1, degp, bn):
    n = x.shape[0]

    def body(x_ref, w_ref, degp_ref, y_ref):
        dinv = _dinv_block(degp_ref)
        y_ref[...] = dinv * jnp.dot(x_ref[...], w_ref[...],
                                    preferred_element_type=_F32)

    return pl.pallas_call(
        body,
        grid=(n // bn,),
        in_specs=[
            pl.BlockSpec((bn, 128), lambda i: (i, 0)),
            pl.BlockSpec((128, 128), lambda i: (0, 0)),
            pl.BlockSpec((2, bn, 128), lambda i: (0, i, 0)),
        ],
        out_specs=pl.BlockSpec((bn, 128), lambda i: (i, 0)),
        out_shape=jax.ShapeDtypeStruct((n, 128), _F32),
    )(x, W1, degp)


def _tc_p3(agg1, y1, degp, W2, b1, bn):
    n = y1.shape[0]

    def body(agg_ref, y_ref, degp_ref, w_ref, b_ref, y2_ref):
        dinv = _dinv_block(degp_ref)
        s = agg_ref[0] + agg_ref[1] + y_ref[...]
        z = jnp.maximum(dinv * s + b_ref[...], 0.0)
        y2_ref[...] = dinv * jnp.dot(z, w_ref[...], preferred_element_type=_F32)

    return pl.pallas_call(
        body,
        grid=(n // bn,),
        in_specs=[
            pl.BlockSpec((2, bn, 128), lambda i: (0, i, 0)),
            pl.BlockSpec((bn, 128), lambda i: (i, 0)),
            pl.BlockSpec((2, bn, 128), lambda i: (0, i, 0)),
            pl.BlockSpec((128, 128), lambda i: (0, 0)),
            pl.BlockSpec((1, 128), lambda i: (0, 0)),
        ],
        out_specs=pl.BlockSpec((bn, 128), lambda i: (i, 0)),
        out_shape=jax.ShapeDtypeStruct((n, 128), _F32),
    )(agg1, y1, degp, W2, b1)


def _tc_p5(agg2, y2, degp, b2, bn):
    n = y2.shape[0]

    def body(agg_ref, y_ref, degp_ref, b_ref, o_ref):
        dinv = _dinv_block(degp_ref)
        s = agg_ref[0] + agg_ref[1] + y_ref[...]
        o_ref[...] = dinv * s + b_ref[...]

    return pl.pallas_call(
        body,
        grid=(n // bn,),
        in_specs=[
            pl.BlockSpec((2, bn, 128), lambda i: (0, i, 0)),
            pl.BlockSpec((bn, 128), lambda i: (i, 0)),
            pl.BlockSpec((2, bn, 128), lambda i: (0, i, 0)),
            pl.BlockSpec((1, 128), lambda i: (0, 0)),
        ],
        out_specs=pl.BlockSpec((bn, 128), lambda i: (i, 0)),
        out_shape=jax.ShapeDtypeStruct((n, 128), _F32),
    )(agg2, y2, degp, b2)


def kernel(x, edge_index, W1, b1, W2, b2):
    n = x.shape[0]
    e = edge_index.shape[1]
    src = edge_index[0]
    dst = edge_index[1]
    accn = n + _PADR
    assert accn % (_NS * 64) == 0 and n % 1000 == 0

    nch = -(-e // (_NS * _CH))
    nch = -(-nch // (2 * _NBUF)) * (2 * _NBUF)
    npad = _NS * nch * _CH - e

    pad_src = (jnp.arange(npad, dtype=jnp.int32) * 37) % n
    pad_dst = n + (jnp.arange(npad, dtype=jnp.int32) % _PADR)
    src_rs = jnp.concatenate([src, pad_src]).reshape(_NS, nch, _CH)
    dst_rs = jnp.concatenate([dst, pad_dst]).reshape(_NS, nch, _CH)

    bn = 1000
    b1r = b1.reshape(1, 128)
    b2r = b2.reshape(1, 128)

    degp_ref = jax.new_ref(jnp.zeros((_NC, accn, 128), _F32))
    _sc_deg(dst_rs, degp_ref, accn)
    degp = degp_ref[...]

    y1 = _tc_p1(x, W1, degp, bn)

    agg1_ref = jax.new_ref(jnp.zeros((_NC, accn, 128), _F32))
    _sc_agg(y1, src_rs, dst_rs, agg1_ref, accn)
    y2 = _tc_p3(agg1_ref[...], y1, degp, W2, b1r, bn)

    agg2_ref = jax.new_ref(jnp.zeros((_NC, accn, 128), _F32))
    _sc_agg(y2, src_rs, dst_rs, agg2_ref, accn)
    out = _tc_p5(agg2_ref[...], y2, degp, b2r, bn)
    return out

# --- scband reference (transcript-rebuilt; emitter-appended) ---
"""Pipeline reference for scband-gconv-44822278701654 (READ-ONLY COPY).

The authoritative reference and input builder live on the scoring server;
editing this copy changes nothing except your own understanding.
"""

import jax, jax.numpy as jnp
import numpy as np

N = 10000
E = 320000
D_IN = 128
D_HID = 128
D_OUT = 128


def setup_inputs(seed: int = 0) -> dict:
    key = jax.random.key(seed)
    k1, k2, k3, k4, k5, k6 = jax.random.split(key, 6)
    x = jax.random.normal(k1, (N, D_IN), dtype=jnp.float32)
    edge_index = jax.random.randint(k2, (2, E), 0, N, dtype=jnp.int32)
    W1 = jax.random.normal(k3, (D_IN, D_HID), dtype=jnp.float32) * (1.0 / np.sqrt(D_IN))
    b1 = jnp.zeros((D_HID,), dtype=jnp.float32)
    W2 = jax.random.normal(k4, (D_HID, D_OUT), dtype=jnp.float32) * (1.0 / np.sqrt(D_HID))
    b2 = jnp.zeros((D_OUT,), dtype=jnp.float32)
    return {"x": x, "edge_index": edge_index, "W1": W1, "b1": b1, "W2": W2, "b2": b2}


def _gcn_layer(x, src, dst, W, b):
    # GCNConv: linear transform, add self-loops, symmetric normalization, scatter-add aggregation
    n = x.shape[0]
    loop = jnp.arange(n, dtype=src.dtype)
    src_f = jnp.concatenate([src, loop])
    dst_f = jnp.concatenate([dst, loop])
    w = jnp.ones(src_f.shape[0], dtype=x.dtype)
    deg = jnp.zeros((n,), dtype=x.dtype).at[dst_f].add(w)
    dinv = jnp.where(deg > 0, 1.0 / jnp.sqrt(deg), 0.0)
    norm = dinv[src_f] * dinv[dst_f]
    xw = x @ W
    msgs = jnp.take(xw, src_f, axis=0) * norm[:, None]
    out = jnp.zeros((n, W.shape[1]), dtype=x.dtype).at[dst_f].add(msgs)
    return out + b


def reference(x, edge_index, W1, b1, W2, b2):
    src = edge_index[0]
    dst = edge_index[1]
    z = _gcn_layer(x, src, dst, W1, b1)
    z = jax.nn.relu(z)
    z = _gcn_layer(z, src, dst, W2, b2)
    return z

if __name__ == "__main__":
    import jax
    _d = setup_inputs()
    print(jax.jit(kernel)(*tuple(_d.values())))

</pallas_src>

<mosaic_0001>
#map = affine_map<(d0, d1) -> (0, 0, 0)>
module attributes {stable_mosaic.version = 14 : i64} {
  func.func @new_body(%arg0: i32, %arg1: i32, %arg2: memref<16x160x128xi32, #tpu.memory_space<hbm>>, %arg3: memref<2x10240x128xf32, #tpu.memory_space<hbm>>, %arg4: memref<2x10240x128xf32, #tpu.memory_space<hbm>>, %arg5: memref<40x128xi32, #tpu.memory_space<vmem>>, %arg6: memref<128x128xf32, #tpu.memory_space<vmem>>, %arg7: memref<32x128xf32, #tpu.memory_space<vmem>>, %arg8: memref<10240x128xf32, #tpu.memory_space<vmem_shared>>) attributes {dimension_semantics = [#tpu.dimension_semantics<core_parallel>, #tpu.dimension_semantics<subcore_parallel>], iteration_bounds = array<i64: 2, 16>, scalar_prefetch = 0 : i64, scratch_operands = 4 : i64, tpu.core_type = #tpu.core_type<sc_vector_subcore>, window_params = [{transform_indices = #map}, {transform_indices = #map}, {transform_indices = #map}]} {
    %scan3A = arith.constant 0 : i32
    %scan3A_0 = arith.constant 128 : i32
    %scan3A_1 = arith.addi %scan3A, %scan3A_0 : i32
    %scan3A_2 = arith.constant 1 : i32
    scf.for %scan3A_40 = %scan3A to %scan3A_1 step %scan3A_2  : i32 {
      %mul3A_41 = arith.constant 1 : i32
      %mul3A_42 = arith.muli %scan3A_40, %mul3A_41 : i32
      %add3A_43 = arith.constant 0 : i32
      %add3A_44 = arith.addi %add3A_43, %mul3A_42 : i32
      %scan3A_45 = arith.constant 0 : i32
      %scan3A_46 = arith.constant 8 : i32
      %scan3A_47 = arith.addi %scan3A_45, %scan3A_46 : i32
      %scan3A_48 = arith.constant 1 : i32
      scf.for %scan3A_50 = %scan3A_45 to %scan3A_47 step %scan3A_48  : i32 {
        %mul3A_51 = arith.constant 1 : i32
        %mul3A_52 = arith.muli %scan3A_50, %mul3A_51 : i32
        %add3A_53 = arith.constant 0 : i32
        %add3A_54 = arith.addi %add3A_53, %mul3A_52 : i32
        %broadcast_in_dim3A = arith.constant 1.000000e+00 : f32
        %broadcast_in_dim3A_55 = vector.broadcast %broadcast_in_dim3A : f32 to vector<16xf32>
        %mul3A_56 = arith.constant 16 : i32
        %mul3A_57 = arith.muli %add3A_54, %mul3A_56 : i32
        %swap3A = arith.index_cast %add3A_44 : i32 to index
        %swap3A_58 = arith.index_cast %mul3A_57 : i32 to index
        %swap3A_59 = tpu.vector_load %arg6[%swap3A, %swap3A_58] {strides = array<i32>} : memref<128x128xf32, #tpu.memory_space<vmem>>, vector<1x16xf32>,
        %swap3A_60 = vector.shape_cast %swap3A_59 : vector<1x16xf32> to vector<16xf32>
        %swap3A_61 = vector.shape_cast %broadcast_in_dim3A_55 : vector<16xf32> to vector<1x16xf32>
        tpu.vector_store %arg6[%swap3A, %swap3A_58], %swap3A_61 {strides = array<i32>} : memref<128x128xf32, #tpu.memory_space<vmem>>, vector<1x16xf32>,
      }
      %scan3A_49 = arith.constant 8 : i32
    }
    %scan3A_3 = arith.constant 128 : i32
    %scan3A_4 = arith.constant 0 : i32
    %scan3A_5 = arith.constant 32 : i32
    %scan3A_6 = arith.addi %scan3A_4, %scan3A_5 : i32
    %scan3A_7 = arith.constant 1 : i32
    scf.for %scan3A_40 = %scan3A_4 to %scan3A_6 step %scan3A_7  : i32 {
      %mul3A_41 = arith.constant 1 : i32
      %mul3A_42 = arith.muli %scan3A_40, %mul3A_41 : i32
      %add3A_43 = arith.constant 0 : i32
      %add3A_44 = arith.addi %add3A_43, %mul3A_42 : i32
      %scan3A_45 = arith.constant 0 : i32
      %scan3A_46 = arith.constant 8 : i32
      %scan3A_47 = arith.addi %scan3A_45, %scan3A_46 : i32
      %scan3A_48 = arith.constant 1 : i32
      scf.for %scan3A_50 = %scan3A_45 to %scan3A_47 step %scan3A_48  : i32 {
        %mul3A_51 = arith.constant 1 : i32
        %mul3A_52 = arith.muli %scan3A_50, %mul3A_51 : i32
        %add3A_53 = arith.constant 0 : i32
        %add3A_54 = arith.addi %add3A_53, %mul3A_52 : i32
        %broadcast_in_dim3A = arith.constant 0.000000e+00 : f32
        %broadcast_in_dim3A_55 = vector.broadcast %broadcast_in_dim3A : f32 to vector<16xf32>
        %mul3A_56 = arith.constant 16 : i32
        %mul3A_57 = arith.muli %add3A_54, %mul3A_56 : i32
        %swap3A = arith.index_cast %add3A_44 : i32 to index
        %swap3A_58 = arith.index_cast %mul3A_57 : i32 to index
        %swap3A_59 = tpu.vector_load %arg7[%swap3A, %swap3A_58] {strides = array<i32>} : memref<32x128xf32, #tpu.memory_space<vmem>>, vector<1x16xf32>,
        %swap3A_60 = vector.shape_cast %swap3A_59 : vector<1x16xf32> to vector<16xf32>
        %swap3A_61 = vector.shape_cast %broadcast_in_dim3A_55 : vector<16xf32> to vector<1x16xf32>
        tpu.vector_store %arg7[%swap3A, %swap3A_58], %swap3A_61 {strides = array<i32>} : memref<32x128xf32, #tpu.memory_space<vmem>>, vector<1x16xf32>,
      }
      %scan3A_49 = arith.constant 8 : i32
    }
    %scan3A_8 = arith.constant 32 : i32
    %mul3A = arith.constant 640 : i32
    %mul3A_9 = arith.muli %arg1, %mul3A : i32
    %scan3A_10 = arith.constant 0 : i32
    %scan3A_11 = arith.constant 20 : i32
    %scan3A_12 = arith.addi %scan3A_10, %scan3A_11 : i32
    %scan3A_13 = arith.constant 1 : i32
    scf.for %scan3A_40 = %scan3A_10 to %scan3A_12 step %scan3A_13  : i32 {
      %mul3A_41 = arith.constant 1 : i32
      %mul3A_42 = arith.muli %scan3A_40, %mul3A_41 : i32
      %add3A_43 = arith.constant 0 : i32
      %add3A_44 = arith.addi %add3A_43, %mul3A_42 : i32
      %mul3A_45 = arith.constant 32 : i32
      %mul3A_46 = arith.muli %add3A_44, %mul3A_45 : i32
      %add3A_47 = arith.addi %mul3A_9, %mul3A_46 : i32
      "tpu.region"() ({
        %run_scoped3A = tpu.sem_alloc : memref<!tpu.dma_semaphore, #tpu.memory_space<semaphore_mem>>
        %dma_start3A = arith.constant 0 : i32
        %dma_start3A_48 = tpu.memref_slice %arg8[%add3A_47, %dma_start3A] : memref<10240x128xf32, #tpu.memory_space<vmem_shared>> -> memref<32x128xf32, #tpu.memory_space<vmem_shared>>
        %dma_start3A_49 = arith.constant 0 : i32
        %dma_start3A_50 = tpu.memref_slice %arg8[%add3A_47, %dma_start3A_49] : memref<10240x128xf32, #tpu.memory_space<vmem_shared>> -> memref<32x128xf32, #tpu.memory_space<vmem_shared>>
        tpu.enqueue_dma source(%arg7 : memref<32x128xf32, #tpu.memory_space<vmem>>) target(%dma_start3A_50 : memref<32x128xf32, #tpu.memory_space<vmem_shared>>) target_semaphore(%run_scoped3A : memref<!tpu.dma_semaphore, #tpu.memory_space<semaphore_mem>>)
        %dma_wait3A = arith.constant 0 : i32
        %dma_wait3A_51 = tpu.memref_slice %arg8[%add3A_47, %dma_wait3A] : memref<10240x128xf32, #tpu.memory_space<vmem_shared>> -> memref<32x128xf32, #tpu.memory_space<vmem_shared>>
        %dma_wait3A_52 = arith.constant 0 : i32
        %dma_wait3A_53 = tpu.memref_slice %arg8[%add3A_47, %dma_wait3A_52] : memref<10240x128xf32, #tpu.memory_space<vmem_shared>> -> memref<32x128xf32, #tpu.memory_space<vmem_shared>>
        tpu.wait_dma2 semaphore(%run_scoped3A : memref<!tpu.dma_semaphore, #tpu.memory_space<semaphore_mem>>) src(%arg7 : memref<32x128xf32, #tpu.memory_space<vmem>>) dst(%dma_wait3A_53 : memref<32x128xf32, #tpu.memory_space<vmem_shared>>)
        tpu.yield
      }) : () -> ()
    }
    %scan3A_14 = arith.constant 20 : i32
    %barrier3A = arith.constant 0 : index
    tpu.barrier barrier_id(%barrier3A)
    %mul3A_15 = arith.constant 80 : i32
    %mul3A_16 = arith.muli %arg0, %mul3A_15 : i32
    %add3A = arith.constant 0 : i32
    %add3A_17 = arith.addi %mul3A_16, %add3A : i32
    "tpu.region"() ({
      %run_scoped3A = tpu.sem_alloc : memref<!tpu.dma_semaphore, #tpu.memory_space<semaphore_mem>>
      %dma_start3A = arith.constant 0 : i32
      %dma_start3A_40 = tpu.memref_slice %arg2[%arg1, %add3A_17, %dma_start3A] : memref<16x160x128xi32, #tpu.memory_space<hbm>> -> memref<1x40x128xi32, #tpu.memory_space<hbm>>
      %dma_start3A_41 = tpu.memref_squeeze %dma_start3A_40 : memref<1x40x128xi32, #tpu.memory_space<hbm>> -> memref<40x128xi32, #tpu.memory_space<hbm>>
      %dma_start3A_42 = arith.constant 0 : i32
      %dma_start3A_43 = tpu.memref_slice %arg2[%arg1, %add3A_17, %dma_start3A_42] : memref<16x160x128xi32, #tpu.memory_space<hbm>> -> memref<1x40x128xi32, #tpu.memory_space<hbm>>
      %dma_start3A_44 = tpu.memref_squeeze %dma_start3A_43 : memref<1x40x128xi32, #tpu.memory_space<hbm>> -> memref<40x128xi32, #tpu.memory_space<hbm>>
      tpu.enqueue_dma source(%dma_start3A_44 : memref<40x128xi32, #tpu.memory_space<hbm>>) target(%arg5 : memref<40x128xi32, #tpu.memory_space<vmem>>) target_semaphore(%run_scoped3A : memref<!tpu.dma_semaphore, #tpu.memory_space<semaphore_mem>>)
      %dma_wait3A = arith.constant 0 : i32
      %dma_wait3A_45 = tpu.memref_slice %arg2[%arg1, %add3A_17, %dma_wait3A] : memref<16x160x128xi32, #tpu.memory_space<hbm>> -> memref<1x40x128xi32, #tpu.memory_space<hbm>>
      %dma_wait3A_46 = tpu.memref_squeeze %dma_wait3A_45 : memref<1x40x128xi32, #tpu.memory_space<hbm>> -> memref<40x128xi32, #tpu.memory_space<hbm>>
      %dma_wait3A_47 = arith.constant 0 : i32
      %dma_wait3A_48 = tpu.memref_slice %arg2[%arg1, %add3A_17, %dma_wait3A_47] : memref<16x160x128xi32, #tpu.memory_space<hbm>> -> memref<1x40x128xi32, #tpu.memory_space<hbm>>
      %dma_wait3A_49 = tpu.memref_squeeze %dma_wait3A_48 : memref<1x40x128xi32, #tpu.memory_space<hbm>> -> memref<40x128xi32, #tpu.memory_space<hbm>>
      tpu.wait_dma2 semaphore(%run_scoped3A : memref<!tpu.dma_semaphore, #tpu.memory_space<semaphore_mem>>) src(%dma_wait3A_49 : memref<40x128xi32, #tpu.memory_space<hbm>>) dst(%arg5 : memref<40x128xi32, #tpu.memory_space<vmem>>)
      tpu.yield
    }) : () -> ()
    %scan3A_18 = arith.constant 0 : i32
    %scan3A_19 = arith.constant 40 : i32
    %scan3A_20 = arith.addi %scan3A_18, %scan3A_19 : i32
    %scan3A_21 = arith.constant 1 : i32
    scf.for %scan3A_40 = %scan3A_18 to %scan3A_20 step %scan3A_21  : i32 {
      %mul3A_41 = arith.constant 1 : i32
      %mul3A_42 = arith.muli %scan3A_40, %mul3A_41 : i32
      %add3A_43 = arith.constant 0 : i32
      %add3A_44 = arith.addi %add3A_43, %mul3A_42 : i32
      "tpu.region"() ({
        %run_scoped3A = tpu.sem_alloc : memref<!tpu.dma_semaphore, #tpu.memory_space<semaphore_mem>>
        %dma_start3A = arith.constant 0 : i32
        %dma_start3A_45 = tpu.memref_slice %arg5[%add3A_44, %dma_start3A] : memref<40x128xi32, #tpu.memory_space<vmem>> -> memref<1x128xi32, #tpu.memory_space<vmem>>
        %dma_start3A_46 = tpu.memref_squeeze %dma_start3A_45 : memref<1x128xi32, #tpu.memory_space<vmem>> -> memref<128xi32, #tpu.memory_space<vmem>>
        %dma_start3A_47 = arith.constant 0 : i32
        %dma_start3A_48 = arith.constant 0 : i32
        %dma_start3A_49 = tpu.memref_slice %arg8[%dma_start3A_47, %dma_start3A_48] : memref<10240x128xf32, #tpu.memory_space<vmem_shared>> -> memref<10240x128xf32, #tpu.memory_space<vmem_shared>>
        tpu.enqueue_indirect_dma source(%arg6 : memref<128x128xf32, #tpu.memory_space<vmem>>) target(%dma_start3A_49 : memref<10240x128xf32, #tpu.memory_space<vmem_shared>>) offsets(%dma_start3A_46 : memref<128xi32, #tpu.memory_space<vmem>>) semaphore(%run_scoped3A : memref<!tpu.dma_semaphore, #tpu.memory_space<semaphore_mem>>) {add = true}
        %dma_wait3A = arith.constant 0 : i32
        %dma_wait3A_50 = tpu.memref_slice %arg5[%add3A_44, %dma_wait3A] : memref<40x128xi32, #tpu.memory_space<vmem>> -> memref<1x128xi32, #tpu.memory_space<vmem>>
        %dma_wait3A_51 = tpu.memref_squeeze %dma_wait3A_50 : memref<1x128xi32, #tpu.memory_space<vmem>> -> memref<128xi32, #tpu.memory_space<vmem>>
        %dma_wait3A_52 = arith.constant 0 : i32
        %dma_wait3A_53 = arith.constant 0 : i32
        %dma_wait3A_54 = tpu.memref_slice %arg8[%dma_wait3A_52, %dma_wait3A_53] : memref<10240x128xf32, #tpu.memory_space<vmem_shared>> -> memref<10240x128xf32, #tpu.memory_space<vmem_shared>>
        tpu.wait_indirect_dma semaphore(%run_scoped3A : memref<!tpu.dma_semaphore, #tpu.memory_space<semaphore_mem>>) src(%arg6 : memref<128x128xf32, #tpu.memory_space<vmem>>) dst(%dma_wait3A_54 : memref<10240x128xf32, #tpu.memory_space<vmem_shared>>)
        tpu.yield
      }) : () -> ()
    }
    %scan3A_22 = arith.constant 40 : i32
    %mul3A_23 = arith.constant 80 : i32
    %mul3A_24 = arith.muli %arg0, %mul3A_23 : i32
    %add3A_25 = arith.constant 40 : i32
    %add3A_26 = arith.addi %mul3A_24, %add3A_25 : i32
    "tpu.region"() ({
      %run_scoped3A = tpu.sem_alloc : memref<!tpu.dma_semaphore, #tpu.memory_space<semaphore_mem>>
      %dma_start3A = arith.constant 0 : i32
      %dma_start3A_40 = tpu.memref_slice %arg2[%arg1, %add3A_26, %dma_start3A] : memref<16x160x128xi32, #tpu.memory_space<hbm>> -> memref<1x40x128xi32, #tpu.memory_space<hbm>>
      %dma_start3A_41 = tpu.memref_squeeze %dma_start3A_40 : memref<1x40x128xi32, #tpu.memory_space<hbm>> -> memref<40x128xi32, #tpu.memory_space<hbm>>
      %dma_start3A_42 = arith.constant 0 : i32
      %dma_start3A_43 = tpu.memref_slice %arg2[%arg1, %add3A_26, %dma_start3A_42] : memref<16x160x128xi32, #tpu.memory_space<hbm>> -> memref<1x40x128xi32, #tpu.memory_space<hbm>>
      %dma_start3A_44 = tpu.memref_squeeze %dma_start3A_43 : memref<1x40x128xi32, #tpu.memory_space<hbm>> -> memref<40x128xi32, #tpu.memory_space<hbm>>
      tpu.enqueue_dma source(%dma_start3A_44 : memref<40x128xi32, #tpu.memory_space<hbm>>) target(%arg5 : memref<40x128xi32, #tpu.memory_space<vmem>>) target_semaphore(%run_scoped3A : memref<!tpu.dma_semaphore, #tpu.memory_space<semaphore_mem>>)
      %dma_wait3A = arith.constant 0 : i32
      %dma_wait3A_45 = tpu.memref_slice %arg2[%arg1, %add3A_26, %dma_wait3A] : memref<16x160x128xi32, #tpu.memory_space<hbm>> -> memref<1x40x128xi32, #tpu.memory_space<hbm>>
      %dma_wait3A_46 = tpu.memref_squeeze %dma_wait3A_45 : memref<1x40x128xi32, #tpu.memory_space<hbm>> -> memref<40x128xi32, #tpu.memory_space<hbm>>
      %dma_wait3A_47 = arith.constant 0 : i32
      %dma_wait3A_48 = tpu.memref_slice %arg2[%arg1, %add3A_26, %dma_wait3A_47] : memref<16x160x128xi32, #tpu.memory_space<hbm>> -> memref<1x40x128xi32, #tpu.memory_space<hbm>>
      %dma_wait3A_49 = tpu.memref_squeeze %dma_wait3A_48 : memref<1x40x128xi32, #tpu.memory_space<hbm>> -> memref<40x128xi32, #tpu.memory_space<hbm>>
      tpu.wait_dma2 semaphore(%run_scoped3A : memref<!tpu.dma_semaphore, #tpu.memory_space<semaphore_mem>>) src(%dma_wait3A_49 : memref<40x128xi32, #tpu.memory_space<hbm>>) dst(%arg5 : memref<40x128xi32, #tpu.memory_space<vmem>>)
      tpu.yield
    }) : () -> ()
    %scan3A_27 = arith.constant 0 : i32
    %scan3A_28 = arith.constant 40 : i32
    %scan3A_29 = arith.addi %scan3A_27, %scan3A_28 : i32
    %scan3A_30 = arith.constant 1 : i32
    scf.for %scan3A_40 = %scan3A_27 to %scan3A_29 step %scan3A_30  : i32 {
      %mul3A_41 = arith.constant 1 : i32
      %mul3A_42 = arith.muli %scan3A_40, %mul3A_41 : i32
      %add3A_43 = arith.constant 0 : i32
      %add3A_44 = arith.addi %add3A_43, %mul3A_42 : i32
      "tpu.region"() ({
        %run_scoped3A = tpu.sem_alloc : memref<!tpu.dma_semaphore, #tpu.memory_space<semaphore_mem>>
        %dma_start3A = arith.constant 0 : i32
        %dma_start3A_45 = tpu.memref_slice %arg5[%add3A_44, %dma_start3A] : memref<40x128xi32, #tpu.memory_space<vmem>> -> memref<1x128xi32, #tpu.memory_space<vmem>>
        %dma_start3A_46 = tpu.memref_squeeze %dma_start3A_45 : memref<1x128xi32, #tpu.memory_space<vmem>> -> memref<128xi32, #tpu.memory_space<vmem>>
        %dma_start3A_47 = arith.constant 0 : i32
        %dma_start3A_48 = arith.constant 0 : i32
        %dma_start3A_49 = tpu.memref_slice %arg8[%dma_start3A_47, %dma_start3A_48] : memref<10240x128xf32, #tpu.memory_space<vmem_shared>> -> memref<10240x128xf32, #tpu.memory_space<vmem_shared>>
        tpu.enqueue_indirect_dma source(%arg6 : memref<128x128xf32, #tpu.memory_space<vmem>>) target(%dma_start3A_49 : memref<10240x128xf32, #tpu.memory_space<vmem_shared>>) offsets(%dma_start3A_46 : memref<128xi32, #tpu.memory_space<vmem>>) semaphore(%run_scoped3A : memref<!tpu.dma_semaphore, #tpu.memory_space<semaphore_mem>>) {add = true}
        %dma_wait3A = arith.constant 0 : i32
        %dma_wait3A_50 = tpu.memref_slice %arg5[%add3A_44, %dma_wait3A] : memref<40x128xi32, #tpu.memory_space<vmem>> -> memref<1x128xi32, #tpu.memory_space<vmem>>
        %dma_wait3A_51 = tpu.memref_squeeze %dma_wait3A_50 : memref<1x128xi32, #tpu.memory_space<vmem>> -> memref<128xi32, #tpu.memory_space<vmem>>
        %dma_wait3A_52 = arith.constant 0 : i32
        %dma_wait3A_53 = arith.constant 0 : i32
        %dma_wait3A_54 = tpu.memref_slice %arg8[%dma_wait3A_52, %dma_wait3A_53] : memref<10240x128xf32, #tpu.memory_space<vmem_shared>> -> memref<10240x128xf32, #tpu.memory_space<vmem_shared>>
        tpu.wait_indirect_dma semaphore(%run_scoped3A : memref<!tpu.dma_semaphore, #tpu.memory_space<semaphore_mem>>) src(%arg6 : memref<128x128xf32, #tpu.memory_space<vmem>>) dst(%dma_wait3A_54 : memref<10240x128xf32, #tpu.memory_space<vmem_shared>>)
        tpu.yield
      }) : () -> ()
    }
    %scan3A_31 = arith.constant 40 : i32
    %barrier3A_32 = arith.constant 0 : index
    tpu.barrier barrier_id(%barrier3A_32)
    %mul3A_33 = arith.constant 640 : i32
    %mul3A_34 = arith.muli %arg1, %mul3A_33 : i32
    %scan3A_35 = arith.constant 0 : i32
    %scan3A_36 = arith.constant 10 : i32
    %scan3A_37 = arith.addi %scan3A_35, %scan3A_36 : i32
    %scan3A_38 = arith.constant 1 : i32
    scf.for %scan3A_40 = %scan3A_35 to %scan3A_37 step %scan3A_38  : i32 {
      %mul3A_41 = arith.constant 1 : i32
      %mul3A_42 = arith.muli %scan3A_40, %mul3A_41 : i32
      %add3A_43 = arith.constant 0 : i32
      %add3A_44 = arith.addi %add3A_43, %mul3A_42 : i32
      %mul3A_45 = arith.constant 64 : i32
      %mul3A_46 = arith.muli %add3A_44, %mul3A_45 : i32
      %add3A_47 = arith.addi %mul3A_34, %mul3A_46 : i32
      %mul3A_48 = arith.constant 64 : i32
      %mul3A_49 = arith.muli %add3A_44, %mul3A_48 : i32
      %add3A_50 = arith.addi %mul3A_34, %mul3A_49 : i32
      "tpu.region"() ({
        %run_scoped3A = tpu.sem_alloc : memref<!tpu.dma_semaphore, #tpu.memory_space<semaphore_mem>>
        %dma_start3A = arith.constant 0 : i32
        %dma_start3A_51 = tpu.memref_slice %arg3[%arg0, %add3A_50, %dma_start3A] : memref<2x10240x128xf32, #tpu.memory_space<hbm>> -> memref<1x64x128xf32, #tpu.memory_space<hbm>>
        %dma_start3A_52 = tpu.memref_squeeze %dma_start3A_51 : memref<1x64x128xf32, #tpu.memory_space<hbm>> -> memref<64x128xf32, #tpu.memory_space<hbm>>
        %dma_start3A_53 = arith.constant 0 : i32
        %dma_start3A_54 = tpu.memref_slice %arg8[%add3A_47, %dma_start3A_53] : memref<10240x128xf32, #tpu.memory_space<vmem_shared>> -> memref<64x128xf32, #tpu.memory_space<vmem_shared>>
        tpu.enqueue_dma source(%dma_start3A_54 : memref<64x128xf32, #tpu.memory_space<vmem_shared>>) target(%dma_start3A_52 : memref<64x128xf32, #tpu.memory_space<hbm>>) target_semaphore(%run_scoped3A : memref<!tpu.dma_semaphore, #tpu.memory_space<semaphore_mem>>)
        %dma_wait3A = arith.constant 0 : i32
        %dma_wait3A_55 = tpu.memref_slice %arg3[%arg0, %add3A_50, %dma_wait3A] : memref<2x10240x128xf32, #tpu.memory_space<hbm>> -> memref<1x64x128xf32, #tpu.memory_space<hbm>>
        %dma_wait3A_56 = tpu.memref_squeeze %dma_wait3A_55 : memref<1x64x128xf32, #tpu.memory_space<hbm>> -> memref<64x128xf32, #tpu.memory_space<hbm>>
        %dma_wait3A_57 = arith.constant 0 : i32
        %dma_wait3A_58 = tpu.memref_slice %arg8[%add3A_47, %dma_wait3A_57] : memref<10240x128xf32, #tpu.memory_space<vmem_shared>> -> memref<64x128xf32, #tpu.memory_space<vmem_shared>>
        tpu.wait_dma2 semaphore(%run_scoped3A : memref<!tpu.dma_semaphore, #tpu.memory_space<semaphore_mem>>) src(%dma_wait3A_58 : memref<64x128xf32, #tpu.memory_space<vmem_shared>>) dst(%dma_wait3A_56 : memref<64x128xf32, #tpu.memory_space<hbm>>)
        tpu.yield
      }) : () -> ()
    }
    %scan3A_39 = arith.constant 10 : i32
    return
  }
}

#map = affine_map<(d0, d1) -> (0, 0)>
#map1 = affine_map<(d0, d1) -> (0, 0, 0)>
module attributes {stable_mosaic.version = 14 : i64} {
  func.func @new_body(%arg0: i32, %arg1: i32, %arg2: memref<10000x128xf32, #tpu.memory_space<hbm>>, %arg3: memref<16x160x128xi32, #tpu.memory_space<hbm>>, %arg4: memref<16x160x128xi32, #tpu.memory_space<hbm>>, %arg5: memref<2x10240x128xf32, #tpu.memory_space<hbm>>, %arg6: memref<2x10240x128xf32, #tpu.memory_space<hbm>>, %arg7: memref<40x128xi32, #tpu.memory_space<vmem>>, %arg8: memref<40x128xi32, #tpu.memory_space<vmem>>, %arg9: memref<32x128xf32, #tpu.memory_space<vmem>>, %arg10: memref<10240x128xf32, #tpu.memory_space<vmem_shared>>, %arg11: memref<128x128xf32, #tpu.memory_space<vmem>>, %arg12: memref<128x128xf32, #tpu.memory_space<vmem>>, %arg13: memref<!tpu.dma_semaphore, #tpu.memory_space<semaphore_mem>>, %arg14: memref<!tpu.dma_semaphore, #tpu.memory_space<semaphore_mem>>) attributes {dimension_semantics = [#tpu.dimension_semantics<core_parallel>, #tpu.dimension_semantics<subcore_parallel>], iteration_bounds = array<i64: 2, 16>, scalar_prefetch = 0 : i64, scratch_operands = 8 : i64, tpu.core_type = #tpu.core_type<sc_vector_subcore>, window_params = [{transform_indices = #map}, {transform_indices = #map1}, {transform_indices = #map1}, {transform_indices = #map1}, {transform_indices = #map1}]} {
    %scan3A = arith.constant 0 : i32
    %scan3A_0 = arith.constant 32 : i32
    %scan3A_1 = arith.addi %scan3A, %scan3A_0 : i32
    %scan3A_2 = arith.constant 1 : i32
    scf.for %scan3A_62 = %scan3A to %scan3A_1 step %scan3A_2  : i32 {
      %mul3A_63 = arith.constant 1 : i32
      %mul3A_64 = arith.muli %scan3A_62, %mul3A_63 : i32
      %add3A_65 = arith.constant 0 : i32
      %add3A_66 = arith.addi %add3A_65, %mul3A_64 : i32
      %scan3A_67 = arith.constant 0 : i32
      %scan3A_68 = arith.constant 8 : i32
      %scan3A_69 = arith.addi %scan3A_67, %scan3A_68 : i32
      %scan3A_70 = arith.constant 1 : i32
      scf.for %scan3A_72 = %scan3A_67 to %scan3A_69 step %scan3A_70  : i32 {
        %mul3A_73 = arith.constant 1 : i32
        %mul3A_74 = arith.muli %scan3A_72, %mul3A_73 : i32
        %add3A_75 = arith.constant 0 : i32
        %add3A_76 = arith.addi %add3A_75, %mul3A_74 : i32
        %broadcast_in_dim3A = arith.constant 0.000000e+00 : f32
        %broadcast_in_dim3A_77 = vector.broadcast %broadcast_in_dim3A : f32 to vector<16xf32>
        %mul3A_78 = arith.constant 16 : i32
        %mul3A_79 = arith.muli %add3A_76, %mul3A_78 : i32
        %swap3A = arith.index_cast %add3A_66 : i32 to index
        %swap3A_80 = arith.index_cast %mul3A_79 : i32 to index
        %swap3A_81 = tpu.vector_load %arg9[%swap3A, %swap3A_80] {strides = array<i32>} : memref<32x128xf32, #tpu.memory_space<vmem>>, vector<1x16xf32>,
        %swap3A_82 = vector.shape_cast %swap3A_81 : vector<1x16xf32> to vector<16xf32>
        %swap3A_83 = vector.shape_cast %broadcast_in_dim3A_77 : vector<16xf32> to vector<1x16xf32>
        tpu.vector_store %arg9[%swap3A, %swap3A_80], %swap3A_83 {strides = array<i32>} : memref<32x128xf32, #tpu.memory_space<vmem>>, vector<1x16xf32>,
      }
      %scan3A_71 = arith.constant 8 : i32
    }
    %scan3A_3 = arith.constant 32 : i32
    %mul3A = arith.constant 640 : i32
    %mul3A_4 = arith.muli %arg1, %mul3A : i32
    %scan3A_5 = arith.constant 0 : i32
    %scan3A_6 = arith.constant 20 : i32
    %scan3A_7 = arith.addi %scan3A_5, %scan3A_6 : i32
    %scan3A_8 = arith.constant 1 : i32
    scf.for %scan3A_62 = %scan3A_5 to %scan3A_7 step %scan3A_8  : i32 {
      %mul3A_63 = arith.constant 1 : i32
      %mul3A_64 = arith.muli %scan3A_62, %mul3A_63 : i32
      %add3A_65 = arith.constant 0 : i32
      %add3A_66 = arith.addi %add3A_65, %mul3A_64 : i32
      %mul3A_67 = arith.constant 32 : i32
      %mul3A_68 = arith.muli %add3A_66, %mul3A_67 : i32
      %add3A_69 = arith.addi %mul3A_4, %mul3A_68 : i32
      "tpu.region"() ({
        %run_scoped3A = tpu.sem_alloc : memref<!tpu.dma_semaphore, #tpu.memory_space<semaphore_mem>>
        %dma_start3A_70 = arith.constant 0 : i32
        %dma_start3A_71 = tpu.memref_slice %arg10[%add3A_69, %dma_start3A_70] : memref<10240x128xf32, #tpu.memory_space<vmem_shared>> -> memref<32x128xf32, #tpu.memory_space<vmem_shared>>
        %dma_start3A_72 = arith.constant 0 : i32
        %dma_start3A_73 = tpu.memref_slice %arg10[%add3A_69, %dma_start3A_72] : memref<10240x128xf32, #tpu.memory_space<vmem_shared>> -> memref<32x128xf32, #tpu.memory_space<vmem_shared>>
        tpu.enqueue_dma source(%arg9 : memref<32x128xf32, #tpu.memory_space<vmem>>) target(%dma_start3A_73 : memref<32x128xf32, #tpu.memory_space<vmem_shared>>) target_semaphore(%run_scoped3A : memref<!tpu.dma_semaphore, #tpu.memory_space<semaphore_mem>>)
        %dma_wait3A = arith.constant 0 : i32
        %dma_wait3A_74 = tpu.memref_slice %arg10[%add3A_69, %dma_wait3A] : memref<10240x128xf32, #tpu.memory_space<vmem_shared>> -> memref<32x128xf32, #tpu.memory_space<vmem_shared>>
        %dma_wait3A_75 = arith.constant 0 : i32
        %dma_wait3A_76 = tpu.memref_slice %arg10[%add3A_69, %dma_wait3A_75] : memref<10240x128xf32, #tpu.memory_space<vmem_shared>> -> memref<32x128xf32, #tpu.memory_space<vmem_shared>>
        tpu.wait_dma2 semaphore(%run_scoped3A : memref<!tpu.dma_semaphore, #tpu.memory_space<semaphore_mem>>) src(%arg9 : memref<32x128xf32, #tpu.memory_space<vmem>>) dst(%dma_wait3A_76 : memref<32x128xf32, #tpu.memory_space<vmem_shared>>)
        tpu.yield
      }) : () -> ()
    }
    %scan3A_9 = arith.constant 20 : i32
    %barrier3A = arith.constant 0 : index
    tpu.barrier barrier_id(%barrier3A)
    %mul3A_10 = arith.constant 80 : i32
    %mul3A_11 = arith.muli %arg0, %mul3A_10 : i32
    %add3A = arith.constant 0 : i32
    %add3A_12 = arith.addi %mul3A_11, %add3A : i32
    "tpu.region"() ({
      %run_scoped3A = tpu.sem_alloc : memref<!tpu.dma_semaphore, #tpu.memory_space<semaphore_mem>>
      %dma_start3A_62 = arith.constant 0 : i32
      %dma_start3A_63 = tpu.memref_slice %arg3[%arg1, %add3A_12, %dma_start3A_62] : memref<16x160x128xi32, #tpu.memory_space<hbm>> -> memref<1x40x128xi32, #tpu.memory_space<hbm>>
      %dma_start3A_64 = tpu.memref_squeeze %dma_start3A_63 : memref<1x40x128xi32, #tpu.memory_space<hbm>> -> memref<40x128xi32, #tpu.memory_space<hbm>>
      %dma_start3A_65 = arith.constant 0 : i32
      %dma_start3A_66 = tpu.memref_slice %arg3[%arg1, %add3A_12, %dma_start3A_65] : memref<16x160x128xi32, #tpu.memory_space<hbm>> -> memref<1x40x128xi32, #tpu.memory_space<hbm>>
      %dma_start3A_67 = tpu.memref_squeeze %dma_start3A_66 : memref<1x40x128xi32, #tpu.memory_space<hbm>> -> memref<40x128xi32, #tpu.memory_space<hbm>>
      tpu.enqueue_dma source(%dma_start3A_67 : memref<40x128xi32, #tpu.memory_space<hbm>>) target(%arg7 : memref<40x128xi32, #tpu.memory_space<vmem>>) target_semaphore(%run_scoped3A : memref<!tpu.dma_semaphore, #tpu.memory_space<semaphore_mem>>)
      %dma_wait3A = arith.constant 0 : i32
      %dma_wait3A_68 = tpu.memref_slice %arg3[%arg1, %add3A_12, %dma_wait3A] : memref<16x160x128xi32, #tpu.memory_space<hbm>> -> memref<1x40x128xi32, #tpu.memory_space<hbm>>
      %dma_wait3A_69 = tpu.memref_squeeze %dma_wait3A_68 : memref<1x40x128xi32, #tpu.memory_space<hbm>> -> memref<40x128xi32, #tpu.memory_space<hbm>>
      %dma_wait3A_70 = arith.constant 0 : i32
      %dma_wait3A_71 = tpu.memref_slice %arg3[%arg1, %add3A_12, %dma_wait3A_70] : memref<16x160x128xi32, #tpu.memory_space<hbm>> -> memref<1x40x128xi32, #tpu.memory_space<hbm>>
      %dma_wait3A_72 = tpu.memref_squeeze %dma_wait3A_71 : memref<1x40x128xi32, #tpu.memory_space<hbm>> -> memref<40x128xi32, #tpu.memory_space<hbm>>
      tpu.wait_dma2 semaphore(%run_scoped3A : memref<!tpu.dma_semaphore, #tpu.memory_space<semaphore_mem>>) src(%dma_wait3A_72 : memref<40x128xi32, #tpu.memory_space<hbm>>) dst(%arg7 : memref<40x128xi32, #tpu.memory_space<vmem>>)
      tpu.yield
    }) : () -> ()
    "tpu.region"() ({
      %run_scoped3A = tpu.sem_alloc : memref<!tpu.dma_semaphore, #tpu.memory_space<semaphore_mem>>
      %dma_start3A_62 = arith.constant 0 : i32
      %dma_start3A_63 = tpu.memref_slice %arg4[%arg1, %add3A_12, %dma_start3A_62] : memref<16x160x128xi32, #tpu.memory_space<hbm>> -> memref<1x40x128xi32, #tpu.memory_space<hbm>>
      %dma_start3A_64 = tpu.memref_squeeze %dma_start3A_63 : memref<1x40x128xi32, #tpu.memory_space<hbm>> -> memref<40x128xi32, #tpu.memory_space<hbm>>
      %dma_start3A_65 = arith.constant 0 : i32
      %dma_start3A_66 = tpu.memref_slice %arg4[%arg1, %add3A_12, %dma_start3A_65] : memref<16x160x128xi32, #tpu.memory_space<hbm>> -> memref<1x40x128xi32, #tpu.memory_space<hbm>>
      %dma_start3A_67 = tpu.memref_squeeze %dma_start3A_66 : memref<1x40x128xi32, #tpu.memory_space<hbm>> -> memref<40x128xi32, #tpu.memory_space<hbm>>
      tpu.enqueue_dma source(%dma_start3A_67 : memref<40x128xi32, #tpu.memory_space<hbm>>) target(%arg8 : memref<40x128xi32, #tpu.memory_space<vmem>>) target_semaphore(%run_scoped3A : memref<!tpu.dma_semaphore, #tpu.memory_space<semaphore_mem>>)
      %dma_wait3A = arith.constant 0 : i32
      %dma_wait3A_68 = tpu.memref_slice %arg4[%arg1, %add3A_12, %dma_wait3A] : memref<16x160x128xi32, #tpu.memory_space<hbm>> -> memref<1x40x128xi32, #tpu.memory_space<hbm>>
      %dma_wait3A_69 = tpu.memref_squeeze %dma_wait3A_68 : memref<1x40x128xi32, #tpu.memory_space<hbm>> -> memref<40x128xi32, #tpu.memory_space<hbm>>
      %dma_wait3A_70 = arith.constant 0 : i32
      %dma_wait3A_71 = tpu.memref_slice %arg4[%arg1, %add3A_12, %dma_wait3A_70] : memref<16x160x128xi32, #tpu.memory_space<hbm>> -> memref<1x40x128xi32, #tpu.memory_space<hbm>>
      %dma_wait3A_72 = tpu.memref_squeeze %dma_wait3A_71 : memref<1x40x128xi32, #tpu.memory_space<hbm>> -> memref<40x128xi32, #tpu.memory_space<hbm>>
      tpu.wait_dma2 semaphore(%run_scoped3A : memref<!tpu.dma_semaphore, #tpu.memory_space<semaphore_mem>>) src(%dma_wait3A_72 : memref<40x128xi32, #tpu.memory_space<hbm>>) dst(%arg8 : memref<40x128xi32, #tpu.memory_space<vmem>>)
      tpu.yield
    }) : () -> ()
    %dma_start3A = arith.constant 0 : i32
    %dma_start3A_13 = arith.constant 0 : i32
    %dma_start3A_14 = tpu.memref_slice %arg7[%dma_start3A, %dma_start3A_13] : memref<40x128xi32, #tpu.memory_space<vmem>> -> memref<1x128xi32, #tpu.memory_space<vmem>>
    %dma_start3A_15 = tpu.memref_squeeze %dma_start3A_14 : memref<1x128xi32, #tpu.memory_space<vmem>> -> memref<128xi32, #tpu.memory_space<vmem>>
    %dma_start3A_16 = arith.constant 0 : i32
    %dma_start3A_17 = arith.constant 0 : i32
    %dma_start3A_18 = tpu.memref_slice %arg2[%dma_start3A_16, %dma_start3A_17] : memref<10000x128xf32, #tpu.memory_space<hbm>> -> memref<10000x128xf32, #tpu.memory_space<hbm>>
    tpu.enqueue_indirect_dma source(%dma_start3A_18 : memref<10000x128xf32, #tpu.memory_space<hbm>>) target(%arg11 : memref<128x128xf32, #tpu.memory_space<vmem>>) offsets(%dma_start3A_15 : memref<128xi32, #tpu.memory_space<vmem>>) semaphore(%arg13 : memref<!tpu.dma_semaphore, #tpu.memory_space<semaphore_mem>>)
    %dma_start3A_19 = arith.constant 1 : i32
    %dma_start3A_20 = arith.constant 0 : i32
    %dma_start3A_21 = tpu.memref_slice %arg7[%dma_start3A_19, %dma_start3A_20] : memref<40x128xi32, #tpu.memory_space<vmem>> -> memref<1x128xi32, #tpu.memory_space<vmem>>
    %dma_start3A_22 = tpu.memref_squeeze %dma_start3A_21 : memref<1x128xi32, #tpu.memory_space<vmem>> -> memref<128xi32, #tpu.memory_space<vmem>>
    %dma_start3A_23 = arith.constant 0 : i32
    %dma_start3A_24 = arith.constant 0 : i32
    %dma_start3A_25 = tpu.memref_slice %arg2[%dma_start3A_23, %dma_start3A_24] : memref<10000x128xf32, #tpu.memory_space<hbm>> -> memref<10000x128xf32, #tpu.memory_space<hbm>>
    tpu.enqueue_indirect_dma source(%dma_start3A_25 : memref<10000x128xf32, #tpu.memory_space<hbm>>) target(%arg12 : memref<128x128xf32, #tpu.memory_space<vmem>>) offsets(%dma_start3A_22 : memref<128xi32, #tpu.memory_space<vmem>>) semaphore(%arg14 : memref<!tpu.dma_semaphore, #tpu.memory_space<semaphore_mem>>)
    %scan3A_26 = arith.constant 0 : i32
    %scan3A_27 = arith.constant 20 : i32
    %scan3A_28 = arith.addi %scan3A_26, %scan3A_27 : i32
    %scan3A_29 = arith.constant 1 : i32
    scf.for %scan3A_62 = %scan3A_26 to %scan3A_28 step %scan3A_29  : i32 {
      %mul3A_63 = arith.constant 1 : i32
      %mul3A_64 = arith.muli %scan3A_62, %mul3A_63 : i32
      %add3A_65 = arith.constant 0 : i32
      %add3A_66 = arith.addi %add3A_65, %mul3A_64 : i32
      %mul3A_67 = arith.constant 2 : i32
      %mul3A_68 = arith.muli %mul3A_67, %add3A_66 : i32
      %add3A_69 = arith.constant 0 : i32
      %add3A_70 = arith.addi %mul3A_68, %add3A_69 : i32
      %dma_wait3A = arith.constant 0 : i32
      %dma_wait3A_71 = tpu.memref_slice %arg7[%add3A_70, %dma_wait3A] : memref<40x128xi32, #tpu.memory_space<vmem>> -> memref<1x128xi32, #tpu.memory_space<vmem>>
      %dma_wait3A_72 = tpu.memref_squeeze %dma_wait3A_71 : memref<1x128xi32, #tpu.memory_space<vmem>> -> memref<128xi32, #tpu.memory_space<vmem>>
      %dma_wait3A_73 = arith.constant 0 : i32
      %dma_wait3A_74 = arith.constant 0 : i32
      %dma_wait3A_75 = tpu.memref_slice %arg2[%dma_wait3A_73, %dma_wait3A_74] : memref<10000x128xf32, #tpu.memory_space<hbm>> -> memref<10000x128xf32, #tpu.memory_space<hbm>>
      tpu.wait_indirect_dma semaphore(%arg13 : memref<!tpu.dma_semaphore, #tpu.memory_space<semaphore_mem>>) src(%dma_wait3A_75 : memref<10000x128xf32, #tpu.memory_space<hbm>>) dst(%arg11 : memref<128x128xf32, #tpu.memory_space<vmem>>)
      "tpu.region"() ({
        %run_scoped3A = tpu.sem_alloc : memref<!tpu.dma_semaphore, #tpu.memory_space<semaphore_mem>>
        %dma_start3A_95 = arith.constant 0 : i32
        %dma_start3A_96 = tpu.memref_slice %arg8[%add3A_70, %dma_start3A_95] : memref<40x128xi32, #tpu.memory_space<vmem>> -> memref<1x128xi32, #tpu.memory_space<vmem>>
        %dma_start3A_97 = tpu.memref_squeeze %dma_start3A_96 : memref<1x128xi32, #tpu.memory_space<vmem>> -> memref<128xi32, #tpu.memory_space<vmem>>
        %dma_start3A_98 = arith.constant 0 : i32
        %dma_start3A_99 = arith.constant 0 : i32
        %dma_start3A_100 = tpu.memref_slice %arg10[%dma_start3A_98, %dma_start3A_99] : memref<10240x128xf32, #tpu.memory_space<vmem_shared>> -> memref<10240x128xf32, #tpu.memory_space<vmem_shared>>
        tpu.enqueue_indirect_dma source(%arg11 : memref<128x128xf32, #tpu.memory_space<vmem>>) target(%dma_start3A_100 : memref<10240x128xf32, #tpu.memory_space<vmem_shared>>) offsets(%dma_start3A_97 : memref<128xi32, #tpu.memory_space<vmem>>) semaphore(%run_scoped3A : memref<!tpu.dma_semaphore, #tpu.memory_space<semaphore_mem>>) {add = true}
        %dma_wait3A_101 = arith.constant 0 : i32
        %dma_wait3A_102 = tpu.memref_slice %arg8[%add3A_70, %dma_wait3A_101] : memref<40x128xi32, #tpu.memory_space<vmem>> -> memref<1x128xi32, #tpu.memory_space<vmem>>
        %dma_wait3A_103 = tpu.memref_squeeze %dma_wait3A_102 : memref<1x128xi32, #tpu.memory_space<vmem>> -> memref<128xi32, #tpu.memory_space<vmem>>
        %dma_wait3A_104 = arith.constant 0 : i32
        %dma_wait3A_105 = arith.constant 0 : i32
        %dma_wait3A_106 = tpu.memref_slice %arg10[%dma_wait3A_104, %dma_wait3A_105] : memref<10240x128xf32, #tpu.memory_space<vmem_shared>> -> memref<10240x128xf32, #tpu.memory_space<vmem_shared>>
        tpu.wait_indirect_dma semaphore(%run_scoped3A : memref<!tpu.dma_semaphore, #tpu.memory_space<semaphore_mem>>) src(%arg11 : memref<128x128xf32, #tpu.memory_space<vmem>>) dst(%dma_wait3A_106 : memref<10240x128xf32, #tpu.memory_space<vmem_shared>>)
        tpu.yield
      }) : () -> ()
      %add3A_76 = arith.constant 2 : i32
      %add3A_77 = arith.addi %add3A_70, %add3A_76 : i32
      %lt3A = arith.constant 40 : i32
      %lt3A_78 = arith.cmpi slt, %add3A_77, %lt3A : i32
      %convert_element_type3A = arith.extui %lt3A_78 : i1 to i32
      %cond3A = arith.constant 0 : i32
      %cond3A_79 = arith.cmpi ne, %convert_element_type3A, %cond3A : i32
      scf.if %cond3A_79 {
        %add3A_95 = arith.constant 2 : i32
        %add3A_96 = arith.addi %add3A_70, %add3A_95 : i32
        %dma_start3A_97 = arith.constant 0 : i32
        %dma_start3A_98 = tpu.memref_slice %arg7[%add3A_96, %dma_start3A_97] : memref<40x128xi32, #tpu.memory_space<vmem>> -> memref<1x128xi32, #tpu.memory_space<vmem>>
        %dma_start3A_99 = tpu.memref_squeeze %dma_start3A_98 : memref<1x128xi32, #tpu.memory_space<vmem>> -> memref<128xi32, #tpu.memory_space<vmem>>
        %dma_start3A_100 = arith.constant 0 : i32
        %dma_start3A_101 = arith.constant 0 : i32
        %dma_start3A_102 = tpu.memref_slice %arg2[%dma_start3A_100, %dma_start3A_101] : memref<10000x128xf32, #tpu.memory_space<hbm>> -> memref<10000x128xf32, #tpu.memory_space<hbm>>
        tpu.enqueue_indirect_dma source(%dma_start3A_102 : memref<10000x128xf32, #tpu.memory_space<hbm>>) target(%arg11 : memref<128x128xf32, #tpu.memory_space<vmem>>) offsets(%dma_start3A_99 : memref<128xi32, #tpu.memory_space<vmem>>) semaphore(%arg13 : memref<!tpu.dma_semaphore, #tpu.memory_space<semaphore_mem>>)
      } else {
      }
      %add3A_80 = arith.constant 1 : i32
      %add3A_81 = arith.addi %mul3A_68, %add3A_80 : i32
      %dma_wait3A_82 = arith.constant 0 : i32
      %dma_wait3A_83 = tpu.memref_slice %arg7[%add3A_81, %dma_wait3A_82] : memref<40x128xi32, #tpu.memory_space<vmem>> -> memref<1x128xi32, #tpu.memory_space<vmem>>
      %dma_wait3A_84 = tpu.memref_squeeze %dma_wait3A_83 : memref<1x128xi32, #tpu.memory_space<vmem>> -> memref<128xi32, #tpu.memory_space<vmem>>
      %dma_wait3A_85 = arith.constant 0 : i32
      %dma_wait3A_86 = arith.constant 0 : i32
      %dma_wait3A_87 = tpu.memref_slice %arg2[%dma_wait3A_85, %dma_wait3A_86] : memref<10000x128xf32, #tpu.memory_space<hbm>> -> memref<10000x128xf32, #tpu.memory_space<hbm>>
      tpu.wait_indirect_dma semaphore(%arg14 : memref<!tpu.dma_semaphore, #tpu.memory_space<semaphore_mem>>) src(%dma_wait3A_87 : memref<10000x128xf32, #tpu.memory_space<hbm>>) dst(%arg12 : memref<128x128xf32, #tpu.memory_space<vmem>>)
      "tpu.region"() ({
        %run_scoped3A = tpu.sem_alloc : memref<!tpu.dma_semaphore, #tpu.memory_space<semaphore_mem>>
        %dma_start3A_95 = arith.constant 0 : i32
        %dma_start3A_96 = tpu.memref_slice %arg8[%add3A_81, %dma_start3A_95] : memref<40x128xi32, #tpu.memory_space<vmem>> -> memref<1x128xi32, #tpu.memory_space<vmem>>
        %dma_start3A_97 = tpu.memref_squeeze %dma_start3A_96 : memref<1x128xi32, #tpu.memory_space<vmem>> -> memref<128xi32, #tpu.memory_space<vmem>>
        %dma_start3A_98 = arith.constant 0 : i32
        %dma_start3A_99 = arith.constant 0 : i32
        %dma_start3A_100 = tpu.memref_slice %arg10[%dma_start3A_98, %dma_start3A_99] : memref<10240x128xf32, #tpu.memory_space<vmem_shared>> -> memref<10240x128xf32, #tpu.memory_space<vmem_shared>>
        tpu.enqueue_indirect_dma source(%arg12 : memref<128x128xf32, #tpu.memory_space<vmem>>) target(%dma_start3A_100 : memref<10240x128xf32, #tpu.memory_space<vmem_shared>>) offsets(%dma_start3A_97 : memref<128xi32, #tpu.memory_space<vmem>>) semaphore(%run_scoped3A : memref<!tpu.dma_semaphore, #tpu.memory_space<semaphore_mem>>) {add = true}
        %dma_wait3A_101 = arith.constant 0 : i32
        %dma_wait3A_102 = tpu.memref_slice %arg8[%add3A_81, %dma_wait3A_101] : memref<40x128xi32, #tpu.memory_space<vmem>> -> memref<1x128xi32, #tpu.memory_space<vmem>>
        %dma_wait3A_103 = tpu.memref_squeeze %dma_wait3A_102 : memref<1x128xi32, #tpu.memory_space<vmem>> -> memref<128xi32, #tpu.memory_space<vmem>>
        %dma_wait3A_104 = arith.constant 0 : i32
        %dma_wait3A_105 = arith.constant 0 : i32
        %dma_wait3A_106 = tpu.memref_slice %arg10[%dma_wait3A_104, %dma_wait3A_105] : memref<10240x128xf32, #tpu.memory_space<vmem_shared>> -> memref<10240x128xf32, #tpu.memory_space<vmem_shared>>
        tpu.wait_indirect_dma semaphore(%run_scoped3A : memref<!tpu.dma_semaphore, #tpu.memory_space<semaphore_mem>>) src(%arg12 : memref<128x128xf32, #tpu.memory_space<vmem>>) dst(%dma_wait3A_106 : memref<10240x128xf32, #tpu.memory_space<vmem_shared>>)
        tpu.yield
      }) : () -> ()
      %add3A_88 = arith.constant 2 : i32
      %add3A_89 = arith.addi %add3A_81, %add3A_88 : i32
      %lt3A_90 = arith.constant 40 : i32
      %lt3A_91 = arith.cmpi slt, %add3A_89, %lt3A_90 : i32
      %convert_element_type3A_92 = arith.extui %lt3A_91 : i1 to i32
      %cond3A_93 = arith.constant 0 : i32
      %cond3A_94 = arith.cmpi ne, %convert_element_type3A_92, %cond3A_93 : i32
      scf.if %cond3A_94 {
        %add3A_95 = arith.constant 2 : i32
        %add3A_96 = arith.addi %add3A_81, %add3A_95 : i32
        %dma_start3A_97 = arith.constant 0 : i32
        %dma_start3A_98 = tpu.memref_slice %arg7[%add3A_96, %dma_start3A_97] : memref<40x128xi32, #tpu.memory_space<vmem>> -> memref<1x128xi32, #tpu.memory_space<vmem>>
        %dma_start3A_99 = tpu.memref_squeeze %dma_start3A_98 : memref<1x128xi32, #tpu.memory_space<vmem>> -> memref<128xi32, #tpu.memory_space<vmem>>
        %dma_start3A_100 = arith.constant 0 : i32
        %dma_start3A_101 = arith.constant 0 : i32
        %dma_start3A_102 = tpu.memref_slice %arg2[%dma_start3A_100, %dma_start3A_101] : memref<10000x128xf32, #tpu.memory_space<hbm>> -> memref<10000x128xf32, #tpu.memory_space<hbm>>
        tpu.enqueue_indirect_dma source(%dma_start3A_102 : memref<10000x128xf32, #tpu.memory_space<hbm>>) target(%arg12 : memref<128x128xf32, #tpu.memory_space<vmem>>) offsets(%dma_start3A_99 : memref<128xi32, #tpu.memory_space<vmem>>) semaphore(%arg14 : memref<!tpu.dma_semaphore, #tpu.memory_space<semaphore_mem>>)
      } else {
      }
    }
    %scan3A_30 = arith.constant 20 : i32
    %mul3A_31 = arith.constant 80 : i32
    %mul3A_32 = arith.muli %arg0, %mul3A_31 : i32
    %add3A_33 = arith.constant 40 : i32
    %add3A_34 = arith.addi %mul3A_32, %add3A_33 : i32
    "tpu.region"() ({
      %run_scoped3A = tpu.sem_alloc : memref<!tpu.dma_semaphore, #tpu.memory_space<semaphore_mem>>
      %dma_start3A_62 = arith.constant 0 : i32
      %dma_start3A_63 = tpu.memref_slice %arg3[%arg1, %add3A_34, %dma_start3A_62] : memref<16x160x128xi32, #tpu.memory_space<hbm>> -> memref<1x40x128xi32, #tpu.memory_space<hbm>>
      %dma_start3A_64 = tpu.memref_squeeze %dma_start3A_63 : memref<1x40x128xi32, #tpu.memory_space<hbm>> -> memref<40x128xi32, #tpu.memory_space<hbm>>
      %dma_start3A_65 = arith.constant 0 : i32
      %dma_start3A_66 = tpu.memref_slice %arg3[%arg1, %add3A_34, %dma_start3A_65] : memref<16x160x128xi32, #tpu.memory_space<hbm>> -> memref<1x40x128xi32, #tpu.memory_space<hbm>>
      %dma_start3A_67 = tpu.memref_squeeze %dma_start3A_66 : memref<1x40x128xi32, #tpu.memory_space<hbm>> -> memref<40x128xi32, #tpu.memory_space<hbm>>
      tpu.enqueue_dma source(%dma_start3A_67 : memref<40x128xi32, #tpu.memory_space<hbm>>) target(%arg7 : memref<40x128xi32, #tpu.memory_space<vmem>>) target_semaphore(%run_scoped3A : memref<!tpu.dma_semaphore, #tpu.memory_space<semaphore_mem>>)
      %dma_wait3A = arith.constant 0 : i32
      %dma_wait3A_68 = tpu.memref_slice %arg3[%arg1, %add3A_34, %dma_wait3A] : memref<16x160x128xi32, #tpu.memory_space<hbm>> -> memref<1x40x128xi32, #tpu.memory_space<hbm>>
      %dma_wait3A_69 = tpu.memref_squeeze %dma_wait3A_68 : memref<1x40x128xi32, #tpu.memory_space<hbm>> -> memref<40x128xi32, #tpu.memory_space<hbm>>
      %dma_wait3A_70 = arith.constant 0 : i32
      %dma_wait3A_71 = tpu.memref_slice %arg3[%arg1, %add3A_34, %dma_wait3A_70] : memref<16x160x128xi32, #tpu.memory_space<hbm>> -> memref<1x40x128xi32, #tpu.memory_space<hbm>>
      %dma_wait3A_72 = tpu.memref_squeeze %dma_wait3A_71 : memref<1x40x128xi32, #tpu.memory_space<hbm>> -> memref<40x128xi32, #tpu.memory_space<hbm>>
      tpu.wait_dma2 semaphore(%run_scoped3A : memref<!tpu.dma_semaphore, #tpu.memory_space<semaphore_mem>>) src(%dma_wait3A_72 : memref<40x128xi32, #tpu.memory_space<hbm>>) dst(%arg7 : memref<40x128xi32, #tpu.memory_space<vmem>>)
      tpu.yield
    }) : () -> ()
    "tpu.region"() ({
      %run_scoped3A = tpu.sem_alloc : memref<!tpu.dma_semaphore, #tpu.memory_space<semaphore_mem>>
      %dma_start3A_62 = arith.constant 0 : i32
      %dma_start3A_63 = tpu.memref_slice %arg4[%arg1, %add3A_34, %dma_start3A_62] : memref<16x160x128xi32, #tpu.memory_space<hbm>> -> memref<1x40x128xi32, #tpu.memory_space<hbm>>
      %dma_start3A_64 = tpu.memref_squeeze %dma_start3A_63 : memref<1x40x128xi32, #tpu.memory_space<hbm>> -> memref<40x128xi32, #tpu.memory_space<hbm>>
      %dma_start3A_65 = arith.constant 0 : i32
      %dma_start3A_66 = tpu.memref_slice %arg4[%arg1, %add3A_34, %dma_start3A_65] : memref<16x160x128xi32, #tpu.memory_space<hbm>> -> memref<1x40x128xi32, #tpu.memory_space<hbm>>
      %dma_start3A_67 = tpu.memref_squeeze %dma_start3A_66 : memref<1x40x128xi32, #tpu.memory_space<hbm>> -> memref<40x128xi32, #tpu.memory_space<hbm>>
      tpu.enqueue_dma source(%dma_start3A_67 : memref<40x128xi32, #tpu.memory_space<hbm>>) target(%arg8 : memref<40x128xi32, #tpu.memory_space<vmem>>) target_semaphore(%run_scoped3A : memref<!tpu.dma_semaphore, #tpu.memory_space<semaphore_mem>>)
      %dma_wait3A = arith.constant 0 : i32
      %dma_wait3A_68 = tpu.memref_slice %arg4[%arg1, %add3A_34, %dma_wait3A] : memref<16x160x128xi32, #tpu.memory_space<hbm>> -> memref<1x40x128xi32, #tpu.memory_space<hbm>>
      %dma_wait3A_69 = tpu.memref_squeeze %dma_wait3A_68 : memref<1x40x128xi32, #tpu.memory_space<hbm>> -> memref<40x128xi32, #tpu.memory_space<hbm>>
      %dma_wait3A_70 = arith.constant 0 : i32
      %dma_wait3A_71 = tpu.memref_slice %arg4[%arg1, %add3A_34, %dma_wait3A_70] : memref<16x160x128xi32, #tpu.memory_space<hbm>> -> memref<1x40x128xi32, #tpu.memory_space<hbm>>
      %dma_wait3A_72 = tpu.memref_squeeze %dma_wait3A_71 : memref<1x40x128xi32, #tpu.memory_space<hbm>> -> memref<40x128xi32, #tpu.memory_space<hbm>>
      tpu.wait_dma2 semaphore(%run_scoped3A : memref<!tpu.dma_semaphore, #tpu.memory_space<semaphore_mem>>) src(%dma_wait3A_72 : memref<40x128xi32, #tpu.memory_space<hbm>>) dst(%arg8 : memref<40x128xi32, #tpu.memory_space<vmem>>)
      tpu.yield
    }) : () -> ()
    %dma_start3A_35 = arith.constant 0 : i32
    %dma_start3A_36 = arith.constant 0 : i32
    %dma_start3A_37 = tpu.memref_slice %arg7[%dma_start3A_35, %dma_start3A_36] : memref<40x128xi32, #tpu.memory_space<vmem>> -> memref<1x128xi32, #tpu.memory_space<vmem>>
    %dma_start3A_38 = tpu.memref_squeeze %dma_start3A_37 : memref<1x128xi32, #tpu.memory_space<vmem>> -> memref<128xi32, #tpu.memory_space<vmem>>
    %dma_start3A_39 = arith.constant 0 : i32
    %dma_start3A_40 = arith.constant 0 : i32
    %dma_start3A_41 = tpu.memref_slice %arg2[%dma_start3A_39, %dma_start3A_40] : memref<10000x128xf32, #tpu.memory_space<hbm>> -> memref<10000x128xf32, #tpu.memory_space<hbm>>
    tpu.enqueue_indirect_dma source(%dma_start3A_41 : memref<10000x128xf32, #tpu.memory_space<hbm>>) target(%arg11 : memref<128x128xf32, #tpu.memory_space<vmem>>) offsets(%dma_start3A_38 : memref<128xi32, #tpu.memory_space<vmem>>) semaphore(%arg13 : memref<!tpu.dma_semaphore, #tpu.memory_space<semaphore_mem>>)
    %dma_start3A_42 = arith.constant 1 : i32
    %dma_start3A_43 = arith.constant 0 : i32
    %dma_start3A_44 = tpu.memref_slice %arg7[%dma_start3A_42, %dma_start3A_43] : memref<40x128xi32, #tpu.memory_space<vmem>> -> memref<1x128xi32, #tpu.memory_space<vmem>>
    %dma_start3A_45 = tpu.memref_squeeze %dma_start3A_44 : memref<1x128xi32, #tpu.memory_space<vmem>> -> memref<128xi32, #tpu.memory_space<vmem>>
    %dma_start3A_46 = arith.constant 0 : i32
    %dma_start3A_47 = arith.constant 0 : i32
    %dma_start3A_48 = tpu.memref_slice %arg2[%dma_start3A_46, %dma_start3A_47] : memref<10000x128xf32, #tpu.memory_space<hbm>> -> memref<10000x128xf32, #tpu.memory_space<hbm>>
    tpu.enqueue_indirect_dma source(%dma_start3A_48 : memref<10000x128xf32, #tpu.memory_space<hbm>>) target(%arg12 : memref<128x128xf32, #tpu.memory_space<vmem>>) offsets(%dma_start3A_45 : memref<128xi32, #tpu.memory_space<vmem>>) semaphore(%arg14 : memref<!tpu.dma_semaphore, #tpu.memory_space<semaphore_mem>>)
    %scan3A_49 = arith.constant 0 : i32
    %scan3A_50 = arith.constant 20 : i32
    %scan3A_51 = arith.addi %scan3A_49, %scan3A_50 : i32
    %scan3A_52 = arith.constant 1 : i32
    scf.for %scan3A_62 = %scan3A_49 to %scan3A_51 step %scan3A_52  : i32 {
      %mul3A_63 = arith.constant 1 : i32
      %mul3A_64 = arith.muli %scan3A_62, %mul3A_63 : i32
      %add3A_65 = arith.constant 0 : i32
      %add3A_66 = arith.addi %add3A_65, %mul3A_64 : i32
      %mul3A_67 = arith.constant 2 : i32
      %mul3A_68 = arith.muli %mul3A_67, %add3A_66 : i32
      %add3A_69 = arith.constant 0 : i32
      %add3A_70 = arith.addi %mul3A_68, %add3A_69 : i32
      %dma_wait3A = arith.constant 0 : i32
      %dma_wait3A_71 = tpu.memref_slice %arg7[%add3A_70, %dma_wait3A] : memref<40x128xi32, #tpu.memory_space<vmem>> -> memref<1x128xi32, #tpu.memory_space<vmem>>
      %dma_wait3A_72 = tpu.memref_squeeze %dma_wait3A_71 : memref<1x128xi32, #tpu.memory_space<vmem>> -> memref<128xi32, #tpu.memory_space<vmem>>
      %dma_wait3A_73 = arith.constant 0 : i32
      %dma_wait3A_74 = arith.constant 0 : i32
      %dma_wait3A_75 = tpu.memref_slice %arg2[%dma_wait3A_73, %dma_wait3A_74] : memref<10000x128xf32, #tpu.memory_space<hbm>> -> memref<10000x128xf32, #tpu.memory_space<hbm>>
      tpu.wait_indirect_dma semaphore(%arg13 : memref<!tpu.dma_semaphore, #tpu.memory_space<semaphore_mem>>) src(%dma_wait3A_75 : memref<10000x128xf32, #tpu.memory_space<hbm>>) dst(%arg11 : memref<128x128xf32, #tpu.memory_space<vmem>>)
      "tpu.region"() ({
        %run_scoped3A = tpu.sem_alloc : memref<!tpu.dma_semaphore, #tpu.memory_space<semaphore_mem>>
        %dma_start3A_95 = arith.constant 0 : i32
        %dma_start3A_96 = tpu.memref_slice %arg8[%add3A_70, %dma_start3A_95] : memref<40x128xi32, #tpu.memory_space<vmem>> -> memref<1x128xi32, #tpu.memory_space<vmem>>
        %dma_start3A_97 = tpu.memref_squeeze %dma_start3A_96 : memref<1x128xi32, #tpu.memory_space<vmem>> -> memref<128xi32, #tpu.memory_space<vmem>>
        %dma_start3A_98 = arith.constant 0 : i32
        %dma_start3A_99 = arith.constant 0 : i32
        %dma_start3A_100 = tpu.memref_slice %arg10[%dma_start3A_98, %dma_start3A_99] : memref<10240x128xf32, #tpu.memory_space<vmem_shared>> -> memref<10240x128xf32, #tpu.memory_space<vmem_shared>>
        tpu.enqueue_indirect_dma source(%arg11 : memref<128x128xf32, #tpu.memory_space<vmem>>) target(%dma_start3A_100 : memref<10240x128xf32, #tpu.memory_space<vmem_shared>>) offsets(%dma_start3A_97 : memref<128xi32, #tpu.memory_space<vmem>>) semaphore(%run_scoped3A : memref<!tpu.dma_semaphore, #tpu.memory_space<semaphore_mem>>) {add = true}
        %dma_wait3A_101 = arith.constant 0 : i32
        %dma_wait3A_102 = tpu.memref_slice %arg8[%add3A_70, %dma_wait3A_101] : memref<40x128xi32, #tpu.memory_space<vmem>> -> memref<1x128xi32, #tpu.memory_space<vmem>>
        %dma_wait3A_103 = tpu.memref_squeeze %dma_wait3A_102 : memref<1x128xi32, #tpu.memory_space<vmem>> -> memref<128xi32, #tpu.memory_space<vmem>>
        %dma_wait3A_104 = arith.constant 0 : i32
        %dma_wait3A_105 = arith.constant 0 : i32
        %dma_wait3A_106 = tpu.memref_slice %arg10[%dma_wait3A_104, %dma_wait3A_105] : memref<10240x128xf32, #tpu.memory_space<vmem_shared>> -> memref<10240x128xf32, #tpu.memory_space<vmem_shared>>
        tpu.wait_indirect_dma semaphore(%run_scoped3A : memref<!tpu.dma_semaphore, #tpu.memory_space<semaphore_mem>>) src(%arg11 : memref<128x128xf32, #tpu.memory_space<vmem>>) dst(%dma_wait3A_106 : memref<10240x128xf32, #tpu.memory_space<vmem_shared>>)
        tpu.yield
      }) : () -> ()
      %add3A_76 = arith.constant 2 : i32
      %add3A_77 = arith.addi %add3A_70, %add3A_76 : i32
      %lt3A = arith.constant 40 : i32
      %lt3A_78 = arith.cmpi slt, %add3A_77, %lt3A : i32
      %convert_element_type3A = arith.extui %lt3A_78 : i1 to i32
      %cond3A = arith.constant 0 : i32
      %cond3A_79 = arith.cmpi ne, %convert_element_type3A, %cond3A : i32
      scf.if %cond3A_79 {
        %add3A_95 = arith.constant 2 : i32
        %add3A_96 = arith.addi %add3A_70, %add3A_95 : i32
        %dma_start3A_97 = arith.constant 0 : i32
        %dma_start3A_98 = tpu.memref_slice %arg7[%add3A_96, %dma_start3A_97] : memref<40x128xi32, #tpu.memory_space<vmem>> -> memref<1x128xi32, #tpu.memory_space<vmem>>
        %dma_start3A_99 = tpu.memref_squeeze %dma_start3A_98 : memref<1x128xi32, #tpu.memory_space<vmem>> -> memref<128xi32, #tpu.memory_space<vmem>>
        %dma_start3A_100 = arith.constant 0 : i32
        %dma_start3A_101 = arith.constant 0 : i32
        %dma_start3A_102 = tpu.memref_slice %arg2[%dma_start3A_100, %dma_start3A_101] : memref<10000x128xf32, #tpu.memory_space<hbm>> -> memref<10000x128xf32, #tpu.memory_space<hbm>>
        tpu.enqueue_indirect_dma source(%dma_start3A_102 : memref<10000x128xf32, #tpu.memory_space<hbm>>) target(%arg11 : memref<128x128xf32, #tpu.memory_space<vmem>>) offsets(%dma_start3A_99 : memref<128xi32, #tpu.memory_space<vmem>>) semaphore(%arg13 : memref<!tpu.dma_semaphore, #tpu.memory_space<semaphore_mem>>)
      } else {
      }
      %add3A_80 = arith.constant 1 : i32
      %add3A_81 = arith.addi %mul3A_68, %add3A_80 : i32
      %dma_wait3A_82 = arith.constant 0 : i32
      %dma_wait3A_83 = tpu.memref_slice %arg7[%add3A_81, %dma_wait3A_82] : memref<40x128xi32, #tpu.memory_space<vmem>> -> memref<1x128xi32, #tpu.memory_space<vmem>>
      %dma_wait3A_84 = tpu.memref_squeeze %dma_wait3A_83 : memref<1x128xi32, #tpu.memory_space<vmem>> -> memref<128xi32, #tpu.memory_space<vmem>>
      %dma_wait3A_85 = arith.constant 0 : i32
      %dma_wait3A_86 = arith.constant 0 : i32
      %dma_wait3A_87 = tpu.memref_slice %arg2[%dma_wait3A_85, %dma_wait3A_86] : memref<10000x128xf32, #tpu.memory_space<hbm>> -> memref<10000x128xf32, #tpu.memory_space<hbm>>
      tpu.wait_indirect_dma semaphore(%arg14 : memref<!tpu.dma_semaphore, #tpu.memory_space<semaphore_mem>>) src(%dma_wait3A_87 : memref<10000x128xf32, #tpu.memory_space<hbm>>) dst(%arg12 : memref<128x128xf32, #tpu.memory_space<vmem>>)
      "tpu.region"() ({
        %run_scoped3A = tpu.sem_alloc : memref<!tpu.dma_semaphore, #tpu.memory_space<semaphore_mem>>
        %dma_start3A_95 = arith.constant 0 : i32
        %dma_start3A_96 = tpu.memref_slice %arg8[%add3A_81, %dma_start3A_95] : memref<40x128xi32, #tpu.memory_space<vmem>> -> memref<1x128xi32, #tpu.memory_space<vmem>>
        %dma_start3A_97 = tpu.memref_squeeze %dma_start3A_96 : memref<1x128xi32, #tpu.memory_space<vmem>> -> memref<128xi32, #tpu.memory_space<vmem>>
        %dma_start3A_98 = arith.constant 0 : i32
        %dma_start3A_99 = arith.constant 0 : i32
        %dma_start3A_100 = tpu.memref_slice %arg10[%dma_start3A_98, %dma_start3A_99] : memref<10240x128xf32, #tpu.memory_space<vmem_shared>> -> memref<10240x128xf32, #tpu.memory_space<vmem_shared>>
        tpu.enqueue_indirect_dma source(%arg12 : memref<128x128xf32, #tpu.memory_space<vmem>>) target(%dma_start3A_100 : memref<10240x128xf32, #tpu.memory_space<vmem_shared>>) offsets(%dma_start3A_97 : memref<128xi32, #tpu.memory_space<vmem>>) semaphore(%run_scoped3A : memref<!tpu.dma_semaphore, #tpu.memory_space<semaphore_mem>>) {add = true}
        %dma_wait3A_101 = arith.constant 0 : i32
        %dma_wait3A_102 = tpu.memref_slice %arg8[%add3A_81, %dma_wait3A_101] : memref<40x128xi32, #tpu.memory_space<vmem>> -> memref<1x128xi32, #tpu.memory_space<vmem>>
        %dma_wait3A_103 = tpu.memref_squeeze %dma_wait3A_102 : memref<1x128xi32, #tpu.memory_space<vmem>> -> memref<128xi32, #tpu.memory_space<vmem>>
        %dma_wait3A_104 = arith.constant 0 : i32
        %dma_wait3A_105 = arith.constant 0 : i32
        %dma_wait3A_106 = tpu.memref_slice %arg10[%dma_wait3A_104, %dma_wait3A_105] : memref<10240x128xf32, #tpu.memory_space<vmem_shared>> -> memref<10240x128xf32, #tpu.memory_space<vmem_shared>>
        tpu.wait_indirect_dma semaphore(%run_scoped3A : memref<!tpu.dma_semaphore, #tpu.memory_space<semaphore_mem>>) src(%arg12 : memref<128x128xf32, #tpu.memory_space<vmem>>) dst(%dma_wait3A_106 : memref<10240x128xf32, #tpu.memory_space<vmem_shared>>)
        tpu.yield
      }) : () -> ()
      %add3A_88 = arith.constant 2 : i32
      %add3A_89 = arith.addi %add3A_81, %add3A_88 : i32
      %lt3A_90 = arith.constant 40 : i32
      %lt3A_91 = arith.cmpi slt, %add3A_89, %lt3A_90 : i32
      %convert_element_type3A_92 = arith.extui %lt3A_91 : i1 to i32
      %cond3A_93 = arith.constant 0 : i32
      %cond3A_94 = arith.cmpi ne, %convert_element_type3A_92, %cond3A_93 : i32
      scf.if %cond3A_94 {
        %add3A_95 = arith.constant 2 : i32
        %add3A_96 = arith.addi %add3A_81, %add3A_95 : i32
        %dma_start3A_97 = arith.constant 0 : i32
        %dma_start3A_98 = tpu.memref_slice %arg7[%add3A_96, %dma_start3A_97] : memref<40x128xi32, #tpu.memory_space<vmem>> -> memref<1x128xi32, #tpu.memory_space<vmem>>
        %dma_start3A_99 = tpu.memref_squeeze %dma_start3A_98 : memref<1x128xi32, #tpu.memory_space<vmem>> -> memref<128xi32, #tpu.memory_space<vmem>>
        %dma_start3A_100 = arith.constant 0 : i32
        %dma_start3A_101 = arith.constant 0 : i32
        %dma_start3A_102 = tpu.memref_slice %arg2[%dma_start3A_100, %dma_start3A_101] : memref<10000x128xf32, #tpu.memory_space<hbm>> -> memref<10000x128xf32, #tpu.memory_space<hbm>>
        tpu.enqueue_indirect_dma source(%dma_start3A_102 : memref<10000x128xf32, #tpu.memory_space<hbm>>) target(%arg12 : memref<128x128xf32, #tpu.memory_space<vmem>>) offsets(%dma_start3A_99 : memref<128xi32, #tpu.memory_space<vmem>>) semaphore(%arg14 : memref<!tpu.dma_semaphore, #tpu.memory_space<semaphore_mem>>)
      } else {
      }
    }
    %scan3A_53 = arith.constant 20 : i32
    %barrier3A_54 = arith.constant 0 : index
    tpu.barrier barrier_id(%barrier3A_54)
    %mul3A_55 = arith.constant 640 : i32
    %mul3A_56 = arith.muli %arg1, %mul3A_55 : i32
    %scan3A_57 = arith.constant 0 : i32
    %scan3A_58 = arith.constant 10 : i32
    %scan3A_59 = arith.addi %scan3A_57, %scan3A_58 : i32
    %scan3A_60 = arith.constant 1 : i32
    scf.for %scan3A_62 = %scan3A_57 to %scan3A_59 step %scan3A_60  : i32 {
      %mul3A_63 = arith.constant 1 : i32
      %mul3A_64 = arith.muli %scan3A_62, %mul3A_63 : i32
      %add3A_65 = arith.constant 0 : i32
      %add3A_66 = arith.addi %add3A_65, %mul3A_64 : i32
      %mul3A_67 = arith.constant 64 : i32
      %mul3A_68 = arith.muli %add3A_66, %mul3A_67 : i32
      %add3A_69 = arith.addi %mul3A_56, %mul3A_68 : i32
      %mul3A_70 = arith.constant 64 : i32
      %mul3A_71 = arith.muli %add3A_66, %mul3A_70 : i32
      %add3A_72 = arith.addi %mul3A_56, %mul3A_71 : i32
      "tpu.region"() ({
        %run_scoped3A = tpu.sem_alloc : memref<!tpu.dma_semaphore, #tpu.memory_space<semaphore_mem>>
        %dma_start3A_73 = arith.constant 0 : i32
        %dma_start3A_74 = tpu.memref_slice %arg5[%arg0, %add3A_72, %dma_start3A_73] : memref<2x10240x128xf32, #tpu.memory_space<hbm>> -> memref<1x64x128xf32, #tpu.memory_space<hbm>>
        %dma_start3A_75 = tpu.memref_squeeze %dma_start3A_74 : memref<1x64x128xf32, #tpu.memory_space<hbm>> -> memref<64x128xf32, #tpu.memory_space<hbm>>
        %dma_start3A_76 = arith.constant 0 : i32
        %dma_start3A_77 = tpu.memref_slice %arg10[%add3A_69, %dma_start3A_76] : memref<10240x128xf32, #tpu.memory_space<vmem_shared>> -> memref<64x128xf32, #tpu.memory_space<vmem_shared>>
        tpu.enqueue_dma source(%dma_start3A_77 : memref<64x128xf32, #tpu.memory_space<vmem_shared>>) target(%dma_start3A_75 : memref<64x128xf32, #tpu.memory_space<hbm>>) target_semaphore(%run_scoped3A : memref<!tpu.dma_semaphore, #tpu.memory_space<semaphore_mem>>)
        %dma_wait3A = arith.constant 0 : i32
        %dma_wait3A_78 = tpu.memref_slice %arg5[%arg0, %add3A_72, %dma_wait3A] : memref<2x10240x128xf32, #tpu.memory_space<hbm>> -> memref<1x64x128xf32, #tpu.memory_space<hbm>>
        %dma_wait3A_79 = tpu.memref_squeeze %dma_wait3A_78 : memref<1x64x128xf32, #tpu.memory_space<hbm>> -> memref<64x128xf32, #tpu.memory_space<hbm>>
        %dma_wait3A_80 = arith.constant 0 : i32
        %dma_wait3A_81 = tpu.memref_slice %arg10[%add3A_69, %dma_wait3A_80] : memref<10240x128xf32, #tpu.memory_space<vmem_shared>> -> memref<64x128xf32, #tpu.memory_space<vmem_shared>>
        tpu.wait_dma2 semaphore(%run_scoped3A : memref<!tpu.dma_semaphore, #tpu.memory_space<semaphore_mem>>) src(%dma_wait3A_81 : memref<64x128xf32, #tpu.memory_space<vmem_shared>>) dst(%dma_wait3A_79 : memref<64x128xf32, #tpu.memory_space<hbm>>)
        tpu.yield
      }) : () -> ()
    }
    %scan3A_61 = arith.constant 10 : i32
    return
  }
}

#map = affine_map<(d0, d1) -> (0, 0)>
#map1 = affine_map<(d0, d1) -> (0, 0, 0)>
module attributes {stable_mosaic.version = 14 : i64} {
  func.func @new_body(%arg0: i32, %arg1: i32, %arg2: memref<10000x128xf32, #tpu.memory_space<hbm>>, %arg3: memref<16x160x128xi32, #tpu.memory_space<hbm>>, %arg4: memref<16x160x128xi32, #tpu.memory_space<hbm>>, %arg5: memref<2x10240x128xf32, #tpu.memory_space<hbm>>, %arg6: memref<2x10240x128xf32, #tpu.memory_space<hbm>>, %arg7: memref<40x128xi32, #tpu.memory_space<vmem>>, %arg8: memref<40x128xi32, #tpu.memory_space<vmem>>, %arg9: memref<32x128xf32, #tpu.memory_space<vmem>>, %arg10: memref<10240x128xf32, #tpu.memory_space<vmem_shared>>, %arg11: memref<128x128xf32, #tpu.memory_space<vmem>>, %arg12: memref<128x128xf32, #tpu.memory_space<vmem>>, %arg13: memref<!tpu.dma_semaphore, #tpu.memory_space<semaphore_mem>>, %arg14: memref<!tpu.dma_semaphore, #tpu.memory_space<semaphore_mem>>) attributes {dimension_semantics = [#tpu.dimension_semantics<core_parallel>, #tpu.dimension_semantics<subcore_parallel>], iteration_bounds = array<i64: 2, 16>, scalar_prefetch = 0 : i64, scratch_operands = 8 : i64, tpu.core_type = #tpu.core_type<sc_vector_subcore>, window_params = [{transform_indices = #map}, {transform_indices = #map1}, {transform_indices = #map1}, {transform_indices = #map1}, {transform_indices = #map1}]} {
    %scan3A = arith.constant 0 : i32
    %scan3A_0 = arith.constant 32 : i32
    %scan3A_1 = arith.addi %scan3A, %scan3A_0 : i32
    %scan3A_2 = arith.constant 1 : i32
    scf.for %scan3A_62 = %scan3A to %scan3A_1 step %scan3A_2  : i32 {
      %mul3A_63 = arith.constant 1 : i32
      %mul3A_64 = arith.muli %scan3A_62, %mul3A_63 : i32
      %add3A_65 = arith.constant 0 : i32
      %add3A_66 = arith.addi %add3A_65, %mul3A_64 : i32
      %scan3A_67 = arith.constant 0 : i32
      %scan3A_68 = arith.constant 8 : i32
      %scan3A_69 = arith.addi %scan3A_67, %scan3A_68 : i32
      %scan3A_70 = arith.constant 1 : i32
      scf.for %scan3A_72 = %scan3A_67 to %scan3A_69 step %scan3A_70  : i32 {
        %mul3A_73 = arith.constant 1 : i32
        %mul3A_74 = arith.muli %scan3A_72, %mul3A_73 : i32
        %add3A_75 = arith.constant 0 : i32
        %add3A_76 = arith.addi %add3A_75, %mul3A_74 : i32
        %broadcast_in_dim3A = arith.constant 0.000000e+00 : f32
        %broadcast_in_dim3A_77 = vector.broadcast %broadcast_in_dim3A : f32 to vector<16xf32>
        %mul3A_78 = arith.constant 16 : i32
        %mul3A_79 = arith.muli %add3A_76, %mul3A_78 : i32
        %swap3A = arith.index_cast %add3A_66 : i32 to index
        %swap3A_80 = arith.index_cast %mul3A_79 : i32 to index
        %swap3A_81 = tpu.vector_load %arg9[%swap3A, %swap3A_80] {strides = array<i32>} : memref<32x128xf32, #tpu.memory_space<vmem>>, vector<1x16xf32>,
        %swap3A_82 = vector.shape_cast %swap3A_81 : vector<1x16xf32> to vector<16xf32>
        %swap3A_83 = vector.shape_cast %broadcast_in_dim3A_77 : vector<16xf32> to vector<1x16xf32>
        tpu.vector_store %arg9[%swap3A, %swap3A_80], %swap3A_83 {strides = array<i32>} : memref<32x128xf32, #tpu.memory_space<vmem>>, vector<1x16xf32>,
      }
      %scan3A_71 = arith.constant 8 : i32
    }
    %scan3A_3 = arith.constant 32 : i32
    %mul3A = arith.constant 640 : i32
    %mul3A_4 = arith.muli %arg1, %mul3A : i32
    %scan3A_5 = arith.constant 0 : i32
    %scan3A_6 = arith.constant 20 : i32
    %scan3A_7 = arith.addi %scan3A_5, %scan3A_6 : i32
    %scan3A_8 = arith.constant 1 : i32
    scf.for %scan3A_62 = %scan3A_5 to %scan3A_7 step %scan3A_8  : i32 {
      %mul3A_63 = arith.constant 1 : i32
      %mul3A_64 = arith.muli %scan3A_62, %mul3A_63 : i32
      %add3A_65 = arith.constant 0 : i32
      %add3A_66 = arith.addi %add3A_65, %mul3A_64 : i32
      %mul3A_67 = arith.constant 32 : i32
      %mul3A_68 = arith.muli %add3A_66, %mul3A_67 : i32
      %add3A_69 = arith.addi %mul3A_4, %mul3A_68 : i32
      "tpu.region"() ({
        %run_scoped3A = tpu.sem_alloc : memref<!tpu.dma_semaphore, #tpu.memory_space<semaphore_mem>>
        %dma_start3A_70 = arith.constant 0 : i32
        %dma_start3A_71 = tpu.memref_slice %arg10[%add3A_69, %dma_start3A_70] : memref<10240x128xf32, #tpu.memory_space<vmem_shared>> -> memref<32x128xf32, #tpu.memory_space<vmem_shared>>
        %dma_start3A_72 = arith.constant 0 : i32
        %dma_start3A_73 = tpu.memref_slice %arg10[%add3A_69, %dma_start3A_72] : memref<10240x128xf32, #tpu.memory_space<vmem_shared>> -> memref<32x128xf32, #tpu.memory_space<vmem_shared>>
        tpu.enqueue_dma source(%arg9 : memref<32x128xf32, #tpu.memory_space<vmem>>) target(%dma_start3A_73 : memref<32x128xf32, #tpu.memory_space<vmem_shared>>) target_semaphore(%run_scoped3A : memref<!tpu.dma_semaphore, #tpu.memory_space<semaphore_mem>>)
        %dma_wait3A = arith.constant 0 : i32
        %dma_wait3A_74 = tpu.memref_slice %arg10[%add3A_69, %dma_wait3A] : memref<10240x128xf32, #tpu.memory_space<vmem_shared>> -> memref<32x128xf32, #tpu.memory_space<vmem_shared>>
        %dma_wait3A_75 = arith.constant 0 : i32
        %dma_wait3A_76 = tpu.memref_slice %arg10[%add3A_69, %dma_wait3A_75] : memref<10240x128xf32, #tpu.memory_space<vmem_shared>> -> memref<32x128xf32, #tpu.memory_space<vmem_shared>>
        tpu.wait_dma2 semaphore(%run_scoped3A : memref<!tpu.dma_semaphore, #tpu.memory_space<semaphore_mem>>) src(%arg9 : memref<32x128xf32, #tpu.memory_space<vmem>>) dst(%dma_wait3A_76 : memref<32x128xf32, #tpu.memory_space<vmem_shared>>)
        tpu.yield
      }) : () -> ()
    }
    %scan3A_9 = arith.constant 20 : i32
    %barrier3A = arith.constant 0 : index
    tpu.barrier barrier_id(%barrier3A)
    %mul3A_10 = arith.constant 80 : i32
    %mul3A_11 = arith.muli %arg0, %mul3A_10 : i32
    %add3A = arith.constant 0 : i32
    %add3A_12 = arith.addi %mul3A_11, %add3A : i32
    "tpu.region"() ({
      %run_scoped3A = tpu.sem_alloc : memref<!tpu.dma_semaphore, #tpu.memory_space<semaphore_mem>>
      %dma_start3A_62 = arith.constant 0 : i32
      %dma_start3A_63 = tpu.memref_slice %arg3[%arg1, %add3A_12, %dma_start3A_62] : memref<16x160x128xi32, #tpu.memory_space<hbm>> -> memref<1x40x128xi32, #tpu.memory_space<hbm>>
      %dma_start3A_64 = tpu.memref_squeeze %dma_start3A_63 : memref<1x40x128xi32, #tpu.memory_space<hbm>> -> memref<40x128xi32, #tpu.memory_space<hbm>>
      %dma_start3A_65 = arith.constant 0 : i32
      %dma_start3A_66 = tpu.memref_slice %arg3[%arg1, %add3A_12, %dma_start3A_65] : memref<16x160x128xi32, #tpu.memory_space<hbm>> -> memref<1x40x128xi32, #tpu.memory_space<hbm>>
      %dma_start3A_67 = tpu.memref_squeeze %dma_start3A_66 : memref<1x40x128xi32, #tpu.memory_space<hbm>> -> memref<40x128xi32, #tpu.memory_space<hbm>>
      tpu.enqueue_dma source(%dma_start3A_67 : memref<40x128xi32, #tpu.memory_space<hbm>>) target(%arg7 : memref<40x128xi32, #tpu.memory_space<vmem>>) target_semaphore(%run_scoped3A : memref<!tpu.dma_semaphore, #tpu.memory_space<semaphore_mem>>)
      %dma_wait3A = arith.constant 0 : i32
      %dma_wait3A_68 = tpu.memref_slice %arg3[%arg1, %add3A_12, %dma_wait3A] : memref<16x160x128xi32, #tpu.memory_space<hbm>> -> memref<1x40x128xi32, #tpu.memory_space<hbm>>
      %dma_wait3A_69 = tpu.memref_squeeze %dma_wait3A_68 : memref<1x40x128xi32, #tpu.memory_space<hbm>> -> memref<40x128xi32, #tpu.memory_space<hbm>>
      %dma_wait3A_70 = arith.constant 0 : i32
      %dma_wait3A_71 = tpu.memref_slice %arg3[%arg1, %add3A_12, %dma_wait3A_70] : memref<16x160x128xi32, #tpu.memory_space<hbm>> -> memref<1x40x128xi32, #tpu.memory_space<hbm>>
      %dma_wait3A_72 = tpu.memref_squeeze %dma_wait3A_71 : memref<1x40x128xi32, #tpu.memory_space<hbm>> -> memref<40x128xi32, #tpu.memory_space<hbm>>
      tpu.wait_dma2 semaphore(%run_scoped3A : memref<!tpu.dma_semaphore, #tpu.memory_space<semaphore_mem>>) src(%dma_wait3A_72 : memref<40x128xi32, #tpu.memory_space<hbm>>) dst(%arg7 : memref<40x128xi32, #tpu.memory_space<vmem>>)
      tpu.yield
    }) : () -> ()
    "tpu.region"() ({
      %run_scoped3A = tpu.sem_alloc : memref<!tpu.dma_semaphore, #tpu.memory_space<semaphore_mem>>
      %dma_start3A_62 = arith.constant 0 : i32
      %dma_start3A_63 = tpu.memref_slice %arg4[%arg1, %add3A_12, %dma_start3A_62] : memref<16x160x128xi32, #tpu.memory_space<hbm>> -> memref<1x40x128xi32, #tpu.memory_space<hbm>>
      %dma_start3A_64 = tpu.memref_squeeze %dma_start3A_63 : memref<1x40x128xi32, #tpu.memory_space<hbm>> -> memref<40x128xi32, #tpu.memory_space<hbm>>
      %dma_start3A_65 = arith.constant 0 : i32
      %dma_start3A_66 = tpu.memref_slice %arg4[%arg1, %add3A_12, %dma_start3A_65] : memref<16x160x128xi32, #tpu.memory_space<hbm>> -> memref<1x40x128xi32, #tpu.memory_space<hbm>>
      %dma_start3A_67 = tpu.memref_squeeze %dma_start3A_66 : memref<1x40x128xi32, #tpu.memory_space<hbm>> -> memref<40x128xi32, #tpu.memory_space<hbm>>
      tpu.enqueue_dma source(%dma_start3A_67 : memref<40x128xi32, #tpu.memory_space<hbm>>) target(%arg8 : memref<40x128xi32, #tpu.memory_space<vmem>>) target_semaphore(%run_scoped3A : memref<!tpu.dma_semaphore, #tpu.memory_space<semaphore_mem>>)
      %dma_wait3A = arith.constant 0 : i32
      %dma_wait3A_68 = tpu.memref_slice %arg4[%arg1, %add3A_12, %dma_wait3A] : memref<16x160x128xi32, #tpu.memory_space<hbm>> -> memref<1x40x128xi32, #tpu.memory_space<hbm>>
      %dma_wait3A_69 = tpu.memref_squeeze %dma_wait3A_68 : memref<1x40x128xi32, #tpu.memory_space<hbm>> -> memref<40x128xi32, #tpu.memory_space<hbm>>
      %dma_wait3A_70 = arith.constant 0 : i32
      %dma_wait3A_71 = tpu.memref_slice %arg4[%arg1, %add3A_12, %dma_wait3A_70] : memref<16x160x128xi32, #tpu.memory_space<hbm>> -> memref<1x40x128xi32, #tpu.memory_space<hbm>>
      %dma_wait3A_72 = tpu.memref_squeeze %dma_wait3A_71 : memref<1x40x128xi32, #tpu.memory_space<hbm>> -> memref<40x128xi32, #tpu.memory_space<hbm>>
      tpu.wait_dma2 semaphore(%run_scoped3A : memref<!tpu.dma_semaphore, #tpu.memory_space<semaphore_mem>>) src(%dma_wait3A_72 : memref<40x128xi32, #tpu.memory_space<hbm>>) dst(%arg8 : memref<40x128xi32, #tpu.memory_space<vmem>>)
      tpu.yield
    }) : () -> ()
    %dma_start3A = arith.constant 0 : i32
    %dma_start3A_13 = arith.constant 0 : i32
    %dma_start3A_14 = tpu.memref_slice %arg7[%dma_start3A, %dma_start3A_13] : memref<40x128xi32, #tpu.memory_space<vmem>> -> memref<1x128xi32, #tpu.memory_space<vmem>>
    %dma_start3A_15 = tpu.memref_squeeze %dma_start3A_14 : memref<1x128xi32, #tpu.memory_space<vmem>> -> memref<128xi32, #tpu.memory_space<vmem>>
    %dma_start3A_16 = arith.constant 0 : i32
    %dma_start3A_17 = arith.constant 0 : i32
    %dma_start3A_18 = tpu.memref_slice %arg2[%dma_start3A_16, %dma_start3A_17] : memref<10000x128xf32, #tpu.memory_space<hbm>> -> memref<10000x128xf32, #tpu.memory_space<hbm>>
    tpu.enqueue_indirect_dma source(%dma_start3A_18 : memref<10000x128xf32, #tpu.memory_space<hbm>>) target(%arg11 : memref<128x128xf32, #tpu.memory_space<vmem>>) offsets(%dma_start3A_15 : memref<128xi32, #tpu.memory_space<vmem>>) semaphore(%arg13 : memref<!tpu.dma_semaphore, #tpu.memory_space<semaphore_mem>>)
    %dma_start3A_19 = arith.constant 1 : i32
    %dma_start3A_20 = arith.constant 0 : i32
    %dma_start3A_21 = tpu.memref_slice %arg7[%dma_start3A_19, %dma_start3A_20] : memref<40x128xi32, #tpu.memory_space<vmem>> -> memref<1x128xi32, #tpu.memory_space<vmem>>
    %dma_start3A_22 = tpu.memref_squeeze %dma_start3A_21 : memref<1x128xi32, #tpu.memory_space<vmem>> -> memref<128xi32, #tpu.memory_space<vmem>>
    %dma_start3A_23 = arith.constant 0 : i32
    %dma_start3A_24 = arith.constant 0 : i32
    %dma_start3A_25 = tpu.memref_slice %arg2[%dma_start3A_23, %dma_start3A_24] : memref<10000x128xf32, #tpu.memory_space<hbm>> -> memref<10000x128xf32, #tpu.memory_space<hbm>>
    tpu.enqueue_indirect_dma source(%dma_start3A_25 : memref<10000x128xf32, #tpu.memory_space<hbm>>) target(%arg12 : memref<128x128xf32, #tpu.memory_space<vmem>>) offsets(%dma_start3A_22 : memref<128xi32, #tpu.memory_space<vmem>>) semaphore(%arg14 : memref<!tpu.dma_semaphore, #tpu.memory_space<semaphore_mem>>)
    %scan3A_26 = arith.constant 0 : i32
    %scan3A_27 = arith.constant 20 : i32
    %scan3A_28 = arith.addi %scan3A_26, %scan3A_27 : i32
    %scan3A_29 = arith.constant 1 : i32
    scf.for %scan3A_62 = %scan3A_26 to %scan3A_28 step %scan3A_29  : i32 {
      %mul3A_63 = arith.constant 1 : i32
      %mul3A_64 = arith.muli %scan3A_62, %mul3A_63 : i32
      %add3A_65 = arith.constant 0 : i32
      %add3A_66 = arith.addi %add3A_65, %mul3A_64 : i32
      %mul3A_67 = arith.constant 2 : i32
      %mul3A_68 = arith.muli %mul3A_67, %add3A_66 : i32
      %add3A_69 = arith.constant 0 : i32
      %add3A_70 = arith.addi %mul3A_68, %add3A_69 : i32
      %dma_wait3A = arith.constant 0 : i32
      %dma_wait3A_71 = tpu.memref_slice %arg7[%add3A_70, %dma_wait3A] : memref<40x128xi32, #tpu.memory_space<vmem>> -> memref<1x128xi32, #tpu.memory_space<vmem>>
      %dma_wait3A_72 = tpu.memref_squeeze %dma_wait3A_71 : memref<1x128xi32, #tpu.memory_space<vmem>> -> memref<128xi32, #tpu.memory_space<vmem>>
      %dma_wait3A_73 = arith.constant 0 : i32
      %dma_wait3A_74 = arith.constant 0 : i32
      %dma_wait3A_75 = tpu.memref_slice %arg2[%dma_wait3A_73, %dma_wait3A_74] : memref<10000x128xf32, #tpu.memory_space<hbm>> -> memref<10000x128xf32, #tpu.memory_space<hbm>>
      tpu.wait_indirect_dma semaphore(%arg13 : memref<!tpu.dma_semaphore, #tpu.memory_space<semaphore_mem>>) src(%dma_wait3A_75 : memref<10000x128xf32, #tpu.memory_space<hbm>>) dst(%arg11 : memref<128x128xf32, #tpu.memory_space<vmem>>)
      "tpu.region"() ({
        %run_scoped3A = tpu.sem_alloc : memref<!tpu.dma_semaphore, #tpu.memory_space<semaphore_mem>>
        %dma_start3A_95 = arith.constant 0 : i32
        %dma_start3A_96 = tpu.memref_slice %arg8[%add3A_70, %dma_start3A_95] : memref<40x128xi32, #tpu.memory_space<vmem>> -> memref<1x128xi32, #tpu.memory_space<vmem>>
        %dma_start3A_97 = tpu.memref_squeeze %dma_start3A_96 : memref<1x128xi32, #tpu.memory_space<vmem>> -> memref<128xi32, #tpu.memory_space<vmem>>
        %dma_start3A_98 = arith.constant 0 : i32
        %dma_start3A_99 = arith.constant 0 : i32
        %dma_start3A_100 = tpu.memref_slice %arg10[%dma_start3A_98, %dma_start3A_99] : memref<10240x128xf32, #tpu.memory_space<vmem_shared>> -> memref<10240x128xf32, #tpu.memory_space<vmem_shared>>
        tpu.enqueue_indirect_dma source(%arg11 : memref<128x128xf32, #tpu.memory_space<vmem>>) target(%dma_start3A_100 : memref<10240x128xf32, #tpu.memory_space<vmem_shared>>) offsets(%dma_start3A_97 : memref<128xi32, #tpu.memory_space<vmem>>) semaphore(%run_scoped3A : memref<!tpu.dma_semaphore, #tpu.memory_space<semaphore_mem>>) {add = true}
        %dma_wait3A_101 = arith.constant 0 : i32
        %dma_wait3A_102 = tpu.memref_slice %arg8[%add3A_70, %dma_wait3A_101] : memref<40x128xi32, #tpu.memory_space<vmem>> -> memref<1x128xi32, #tpu.memory_space<vmem>>
        %dma_wait3A_103 = tpu.memref_squeeze %dma_wait3A_102 : memref<1x128xi32, #tpu.memory_space<vmem>> -> memref<128xi32, #tpu.memory_space<vmem>>
        %dma_wait3A_104 = arith.constant 0 : i32
        %dma_wait3A_105 = arith.constant 0 : i32
        %dma_wait3A_106 = tpu.memref_slice %arg10[%dma_wait3A_104, %dma_wait3A_105] : memref<10240x128xf32, #tpu.memory_space<vmem_shared>> -> memref<10240x128xf32, #tpu.memory_space<vmem_shared>>
        tpu.wait_indirect_dma semaphore(%run_scoped3A : memref<!tpu.dma_semaphore, #tpu.memory_space<semaphore_mem>>) src(%arg11 : memref<128x128xf32, #tpu.memory_space<vmem>>) dst(%dma_wait3A_106 : memref<10240x128xf32, #tpu.memory_space<vmem_shared>>)
        tpu.yield
      }) : () -> ()
      %add3A_76 = arith.constant 2 : i32
      %add3A_77 = arith.addi %add3A_70, %add3A_76 : i32
      %lt3A = arith.constant 40 : i32
      %lt3A_78 = arith.cmpi slt, %add3A_77, %lt3A : i32
      %convert_element_type3A = arith.extui %lt3A_78 : i1 to i32
      %cond3A = arith.constant 0 : i32
      %cond3A_79 = arith.cmpi ne, %convert_element_type3A, %cond3A : i32
      scf.if %cond3A_79 {
        %add3A_95 = arith.constant 2 : i32
        %add3A_96 = arith.addi %add3A_70, %add3A_95 : i32
        %dma_start3A_97 = arith.constant 0 : i32
        %dma_start3A_98 = tpu.memref_slice %arg7[%add3A_96, %dma_start3A_97] : memref<40x128xi32, #tpu.memory_space<vmem>> -> memref<1x128xi32, #tpu.memory_space<vmem>>
        %dma_start3A_99 = tpu.memref_squeeze %dma_start3A_98 : memref<1x128xi32, #tpu.memory_space<vmem>> -> memref<128xi32, #tpu.memory_space<vmem>>
        %dma_start3A_100 = arith.constant 0 : i32
        %dma_start3A_101 = arith.constant 0 : i32
        %dma_start3A_102 = tpu.memref_slice %arg2[%dma_start3A_100, %dma_start3A_101] : memref<10000x128xf32, #tpu.memory_space<hbm>> -> memref<10000x128xf32, #tpu.memory_space<hbm>>
        tpu.enqueue_indirect_dma source(%dma_start3A_102 : memref<10000x128xf32, #tpu.memory_space<hbm>>) target(%arg11 : memref<128x128xf32, #tpu.memory_space<vmem>>) offsets(%dma_start3A_99 : memref<128xi32, #tpu.memory_space<vmem>>) semaphore(%arg13 : memref<!tpu.dma_semaphore, #tpu.memory_space<semaphore_mem>>)
      } else {
      }
      %add3A_80 = arith.constant 1 : i32
      %add3A_81 = arith.addi %mul3A_68, %add3A_80 : i32
      %dma_wait3A_82 = arith.constant 0 : i32
      %dma_wait3A_83 = tpu.memref_slice %arg7[%add3A_81, %dma_wait3A_82] : memref<40x128xi32, #tpu.memory_space<vmem>> -> memref<1x128xi32, #tpu.memory_space<vmem>>
      %dma_wait3A_84 = tpu.memref_squeeze %dma_wait3A_83 : memref<1x128xi32, #tpu.memory_space<vmem>> -> memref<128xi32, #tpu.memory_space<vmem>>
      %dma_wait3A_85 = arith.constant 0 : i32
      %dma_wait3A_86 = arith.constant 0 : i32
      %dma_wait3A_87 = tpu.memref_slice %arg2[%dma_wait3A_85, %dma_wait3A_86] : memref<10000x128xf32, #tpu.memory_space<hbm>> -> memref<10000x128xf32, #tpu.memory_space<hbm>>
      tpu.wait_indirect_dma semaphore(%arg14 : memref<!tpu.dma_semaphore, #tpu.memory_space<semaphore_mem>>) src(%dma_wait3A_87 : memref<10000x128xf32, #tpu.memory_space<hbm>>) dst(%arg12 : memref<128x128xf32, #tpu.memory_space<vmem>>)
      "tpu.region"() ({
        %run_scoped3A = tpu.sem_alloc : memref<!tpu.dma_semaphore, #tpu.memory_space<semaphore_mem>>
        %dma_start3A_95 = arith.constant 0 : i32
        %dma_start3A_96 = tpu.memref_slice %arg8[%add3A_81, %dma_start3A_95] : memref<40x128xi32, #tpu.memory_space<vmem>> -> memref<1x128xi32, #tpu.memory_space<vmem>>
        %dma_start3A_97 = tpu.memref_squeeze %dma_start3A_96 : memref<1x128xi32, #tpu.memory_space<vmem>> -> memref<128xi32, #tpu.memory_space<vmem>>
        %dma_start3A_98 = arith.constant 0 : i32
        %dma_start3A_99 = arith.constant 0 : i32
        %dma_start3A_100 = tpu.memref_slice %arg10[%dma_start3A_98, %dma_start3A_99] : memref<10240x128xf32, #tpu.memory_space<vmem_shared>> -> memref<10240x128xf32, #tpu.memory_space<vmem_shared>>
        tpu.enqueue_indirect_dma source(%arg12 : memref<128x128xf32, #tpu.memory_space<vmem>>) target(%dma_start3A_100 : memref<10240x128xf32, #tpu.memory_space<vmem_shared>>) offsets(%dma_start3A_97 : memref<128xi32, #tpu.memory_space<vmem>>) semaphore(%run_scoped3A : memref<!tpu.dma_semaphore, #tpu.memory_space<semaphore_mem>>) {add = true}
        %dma_wait3A_101 = arith.constant 0 : i32
        %dma_wait3A_102 = tpu.memref_slice %arg8[%add3A_81, %dma_wait3A_101] : memref<40x128xi32, #tpu.memory_space<vmem>> -> memref<1x128xi32, #tpu.memory_space<vmem>>
        %dma_wait3A_103 = tpu.memref_squeeze %dma_wait3A_102 : memref<1x128xi32, #tpu.memory_space<vmem>> -> memref<128xi32, #tpu.memory_space<vmem>>
        %dma_wait3A_104 = arith.constant 0 : i32
        %dma_wait3A_105 = arith.constant 0 : i32
        %dma_wait3A_106 = tpu.memref_slice %arg10[%dma_wait3A_104, %dma_wait3A_105] : memref<10240x128xf32, #tpu.memory_space<vmem_shared>> -> memref<10240x128xf32, #tpu.memory_space<vmem_shared>>
        tpu.wait_indirect_dma semaphore(%run_scoped3A : memref<!tpu.dma_semaphore, #tpu.memory_space<semaphore_mem>>) src(%arg12 : memref<128x128xf32, #tpu.memory_space<vmem>>) dst(%dma_wait3A_106 : memref<10240x128xf32, #tpu.memory_space<vmem_shared>>)
        tpu.yield
      }) : () -> ()
      %add3A_88 = arith.constant 2 : i32
      %add3A_89 = arith.addi %add3A_81, %add3A_88 : i32
      %lt3A_90 = arith.constant 40 : i32
      %lt3A_91 = arith.cmpi slt, %add3A_89, %lt3A_90 : i32
      %convert_element_type3A_92 = arith.extui %lt3A_91 : i1 to i32
      %cond3A_93 = arith.constant 0 : i32
      %cond3A_94 = arith.cmpi ne, %convert_element_type3A_92, %cond3A_93 : i32
      scf.if %cond3A_94 {
        %add3A_95 = arith.constant 2 : i32
        %add3A_96 = arith.addi %add3A_81, %add3A_95 : i32
        %dma_start3A_97 = arith.constant 0 : i32
        %dma_start3A_98 = tpu.memref_slice %arg7[%add3A_96, %dma_start3A_97] : memref<40x128xi32, #tpu.memory_space<vmem>> -> memref<1x128xi32, #tpu.memory_space<vmem>>
        %dma_start3A_99 = tpu.memref_squeeze %dma_start3A_98 : memref<1x128xi32, #tpu.memory_space<vmem>> -> memref<128xi32, #tpu.memory_space<vmem>>
        %dma_start3A_100 = arith.constant 0 : i32
        %dma_start3A_101 = arith.constant 0 : i32
        %dma_start3A_102 = tpu.memref_slice %arg2[%dma_start3A_100, %dma_start3A_101] : memref<10000x128xf32, #tpu.memory_space<hbm>> -> memref<10000x128xf32, #tpu.memory_space<hbm>>
        tpu.enqueue_indirect_dma source(%dma_start3A_102 : memref<10000x128xf32, #tpu.memory_space<hbm>>) target(%arg12 : memref<128x128xf32, #tpu.memory_space<vmem>>) offsets(%dma_start3A_99 : memref<128xi32, #tpu.memory_space<vmem>>) semaphore(%arg14 : memref<!tpu.dma_semaphore, #tpu.memory_space<semaphore_mem>>)
      } else {
      }
    }
    %scan3A_30 = arith.constant 20 : i32
    %mul3A_31 = arith.constant 80 : i32
    %mul3A_32 = arith.muli %arg0, %mul3A_31 : i32
    %add3A_33 = arith.constant 40 : i32
    %add3A_34 = arith.addi %mul3A_32, %add3A_33 : i32
    "tpu.region"() ({
      %run_scoped3A = tpu.sem_alloc : memref<!tpu.dma_semaphore, #tpu.memory_space<semaphore_mem>>
      %dma_start3A_62 = arith.constant 0 : i32
      %dma_start3A_63 = tpu.memref_slice %arg3[%arg1, %add3A_34, %dma_start3A_62] : memref<16x160x128xi32, #tpu.memory_space<hbm>> -> memref<1x40x128xi32, #tpu.memory_space<hbm>>
      %dma_start3A_64 = tpu.memref_squeeze %dma_start3A_63 : memref<1x40x128xi32, #tpu.memory_space<hbm>> -> memref<40x128xi32, #tpu.memory_space<hbm>>
      %dma_start3A_65 = arith.constant 0 : i32
      %dma_start3A_66 = tpu.memref_slice %arg3[%arg1, %add3A_34, %dma_start3A_65] : memref<16x160x128xi32, #tpu.memory_space<hbm>> -> memref<1x40x128xi32, #tpu.memory_space<hbm>>
      %dma_start3A_67 = tpu.memref_squeeze %dma_start3A_66 : memref<1x40x128xi32, #tpu.memory_space<hbm>> -> memref<40x128xi32, #tpu.memory_space<hbm>>
      tpu.enqueue_dma source(%dma_start3A_67 : memref<40x128xi32, #tpu.memory_space<hbm>>) target(%arg7 : memref<40x128xi32, #tpu.memory_space<vmem>>) target_semaphore(%run_scoped3A : memref<!tpu.dma_semaphore, #tpu.memory_space<semaphore_mem>>)
      %dma_wait3A = arith.constant 0 : i32
      %dma_wait3A_68 = tpu.memref_slice %arg3[%arg1, %add3A_34, %dma_wait3A] : memref<16x160x128xi32, #tpu.memory_space<hbm>> -> memref<1x40x128xi32, #tpu.memory_space<hbm>>
      %dma_wait3A_69 = tpu.memref_squeeze %dma_wait3A_68 : memref<1x40x128xi32, #tpu.memory_space<hbm>> -> memref<40x128xi32, #tpu.memory_space<hbm>>
      %dma_wait3A_70 = arith.constant 0 : i32
      %dma_wait3A_71 = tpu.memref_slice %arg3[%arg1, %add3A_34, %dma_wait3A_70] : memref<16x160x128xi32, #tpu.memory_space<hbm>> -> memref<1x40x128xi32, #tpu.memory_space<hbm>>
      %dma_wait3A_72 = tpu.memref_squeeze %dma_wait3A_71 : memref<1x40x128xi32, #tpu.memory_space<hbm>> -> memref<40x128xi32, #tpu.memory_space<hbm>>
      tpu.wait_dma2 semaphore(%run_scoped3A : memref<!tpu.dma_semaphore, #tpu.memory_space<semaphore_mem>>) src(%dma_wait3A_72 : memref<40x128xi32, #tpu.memory_space<hbm>>) dst(%arg7 : memref<40x128xi32, #tpu.memory_space<vmem>>)
      tpu.yield
    }) : () -> ()
    "tpu.region"() ({
      %run_scoped3A = tpu.sem_alloc : memref<!tpu.dma_semaphore, #tpu.memory_space<semaphore_mem>>
      %dma_start3A_62 = arith.constant 0 : i32
      %dma_start3A_63 = tpu.memref_slice %arg4[%arg1, %add3A_34, %dma_start3A_62] : memref<16x160x128xi32, #tpu.memory_space<hbm>> -> memref<1x40x128xi32, #tpu.memory_space<hbm>>
      %dma_start3A_64 = tpu.memref_squeeze %dma_start3A_63 : memref<1x40x128xi32, #tpu.memory_space<hbm>> -> memref<40x128xi32, #tpu.memory_space<hbm>>
      %dma_start3A_65 = arith.constant 0 : i32
      %dma_start3A_66 = tpu.memref_slice %arg4[%arg1, %add3A_34, %dma_start3A_65] : memref<16x160x128xi32, #tpu.memory_space<hbm>> -> memref<1x40x128xi32, #tpu.memory_space<hbm>>
      %dma_start3A_67 = tpu.memref_squeeze %dma_start3A_66 : memref<1x40x128xi32, #tpu.memory_space<hbm>> -> memref<40x128xi32, #tpu.memory_space<hbm>>
      tpu.enqueue_dma source(%dma_start3A_67 : memref<40x128xi32, #tpu.memory_space<hbm>>) target(%arg8 : memref<40x128xi32, #tpu.memory_space<vmem>>) target_semaphore(%run_scoped3A : memref<!tpu.dma_semaphore, #tpu.memory_space<semaphore_mem>>)
      %dma_wait3A = arith.constant 0 : i32
      %dma_wait3A_68 = tpu.memref_slice %arg4[%arg1, %add3A_34, %dma_wait3A] : memref<16x160x128xi32, #tpu.memory_space<hbm>> -> memref<1x40x128xi32, #tpu.memory_space<hbm>>
      %dma_wait3A_69 = tpu.memref_squeeze %dma_wait3A_68 : memref<1x40x128xi32, #tpu.memory_space<hbm>> -> memref<40x128xi32, #tpu.memory_space<hbm>>
      %dma_wait3A_70 = arith.constant 0 : i32
      %dma_wait3A_71 = tpu.memref_slice %arg4[%arg1, %add3A_34, %dma_wait3A_70] : memref<16x160x128xi32, #tpu.memory_space<hbm>> -> memref<1x40x128xi32, #tpu.memory_space<hbm>>
      %dma_wait3A_72 = tpu.memref_squeeze %dma_wait3A_71 : memref<1x40x128xi32, #tpu.memory_space<hbm>> -> memref<40x128xi32, #tpu.memory_space<hbm>>
      tpu.wait_dma2 semaphore(%run_scoped3A : memref<!tpu.dma_semaphore, #tpu.memory_space<semaphore_mem>>) src(%dma_wait3A_72 : memref<40x128xi32, #tpu.memory_space<hbm>>) dst(%arg8 : memref<40x128xi32, #tpu.memory_space<vmem>>)
      tpu.yield
    }) : () -> ()
    %dma_start3A_35 = arith.constant 0 : i32
    %dma_start3A_36 = arith.constant 0 : i32
    %dma_start3A_37 = tpu.memref_slice %arg7[%dma_start3A_35, %dma_start3A_36] : memref<40x128xi32, #tpu.memory_space<vmem>> -> memref<1x128xi32, #tpu.memory_space<vmem>>
    %dma_start3A_38 = tpu.memref_squeeze %dma_start3A_37 : memref<1x128xi32, #tpu.memory_space<vmem>> -> memref<128xi32, #tpu.memory_space<vmem>>
    %dma_start3A_39 = arith.constant 0 : i32
    %dma_start3A_40 = arith.constant 0 : i32
    %dma_start3A_41 = tpu.memref_slice %arg2[%dma_start3A_39, %dma_start3A_40] : memref<10000x128xf32, #tpu.memory_space<hbm>> -> memref<10000x128xf32, #tpu.memory_space<hbm>>
    tpu.enqueue_indirect_dma source(%dma_start3A_41 : memref<10000x128xf32, #tpu.memory_space<hbm>>) target(%arg11 : memref<128x128xf32, #tpu.memory_space<vmem>>) offsets(%dma_start3A_38 : memref<128xi32, #tpu.memory_space<vmem>>) semaphore(%arg13 : memref<!tpu.dma_semaphore, #tpu.memory_space<semaphore_mem>>)
    %dma_start3A_42 = arith.constant 1 : i32
    %dma_start3A_43 = arith.constant 0 : i32
    %dma_start3A_44 = tpu.memref_slice %arg7[%dma_start3A_42, %dma_start3A_43] : memref<40x128xi32, #tpu.memory_space<vmem>> -> memref<1x128xi32, #tpu.memory_space<vmem>>
    %dma_start3A_45 = tpu.memref_squeeze %dma_start3A_44 : memref<1x128xi32, #tpu.memory_space<vmem>> -> memref<128xi32, #tpu.memory_space<vmem>>
    %dma_start3A_46 = arith.constant 0 : i32
    %dma_start3A_47 = arith.constant 0 : i32
    %dma_start3A_48 = tpu.memref_slice %arg2[%dma_start3A_46, %dma_start3A_47] : memref<10000x128xf32, #tpu.memory_space<hbm>> -> memref<10000x128xf32, #tpu.memory_space<hbm>>
    tpu.enqueue_indirect_dma source(%dma_start3A_48 : memref<10000x128xf32, #tpu.memory_space<hbm>>) target(%arg12 : memref<128x128xf32, #tpu.memory_space<vmem>>) offsets(%dma_start3A_45 : memref<128xi32, #tpu.memory_space<vmem>>) semaphore(%arg14 : memref<!tpu.dma_semaphore, #tpu.memory_space<semaphore_mem>>)
    %scan3A_49 = arith.constant 0 : i32
    %scan3A_50 = arith.constant 20 : i32
    %scan3A_51 = arith.addi %scan3A_49, %scan3A_50 : i32
    %scan3A_52 = arith.constant 1 : i32
    scf.for %scan3A_62 = %scan3A_49 to %scan3A_51 step %scan3A_52  : i32 {
      %mul3A_63 = arith.constant 1 : i32
      %mul3A_64 = arith.muli %scan3A_62, %mul3A_63 : i32
      %add3A_65 = arith.constant 0 : i32
      %add3A_66 = arith.addi %add3A_65, %mul3A_64 : i32
      %mul3A_67 = arith.constant 2 : i32
      %mul3A_68 = arith.muli %mul3A_67, %add3A_66 : i32
      %add3A_69 = arith.constant 0 : i32
      %add3A_70 = arith.addi %mul3A_68, %add3A_69 : i32
      %dma_wait3A = arith.constant 0 : i32
      %dma_wait3A_71 = tpu.memref_slice %arg7[%add3A_70, %dma_wait3A] : memref<40x128xi32, #tpu.memory_space<vmem>> -> memref<1x128xi32, #tpu.memory_space<vmem>>
      %dma_wait3A_72 = tpu.memref_squeeze %dma_wait3A_71 : memref<1x128xi32, #tpu.memory_space<vmem>> -> memref<128xi32, #tpu.memory_space<vmem>>
      %dma_wait3A_73 = arith.constant 0 : i32
      %dma_wait3A_74 = arith.constant 0 : i32
      %dma_wait3A_75 = tpu.memref_slice %arg2[%dma_wait3A_73, %dma_wait3A_74] : memref<10000x128xf32, #tpu.memory_space<hbm>> -> memref<10000x128xf32, #tpu.memory_space<hbm>>
      tpu.wait_indirect_dma semaphore(%arg13 : memref<!tpu.dma_semaphore, #tpu.memory_space<semaphore_mem>>) src(%dma_wait3A_75 : memref<10000x128xf32, #tpu.memory_space<hbm>>) dst(%arg11 : memref<128x128xf32, #tpu.memory_space<vmem>>)
      "tpu.region"() ({
        %run_scoped3A = tpu.sem_alloc : memref<!tpu.dma_semaphore, #tpu.memory_space<semaphore_mem>>
        %dma_start3A_95 = arith.constant 0 : i32
        %dma_start3A_96 = tpu.memref_slice %arg8[%add3A_70, %dma_start3A_95] : memref<40x128xi32, #tpu.memory_space<vmem>> -> memref<1x128xi32, #tpu.memory_space<vmem>>
        %dma_start3A_97 = tpu.memref_squeeze %dma_start3A_96 : memref<1x128xi32, #tpu.memory_space<vmem>> -> memref<128xi32, #tpu.memory_space<vmem>>
        %dma_start3A_98 = arith.constant 0 : i32
        %dma_start3A_99 = arith.constant 0 : i32
        %dma_start3A_100 = tpu.memref_slice %arg10[%dma_start3A_98, %dma_start3A_99] : memref<10240x128xf32, #tpu.memory_space<vmem_shared>> -> memref<10240x128xf32, #tpu.memory_space<vmem_shared>>
        tpu.enqueue_indirect_dma source(%arg11 : memref<128x128xf32, #tpu.memory_space<vmem>>) target(%dma_start3A_100 : memref<10240x128xf32, #tpu.memory_space<vmem_shared>>) offsets(%dma_start3A_97 : memref<128xi32, #tpu.memory_space<vmem>>) semaphore(%run_scoped3A : memref<!tpu.dma_semaphore, #tpu.memory_space<semaphore_mem>>) {add = true}
        %dma_wait3A_101 = arith.constant 0 : i32
        %dma_wait3A_102 = tpu.memref_slice %arg8[%add3A_70, %dma_wait3A_101] : memref<40x128xi32, #tpu.memory_space<vmem>> -> memref<1x128xi32, #tpu.memory_space<vmem>>
        %dma_wait3A_103 = tpu.memref_squeeze %dma_wait3A_102 : memref<1x128xi32, #tpu.memory_space<vmem>> -> memref<128xi32, #tpu.memory_space<vmem>>
        %dma_wait3A_104 = arith.constant 0 : i32
        %dma_wait3A_105 = arith.constant 0 : i32
        %dma_wait3A_106 = tpu.memref_slice %arg10[%dma_wait3A_104, %dma_wait3A_105] : memref<10240x128xf32, #tpu.memory_space<vmem_shared>> -> memref<10240x128xf32, #tpu.memory_space<vmem_shared>>
        tpu.wait_indirect_dma semaphore(%run_scoped3A : memref<!tpu.dma_semaphore, #tpu.memory_space<semaphore_mem>>) src(%arg11 : memref<128x128xf32, #tpu.memory_space<vmem>>) dst(%dma_wait3A_106 : memref<10240x128xf32, #tpu.memory_space<vmem_shared>>)
        tpu.yield
      }) : () -> ()
      %add3A_76 = arith.constant 2 : i32
      %add3A_77 = arith.addi %add3A_70, %add3A_76 : i32
      %lt3A = arith.constant 40 : i32
      %lt3A_78 = arith.cmpi slt, %add3A_77, %lt3A : i32
      %convert_element_type3A = arith.extui %lt3A_78 : i1 to i32
      %cond3A = arith.constant 0 : i32
      %cond3A_79 = arith.cmpi ne, %convert_element_type3A, %cond3A : i32
      scf.if %cond3A_79 {
        %add3A_95 = arith.constant 2 : i32
        %add3A_96 = arith.addi %add3A_70, %add3A_95 : i32
        %dma_start3A_97 = arith.constant 0 : i32
        %dma_start3A_98 = tpu.memref_slice %arg7[%add3A_96, %dma_start3A_97] : memref<40x128xi32, #tpu.memory_space<vmem>> -> memref<1x128xi32, #tpu.memory_space<vmem>>
        %dma_start3A_99 = tpu.memref_squeeze %dma_start3A_98 : memref<1x128xi32, #tpu.memory_space<vmem>> -> memref<128xi32, #tpu.memory_space<vmem>>
        %dma_start3A_100 = arith.constant 0 : i32
        %dma_start3A_101 = arith.constant 0 : i32
        %dma_start3A_102 = tpu.memref_slice %arg2[%dma_start3A_100, %dma_start3A_101] : memref<10000x128xf32, #tpu.memory_space<hbm>> -> memref<10000x128xf32, #tpu.memory_space<hbm>>
        tpu.enqueue_indirect_dma source(%dma_start3A_102 : memref<10000x128xf32, #tpu.memory_space<hbm>>) target(%arg11 : memref<128x128xf32, #tpu.memory_space<vmem>>) offsets(%dma_start3A_99 : memref<128xi32, #tpu.memory_space<vmem>>) semaphore(%arg13 : memref<!tpu.dma_semaphore, #tpu.memory_space<semaphore_mem>>)
      } else {
      }
      %add3A_80 = arith.constant 1 : i32
      %add3A_81 = arith.addi %mul3A_68, %add3A_80 : i32
      %dma_wait3A_82 = arith.constant 0 : i32
      %dma_wait3A_83 = tpu.memref_slice %arg7[%add3A_81, %dma_wait3A_82] : memref<40x128xi32, #tpu.memory_space<vmem>> -> memref<1x128xi32, #tpu.memory_space<vmem>>
      %dma_wait3A_84 = tpu.memref_squeeze %dma_wait3A_83 : memref<1x128xi32, #tpu.memory_space<vmem>> -> memref<128xi32, #tpu.memory_space<vmem>>
      %dma_wait3A_85 = arith.constant 0 : i32
      %dma_wait3A_86 = arith.constant 0 : i32
      %dma_wait3A_87 = tpu.memref_slice %arg2[%dma_wait3A_85, %dma_wait3A_86] : memref<10000x128xf32, #tpu.memory_space<hbm>> -> memref<10000x128xf32, #tpu.memory_space<hbm>>
      tpu.wait_indirect_dma semaphore(%arg14 : memref<!tpu.dma_semaphore, #tpu.memory_space<semaphore_mem>>) src(%dma_wait3A_87 : memref<10000x128xf32, #tpu.memory_space<hbm>>) dst(%arg12 : memref<128x128xf32, #tpu.memory_space<vmem>>)
      "tpu.region"() ({
        %run_scoped3A = tpu.sem_alloc : memref<!tpu.dma_semaphore, #tpu.memory_space<semaphore_mem>>
        %dma_start3A_95 = arith.constant 0 : i32
        %dma_start3A_96 = tpu.memref_slice %arg8[%add3A_81, %dma_start3A_95] : memref<40x128xi32, #tpu.memory_space<vmem>> -> memref<1x128xi32, #tpu.memory_space<vmem>>
        %dma_start3A_97 = tpu.memref_squeeze %dma_start3A_96 : memref<1x128xi32, #tpu.memory_space<vmem>> -> memref<128xi32, #tpu.memory_space<vmem>>
        %dma_start3A_98 = arith.constant 0 : i32
        %dma_start3A_99 = arith.constant 0 : i32
        %dma_start3A_100 = tpu.memref_slice %arg10[%dma_start3A_98, %dma_start3A_99] : memref<10240x128xf32, #tpu.memory_space<vmem_shared>> -> memref<10240x128xf32, #tpu.memory_space<vmem_shared>>
        tpu.enqueue_indirect_dma source(%arg12 : memref<128x128xf32, #tpu.memory_space<vmem>>) target(%dma_start3A_100 : memref<10240x128xf32, #tpu.memory_space<vmem_shared>>) offsets(%dma_start3A_97 : memref<128xi32, #tpu.memory_space<vmem>>) semaphore(%run_scoped3A : memref<!tpu.dma_semaphore, #tpu.memory_space<semaphore_mem>>) {add = true}
        %dma_wait3A_101 = arith.constant 0 : i32
        %dma_wait3A_102 = tpu.memref_slice %arg8[%add3A_81, %dma_wait3A_101] : memref<40x128xi32, #tpu.memory_space<vmem>> -> memref<1x128xi32, #tpu.memory_space<vmem>>
        %dma_wait3A_103 = tpu.memref_squeeze %dma_wait3A_102 : memref<1x128xi32, #tpu.memory_space<vmem>> -> memref<128xi32, #tpu.memory_space<vmem>>
        %dma_wait3A_104 = arith.constant 0 : i32
        %dma_wait3A_105 = arith.constant 0 : i32
        %dma_wait3A_106 = tpu.memref_slice %arg10[%dma_wait3A_104, %dma_wait3A_105] : memref<10240x128xf32, #tpu.memory_space<vmem_shared>> -> memref<10240x128xf32, #tpu.memory_space<vmem_shared>>
        tpu.wait_indirect_dma semaphore(%run_scoped3A : memref<!tpu.dma_semaphore, #tpu.memory_space<semaphore_mem>>) src(%arg12 : memref<128x128xf32, #tpu.memory_space<vmem>>) dst(%dma_wait3A_106 : memref<10240x128xf32, #tpu.memory_space<vmem_shared>>)
        tpu.yield
      }) : () -> ()
      %add3A_88 = arith.constant 2 : i32
      %add3A_89 = arith.addi %add3A_81, %add3A_88 : i32
      %lt3A_90 = arith.constant 40 : i32
      %lt3A_91 = arith.cmpi slt, %add3A_89, %lt3A_90 : i32
      %convert_element_type3A_92 = arith.extui %lt3A_91 : i1 to i32
      %cond3A_93 = arith.constant 0 : i32
      %cond3A_94 = arith.cmpi ne, %convert_element_type3A_92, %cond3A_93 : i32
      scf.if %cond3A_94 {
        %add3A_95 = arith.constant 2 : i32
        %add3A_96 = arith.addi %add3A_81, %add3A_95 : i32
        %dma_start3A_97 = arith.constant 0 : i32
        %dma_start3A_98 = tpu.memref_slice %arg7[%add3A_96, %dma_start3A_97] : memref<40x128xi32, #tpu.memory_space<vmem>> -> memref<1x128xi32, #tpu.memory_space<vmem>>
        %dma_start3A_99 = tpu.memref_squeeze %dma_start3A_98 : memref<1x128xi32, #tpu.memory_space<vmem>> -> memref<128xi32, #tpu.memory_space<vmem>>
        %dma_start3A_100 = arith.constant 0 : i32
        %dma_start3A_101 = arith.constant 0 : i32
        %dma_start3A_102 = tpu.memref_slice %arg2[%dma_start3A_100, %dma_start3A_101] : memref<10000x128xf32, #tpu.memory_space<hbm>> -> memref<10000x128xf32, #tpu.memory_space<hbm>>
        tpu.enqueue_indirect_dma source(%dma_start3A_102 : memref<10000x128xf32, #tpu.memory_space<hbm>>) target(%arg12 : memref<128x128xf32, #tpu.memory_space<vmem>>) offsets(%dma_start3A_99 : memref<128xi32, #tpu.memory_space<vmem>>) semaphore(%arg14 : memref<!tpu.dma_semaphore, #tpu.memory_space<semaphore_mem>>)
      } else {
      }
    }
    %scan3A_53 = arith.constant 20 : i32
    %barrier3A_54 = arith.constant 0 : index
    tpu.barrier barrier_id(%barrier3A_54)
    %mul3A_55 = arith.constant 640 : i32
    %mul3A_56 = arith.muli %arg1, %mul3A_55 : i32
    %scan3A_57 = arith.constant 0 : i32
    %scan3A_58 = arith.constant 10 : i32
    %scan3A_59 = arith.addi %scan3A_57, %scan3A_58 : i32
    %scan3A_60 = arith.constant 1 : i32
    scf.for %scan3A_62 = %scan3A_57 to %scan3A_59 step %scan3A_60  : i32 {
      %mul3A_63 = arith.constant 1 : i32
      %mul3A_64 = arith.muli %scan3A_62, %mul3A_63 : i32
      %add3A_65 = arith.constant 0 : i32
      %add3A_66 = arith.addi %add3A_65, %mul3A_64 : i32
      %mul3A_67 = arith.constant 64 : i32
      %mul3A_68 = arith.muli %add3A_66, %mul3A_67 : i32
      %add3A_69 = arith.addi %mul3A_56, %mul3A_68 : i32
      %mul3A_70 = arith.constant 64 : i32
      %mul3A_71 = arith.muli %add3A_66, %mul3A_70 : i32
      %add3A_72 = arith.addi %mul3A_56, %mul3A_71 : i32
      "tpu.region"() ({
        %run_scoped3A = tpu.sem_alloc : memref<!tpu.dma_semaphore, #tpu.memory_space<semaphore_mem>>
        %dma_start3A_73 = arith.constant 0 : i32
        %dma_start3A_74 = tpu.memref_slice %arg5[%arg0, %add3A_72, %dma_start3A_73] : memref<2x10240x128xf32, #tpu.memory_space<hbm>> -> memref<1x64x128xf32, #tpu.memory_space<hbm>>
        %dma_start3A_75 = tpu.memref_squeeze %dma_start3A_74 : memref<1x64x128xf32, #tpu.memory_space<hbm>> -> memref<64x128xf32, #tpu.memory_space<hbm>>
        %dma_start3A_76 = arith.constant 0 : i32
        %dma_start3A_77 = tpu.memref_slice %arg10[%add3A_69, %dma_start3A_76] : memref<10240x128xf32, #tpu.memory_space<vmem_shared>> -> memref<64x128xf32, #tpu.memory_space<vmem_shared>>
        tpu.enqueue_dma source(%dma_start3A_77 : memref<64x128xf32, #tpu.memory_space<vmem_shared>>) target(%dma_start3A_75 : memref<64x128xf32, #tpu.memory_space<hbm>>) target_semaphore(%run_scoped3A : memref<!tpu.dma_semaphore, #tpu.memory_space<semaphore_mem>>)
        %dma_wait3A = arith.constant 0 : i32
        %dma_wait3A_78 = tpu.memref_slice %arg5[%arg0, %add3A_72, %dma_wait3A] : memref<2x10240x128xf32, #tpu.memory_space<hbm>> -> memref<1x64x128xf32, #tpu.memory_space<hbm>>
        %dma_wait3A_79 = tpu.memref_squeeze %dma_wait3A_78 : memref<1x64x128xf32, #tpu.memory_space<hbm>> -> memref<64x128xf32, #tpu.memory_space<hbm>>
        %dma_wait3A_80 = arith.constant 0 : i32
        %dma_wait3A_81 = tpu.memref_slice %arg10[%add3A_69, %dma_wait3A_80] : memref<10240x128xf32, #tpu.memory_space<vmem_shared>> -> memref<64x128xf32, #tpu.memory_space<vmem_shared>>
        tpu.wait_dma2 semaphore(%run_scoped3A : memref<!tpu.dma_semaphore, #tpu.memory_space<semaphore_mem>>) src(%dma_wait3A_81 : memref<64x128xf32, #tpu.memory_space<vmem_shared>>) dst(%dma_wait3A_79 : memref<64x128xf32, #tpu.memory_space<hbm>>)
        tpu.yield
      }) : () -> ()
    }
    %scan3A_61 = arith.constant 10 : i32
    return
  }
}

module attributes {stable_mosaic.version = 14 : i64} {
  func.func @body(%arg0: i32, %arg1: memref<1000x128xf32, #tpu.memory_space<vmem>>, %arg2: memref<128x128xf32, #tpu.memory_space<vmem>>, %arg3: memref<2x1000x128xf32, #tpu.memory_space<vmem>>, %arg4: memref<1000x128xf32, #tpu.memory_space<vmem>>) attributes {dimension_semantics = [#tpu.dimension_semantics<arbitrary>], iteration_bounds = array<i64: 10>, scalar_prefetch = 0 : i64, scratch_operands = 0 : i64, tpu.core_type = #tpu.core_type<tc>, window_params = [{transform_indices = @transform_0, window_bounds = array<i64: 1000, 128>}, {pipeline_mode = #tpu.pipeline_mode<synchronous>, transform_indices = @transform_1, window_bounds = array<i64: 128, 128>}, {transform_indices = @transform_2, window_bounds = array<i64: 2, 1000, 128>}, {transform_indices = @transform_3, window_bounds = array<i64: 1000, 128>}]} {
    %get3A = arith.constant 0 : index
    %get3A_0 = arith.constant 0 : index
    %get3A_1 = arith.constant 0 : index
    %get3A_2 = vector.load %arg3[%get3A, %get3A_0, %get3A_1] : memref<2x1000x128xf32, #tpu.memory_space<vmem>>, vector<1x1000x1xf32>
    %get3A_3 = vector.shape_cast %get3A_2 : vector<1x1000x1xf32> to vector<1000x1xf32>
    %get3A_4 = arith.constant 1 : index
    %get3A_5 = arith.constant 0 : index
    %get3A_6 = arith.constant 0 : index
    %get3A_7 = vector.load %arg3[%get3A_4, %get3A_5, %get3A_6] : memref<2x1000x128xf32, #tpu.memory_space<vmem>>, vector<1x1000x1xf32>
    %get3A_8 = vector.shape_cast %get3A_7 : vector<1x1000x1xf32> to vector<1000x1xf32>
    %add3A = arith.addf %get3A_3, %get3A_8 : vector<1000x1xf32>
    %add3A_9 = arith.constant 1.000000e+00 : f32
    %add3A_10 = vector.broadcast %add3A_9 : f32 to vector<1000x1xf32>
    %add3A_11 = arith.addf %add3A, %add3A_10 : vector<1000x1xf32>
    %rsqrt3A = math.rsqrt %add3A_11 : vector<1000x1xf32>
    %get3A_12 = arith.constant 0 : index
    %get3A_13 = arith.constant 0 : index
    %get3A_14 = vector.load %arg1[%get3A_12, %get3A_13] : memref<1000x128xf32, #tpu.memory_space<vmem>>, vector<1000x128xf32>
    %get3A_15 = arith.constant 0 : index
    %get3A_16 = arith.constant 0 : index
    %get3A_17 = vector.load %arg2[%get3A_15, %get3A_16] : memref<128x128xf32, #tpu.memory_space<vmem>>, vector<128x128xf32>
    %dot_general3A = arith.constant dense<0.000000e+00> : vector<1000x128xf32>
    %dot_general3A_18 = tpu.matmul %get3A_14, %get3A_17, %dot_general3A {dimension_numbers = #tpu.dot_dimension_numbers<[1], [0], [0], [1], [0, 0, 1, 1], [], []>, transpose_lhs_hint = false} : vector<1000x128xf32>, vector<128x128xf32>, vector<1000x128xf32> -> vector<1000x128xf32>
    %mul3A = vector.broadcast %rsqrt3A : vector<1000x1xf32> to vector<1000x128xf32>
    %mul3A_19 = arith.mulf %mul3A, %dot_general3A_18 : vector<1000x128xf32>
    %swap3A = arith.constant 0 : index
    %swap3A_20 = arith.constant 0 : index
    %swap3A_21 = vector.load %arg4[%swap3A, %swap3A_20] : memref<1000x128xf32, #tpu.memory_space<vmem>>, vector<1000x128xf32>
    tpu.vector_store %arg4[%swap3A, %swap3A_20], %mul3A_19 {strides = array<i32>} : memref<1000x128xf32, #tpu.memory_space<vmem>>, vector<1000x128xf32>,
    return
  }
  func.func @transform_0(%arg0: i32) -> (i32, i32) {
    %c0_i32 = arith.constant 0 : i32
    %c0_i32_0 = arith.constant 0 : i32
    return %arg0, %c0_i32 : i32, i32
  }
  func.func @transform_1(%arg0: i32) -> (i32, i32) {
    %c0_i32 = arith.constant 0 : i32
    %c0_i32_0 = arith.constant 0 : i32
    %c0_i32_1 = arith.constant 0 : i32
    return %c0_i32, %c0_i32_0 : i32, i32
  }
  func.func @transform_2(%arg0: i32) -> (i32, i32, i32) {
    %c0_i32 = arith.constant 0 : i32
    %c0_i32_0 = arith.constant 0 : i32
    %c0_i32_1 = arith.constant 0 : i32
    return %c0_i32, %arg0, %c0_i32_0 : i32, i32, i32
  }
  func.func @transform_3(%arg0: i32) -> (i32, i32) {
    %c0_i32 = arith.constant 0 : i32
    %c0_i32_0 = arith.constant 0 : i32
    return %arg0, %c0_i32 : i32, i32
  }
}

module attributes {stable_mosaic.version = 14 : i64} {
  func.func @body(%arg0: i32, %arg1: memref<2x1000x128xf32, #tpu.memory_space<vmem>>, %arg2: memref<1000x128xf32, #tpu.memory_space<vmem>>, %arg3: memref<2x1000x128xf32, #tpu.memory_space<vmem>>, %arg4: memref<128x128xf32, #tpu.memory_space<vmem>>, %arg5: memref<1x128xf32, #tpu.memory_space<vmem>>, %arg6: memref<1000x128xf32, #tpu.memory_space<vmem>>) attributes {dimension_semantics = [#tpu.dimension_semantics<arbitrary>], iteration_bounds = array<i64: 10>, scalar_prefetch = 0 : i64, scratch_operands = 0 : i64, tpu.core_type = #tpu.core_type<tc>, window_params = [{transform_indices = @transform_0, window_bounds = array<i64: 2, 1000, 128>}, {transform_indices = @transform_1, window_bounds = array<i64: 1000, 128>}, {transform_indices = @transform_2, window_bounds = array<i64: 2, 1000, 128>}, {pipeline_mode = #tpu.pipeline_mode<synchronous>, transform_indices = @transform_3, window_bounds = array<i64: 128, 128>}, {pipeline_mode = #tpu.pipeline_mode<synchronous>, transform_indices = @transform_4, window_bounds = array<i64: 1, 128>}, {transform_indices = @transform_5, window_bounds = array<i64: 1000, 128>}]} {
    %get3A = arith.constant 0 : index
    %get3A_0 = arith.constant 0 : index
    %get3A_1 = arith.constant 0 : index
    %get3A_2 = vector.load %arg3[%get3A, %get3A_0, %get3A_1] : memref<2x1000x128xf32, #tpu.memory_space<vmem>>, vector<1x1000x1xf32>
    %get3A_3 = vector.shape_cast %get3A_2 : vector<1x1000x1xf32> to vector<1000x1xf32>
    %get3A_4 = arith.constant 1 : index
    %get3A_5 = arith.constant 0 : index
    %get3A_6 = arith.constant 0 : index
    %get3A_7 = vector.load %arg3[%get3A_4, %get3A_5, %get3A_6] : memref<2x1000x128xf32, #tpu.memory_space<vmem>>, vector<1x1000x1xf32>
    %get3A_8 = vector.shape_cast %get3A_7 : vector<1x1000x1xf32> to vector<1000x1xf32>
    %add3A = arith.addf %get3A_3, %get3A_8 : vector<1000x1xf32>
    %add3A_9 = arith.constant 1.000000e+00 : f32
    %add3A_10 = vector.broadcast %add3A_9 : f32 to vector<1000x1xf32>
    %add3A_11 = arith.addf %add3A, %add3A_10 : vector<1000x1xf32>
    %rsqrt3A = math.rsqrt %add3A_11 : vector<1000x1xf32>
    %get3A_12 = arith.constant 0 : index
    %get3A_13 = arith.constant 0 : index
    %get3A_14 = arith.constant 0 : index
    %get3A_15 = vector.load %arg1[%get3A_12, %get3A_13, %get3A_14] : memref<2x1000x128xf32, #tpu.memory_space<vmem>>, vector<1x1000x128xf32>
    %get3A_16 = vector.shape_cast %get3A_15 : vector<1x1000x128xf32> to vector<1000x128xf32>
    %get3A_17 = arith.constant 1 : index
    %get3A_18 = arith.constant 0 : index
    %get3A_19 = arith.constant 0 : index
    %get3A_20 = vector.load %arg1[%get3A_17, %get3A_18, %get3A_19] : memref<2x1000x128xf32, #tpu.memory_space<vmem>>, vector<1x1000x128xf32>
    %get3A_21 = vector.shape_cast %get3A_20 : vector<1x1000x128xf32> to vector<1000x128xf32>
    %add3A_22 = arith.addf %get3A_16, %get3A_21 : vector<1000x128xf32>
    %get3A_23 = arith.constant 0 : index
    %get3A_24 = arith.constant 0 : index
    %get3A_25 = vector.load %arg2[%get3A_23, %get3A_24] : memref<1000x128xf32, #tpu.memory_space<vmem>>, vector<1000x128xf32>
    %add3A_26 = arith.addf %add3A_22, %get3A_25 : vector<1000x128xf32>
    %mul3A = vector.broadcast %rsqrt3A : vector<1000x1xf32> to vector<1000x128xf32>
    %mul3A_27 = arith.mulf %mul3A, %add3A_26 : vector<1000x128xf32>
    %get3A_28 = arith.constant 0 : index
    %get3A_29 = arith.constant 0 : index
    %get3A_30 = vector.load %arg5[%get3A_28, %get3A_29] : memref<1x128xf32, #tpu.memory_space<vmem>>, vector<1x128xf32>
    %add3A_31 = vector.broadcast %get3A_30 : vector<1x128xf32> to vector<1000x128xf32>
    %add3A_32 = arith.addf %mul3A_27, %add3A_31 : vector<1000x128xf32>
    %max3A = arith.constant 0.000000e+00 : f32
    %max3A_33 = vector.broadcast %max3A : f32 to vector<1000x128xf32>
    %max3A_34 = arith.maximumf %add3A_32, %max3A_33 : vector<1000x128xf32>
    %get3A_35 = arith.constant 0 : index
    %get3A_36 = arith.constant 0 : index
    %get3A_37 = vector.load %arg4[%get3A_35, %get3A_36] : memref<128x128xf32, #tpu.memory_space<vmem>>, vector<128x128xf32>
    %dot_general3A = arith.constant dense<0.000000e+00> : vector<1000x128xf32>
    %dot_general3A_38 = tpu.matmul %max3A_34, %get3A_37, %dot_general3A {dimension_numbers = #tpu.dot_dimension_numbers<[1], [0], [0], [1], [0, 0, 1, 1], [], []>, transpose_lhs_hint = false} : vector<1000x128xf32>, vector<128x128xf32>, vector<1000x128xf32> -> vector<1000x128xf32>
    %mul3A_39 = vector.broadcast %rsqrt3A : vector<1000x1xf32> to vector<1000x128xf32>
    %mul3A_40 = arith.mulf %mul3A_39, %dot_general3A_38 : vector<1000x128xf32>
    %swap3A = arith.constant 0 : index
    %swap3A_41 = arith.constant 0 : index
    %swap3A_42 = vector.load %arg6[%swap3A, %swap3A_41] : memref<1000x128xf32, #tpu.memory_space<vmem>>, vector<1000x128xf32>
    tpu.vector_store %arg6[%swap3A, %swap3A_41], %mul3A_40 {strides = array<i32>} : memref<1000x128xf32, #tpu.memory_space<vmem>>, vector<1000x128xf32>,
    return
  }
  func.func @transform_0(%arg0: i32) -> (i32, i32, i32) {
    %c0_i32 = arith.constant 0 : i32
    %c0_i32_0 = arith.constant 0 : i32
    %c0_i32_1 = arith.constant 0 : i32
    return %c0_i32, %arg0, %c0_i32_0 : i32, i32, i32
  }
  func.func @transform_1(%arg0: i32) -> (i32, i32) {
    %c0_i32 = arith.constant 0 : i32
    %c0_i32_0 = arith.constant 0 : i32
    return %arg0, %c0_i32 : i32, i32
  }
  func.func @transform_2(%arg0: i32) -> (i32, i32, i32) {
    %c0_i32 = arith.constant 0 : i32
    %c0_i32_0 = arith.constant 0 : i32
    %c0_i32_1 = arith.constant 0 : i32
    return %c0_i32, %arg0, %c0_i32_0 : i32, i32, i32
  }
  func.func @transform_3(%arg0: i32) -> (i32, i32) {
    %c0_i32 = arith.constant 0 : i32
    %c0_i32_0 = arith.constant 0 : i32
    %c0_i32_1 = arith.constant 0 : i32
    return %c0_i32, %c0_i32_0 : i32, i32
  }
  func.func @transform_4(%arg0: i32) -> (i32, i32) {
    %c0_i32 = arith.constant 0 : i32
    %c0_i32_0 = arith.constant 0 : i32
    %c0_i32_1 = arith.constant 0 : i32
    return %c0_i32, %c0_i32_0 : i32, i32
  }
  func.func @transform_5(%arg0: i32) -> (i32, i32) {
    %c0_i32 = arith.constant 0 : i32
    %c0_i32_0 = arith.constant 0 : i32
    return %arg0, %c0_i32 : i32, i32
  }
}

module attributes {stable_mosaic.version = 14 : i64} {
  func.func @body(%arg0: i32, %arg1: memref<2x1000x128xf32, #tpu.memory_space<vmem>>, %arg2: memref<1000x128xf32, #tpu.memory_space<vmem>>, %arg3: memref<2x1000x128xf32, #tpu.memory_space<vmem>>, %arg4: memref<1x128xf32, #tpu.memory_space<vmem>>, %arg5: memref<1000x128xf32, #tpu.memory_space<vmem>>) attributes {dimension_semantics = [#tpu.dimension_semantics<arbitrary>], iteration_bounds = array<i64: 10>, scalar_prefetch = 0 : i64, scratch_operands = 0 : i64, tpu.core_type = #tpu.core_type<tc>, window_params = [{transform_indices = @transform_0, window_bounds = array<i64: 2, 1000, 128>}, {transform_indices = @transform_1, window_bounds = array<i64: 1000, 128>}, {transform_indices = @transform_2, window_bounds = array<i64: 2, 1000, 128>}, {pipeline_mode = #tpu.pipeline_mode<synchronous>, transform_indices = @transform_3, window_bounds = array<i64: 1, 128>}, {transform_indices = @transform_4, window_bounds = array<i64: 1000, 128>}]} {
    %get3A = arith.constant 0 : index
    %get3A_0 = arith.constant 0 : index
    %get3A_1 = arith.constant 0 : index
    %get3A_2 = vector.load %arg3[%get3A, %get3A_0, %get3A_1] : memref<2x1000x128xf32, #tpu.memory_space<vmem>>, vector<1x1000x1xf32>
    %get3A_3 = vector.shape_cast %get3A_2 : vector<1x1000x1xf32> to vector<1000x1xf32>
    %get3A_4 = arith.constant 1 : index
    %get3A_5 = arith.constant 0 : index
    %get3A_6 = arith.constant 0 : index
    %get3A_7 = vector.load %arg3[%get3A_4, %get3A_5, %get3A_6] : memref<2x1000x128xf32, #tpu.memory_space<vmem>>, vector<1x1000x1xf32>
    %get3A_8 = vector.shape_cast %get3A_7 : vector<1x1000x1xf32> to vector<1000x1xf32>
    %add3A = arith.addf %get3A_3, %get3A_8 : vector<1000x1xf32>
    %add3A_9 = arith.constant 1.000000e+00 : f32
    %add3A_10 = vector.broadcast %add3A_9 : f32 to vector<1000x1xf32>
    %add3A_11 = arith.addf %add3A, %add3A_10 : vector<1000x1xf32>
    %rsqrt3A = math.rsqrt %add3A_11 : vector<1000x1xf32>
    %get3A_12 = arith.constant 0 : index
    %get3A_13 = arith.constant 0 : index
    %get3A_14 = arith.constant 0 : index
    %get3A_15 = vector.load %arg1[%get3A_12, %get3A_13, %get3A_14] : memref<2x1000x128xf32, #tpu.memory_space<vmem>>, vector<1x1000x128xf32>
    %get3A_16 = vector.shape_cast %get3A_15 : vector<1x1000x128xf32> to vector<1000x128xf32>
    %get3A_17 = arith.constant 1 : index
    %get3A_18 = arith.constant 0 : index
    %get3A_19 = arith.constant 0 : index
    %get3A_20 = vector.load %arg1[%get3A_17, %get3A_18, %get3A_19] : memref<2x1000x128xf32, #tpu.memory_space<vmem>>, vector<1x1000x128xf32>
    %get3A_21 = vector.shape_cast %get3A_20 : vector<1x1000x128xf32> to vector<1000x128xf32>
    %add3A_22 = arith.addf %get3A_16, %get3A_21 : vector<1000x128xf32>
    %get3A_23 = arith.constant 0 : index
    %get3A_24 = arith.constant 0 : index
    %get3A_25 = vector.load %arg2[%get3A_23, %get3A_24] : memref<1000x128xf32, #tpu.memory_space<vmem>>, vector<1000x128xf32>
    %add3A_26 = arith.addf %add3A_22, %get3A_25 : vector<1000x128xf32>
    %mul3A = vector.broadcast %rsqrt3A : vector<1000x1xf32> to vector<1000x128xf32>
    %mul3A_27 = arith.mulf %mul3A, %add3A_26 : vector<1000x128xf32>
    %get3A_28 = arith.constant 0 : index
    %get3A_29 = arith.constant 0 : index
    %get3A_30 = vector.load %arg4[%get3A_28, %get3A_29] : memref<1x128xf32, #tpu.memory_space<vmem>>, vector<1x128xf32>
    %add3A_31 = vector.broadcast %get3A_30 : vector<1x128xf32> to vector<1000x128xf32>
    %add3A_32 = arith.addf %mul3A_27, %add3A_31 : vector<1000x128xf32>
    %swap3A = arith.constant 0 : index
    %swap3A_33 = arith.constant 0 : index
    %swap3A_34 = vector.load %arg5[%swap3A, %swap3A_33] : memref<1000x128xf32, #tpu.memory_space<vmem>>, vector<1000x128xf32>
    tpu.vector_store %arg5[%swap3A, %swap3A_33], %add3A_32 {strides = array<i32>} : memref<1000x128xf32, #tpu.memory_space<vmem>>, vector<1000x128xf32>,
    return
  }
  func.func @transform_0(%arg0: i32) -> (i32, i32, i32) {
    %c0_i32 = arith.constant 0 : i32
    %c0_i32_0 = arith.constant 0 : i32
    %c0_i32_1 = arith.constant 0 : i32
    return %c0_i32, %arg0, %c0_i32_0 : i32, i32, i32
  }
  func.func @transform_1(%arg0: i32) -> (i32, i32) {
    %c0_i32 = arith.constant 0 : i32
    %c0_i32_0 = arith.constant 0 : i32
    return %arg0, %c0_i32 : i32, i32
  }
  func.func @transform_2(%arg0: i32) -> (i32, i32, i32) {
    %c0_i32 = arith.constant 0 : i32
    %c0_i32_0 = arith.constant 0 : i32
    %c0_i32_1 = arith.constant 0 : i32
    return %c0_i32, %arg0, %c0_i32_0 : i32, i32, i32
  }
  func.func @transform_3(%arg0: i32) -> (i32, i32) {
    %c0_i32 = arith.constant 0 : i32
    %c0_i32_0 = arith.constant 0 : i32
    %c0_i32_1 = arith.constant 0 : i32
    return %c0_i32, %c0_i32_0 : i32, i32
  }
  func.func @transform_4(%arg0: i32) -> (i32, i32) {
    %c0_i32 = arith.constant 0 : i32
    %c0_i32_0 = arith.constant 0 : i32
    return %arg0, %c0_i32 : i32, i32
  }
}

</mosaic_0001>

<sc_bundles>
// kernel: kernel.11.cloned.1.call-start
scs
__scs_entry_jumppad:
0x0: {  	(pc) =	sbr.rel $0x88, $3  }
0x1: {  	(tag) =	ssettag $0x0;
	lr =	simm.s32 $0x1  }
0x2: {  	[smem:$0x3F9B] =	sst lr;
	_ =	strace $0xD0000000  }
0x3: {  	_ = 	snop  }
0x4: {  	_ = 	snop  }
0x5: {  	_ = 	snop  }
0x6: {  	_ = 	snop  }
0x7: {  	_ = 	snop  }
__scs_overlays_trampoline_lowered:
0x8: {  	[smem:$0x3FAA] =	sst s0  }
0x9: {  	[smem:$0x3FAB] =	sst s1  }
0xa: {  	[smem:$0x3FAC] =	sst s2  }
0xb: {  	[smem:$0x3FAD] =	sst s3  }
0xc: {  	[smem:$0x3FAE] =	sst s4  }
0xd: {  	[smem:$0x3FAF] =	sst s5  }
0xe: {  	[smem:$0x3FB0] =	sst s6  }
0xf: {  	[smem:$0x3FB1] =	sst s7  }
0x10: {  	[smem:$0x3FB2] =	sst s8  }
0x11: {  	[smem:$0x3FB3] =	sst s9;
	s0 =	simm.s32 @!p0 $0x0  }
0x12: {  	s1 =	sld [smem:$0x3F99];
	s0 =	simm.s32 @p0 $0x1  }
0x13: {  	[smem:$0x3FB4] =	sst s0;
	s0 =	simm.s32 @!p1 $0x0  }
0x14: {  	s2 =	sld [smem:$0x3F98];
	s0 =	simm.s32 @p1 $0x1  }
0x15: {  	[smem:$0x3FB5] =	sst s0;
	s0 =	simm.s32 @!p2 $0x0  }
0x16: {  	s3 =	sld [smem:$0x3FDB];
	s0 =	simm.s32 @p2 $0x1  }
0x17: {  	s4 =	simm.s32 $0x1BF5;
	[smem:$0x3FB7] =	sst s0  }
0x18: {  	s0 =	sld [smem:$0x3F9A];
	_ =	swait.ge [sflag:s4], $0x0  }
0x19: {  	s7 =	sld [smem:$0x3F9B]  }
0x1a: {  	s8 =	sadd.s32 $0xFFFFE003, lr  }
0x1b: {  	s9 =	sadd.s32 $0xFFFFFEF7, lr;
	s5 =	simm.s32 $0xFFFFFFFF;
	p2 =	slt.u32 s8, $0xFFFFF086  }
0x1c: {  	p1 =	slt.u32 s9, $0xF7A;
	s5 =	simm.s32 @!p2 $0x0  }
0x1d: {  	s5 =	simm.s32 @p1 $0x1;
	p0 =	seq.s32 s7, s2  }
0x1e: {  	s7 =	smul.u32 @!p0 $0xF7A, s2;
	p2 =	seq.s32 @!p0 s5, $0x0  }
0x1f: {  	s9 =	smul.u32 $0xF7A, s1;
	s8 =	simm.s32 @!p0 $0x1BF5;
	p2 =	por !p2, p0  }
0x20: {  	[sflag:s8] =	ssyncset.s32 @!p0 $0xFFFFF086;
	s6 =	sadd.s32 @!p0 s3, s7;
	s7 =	simm.s32 @!p0 $0x108  }
0x21: {  	s3 =	sadd.s32 s3, s9;
	s6 =	sadd.s32 @!p0 $0x88, s6;
	s7 =	simm.s32 @p2 $0x1082  }
0x22: {  	[simem:s7], [sflag:s8] =	dma.local @!p0 [hbm:s6], $0xF7A  }
0x23: {  	s9 =	sor.u32 $0xD0000000, s2;
	s6 =	simm.s32 $0x108;
	_ =	swait.ge @!p0 [sflag:s8], $0x0  }
0x24: {  	s3 =	sadd.s32 $0x88, s3;
	s6 =	simm.s32 @!p1 $0x1082;
	[sflag:s4] =	ssyncset.s32 $0xFFFFF086  }
0x25: {  	[simem:s6], [sflag:s4] =	dma.local [hbm:s3], $0xF7A  }
0x26: {  	[smem:$0x3F9B] =	sst s1;
	(tag) =	ssettag s2;
	_ =	strace s9  }
0x27: {  	s1 =	sld [smem:$0x3FAB]  }
0x28: {  	s2 =	sld [smem:$0x3FAC]  }
0x29: {  	s4 =	sld [smem:$0x3FAE]  }
0x2a: {  	p0 =	seq.s32 s5, $0x0;
	s5 =	sld [smem:$0x3FAF]  }
0x2b: {  	s6 =	sld [smem:$0x3FB0]  }
0x2c: {  	s7 =	sld [smem:$0x3FB1]  }
0x2d: {  	s3 =	simm.s32 $0x108;
	s8 =	sld [smem:$0x3FB2]  }
0x2e: {  	s3 =	simm.s32 @!p0 $0x1082;
	s9 =	sld [smem:$0x3FB3]  }
0x2f: {  	lr =	sadd.s32 s0, s3;
	s0 =	sld [smem:$0x3FAA]  }
0x30: {  	s3 =	sld [smem:$0x3FAD]  }
0x31: {  	[smem:$0x3FB6] =	sst s10  }
0x32: {  	s10 =	sld [smem:$0x3FB4];
	_ =	sdelay $0x3  }
0x33: {  	p0 =	seq.s32 s10, $0x1;
	s10 =	sld [smem:$0x3FB6];
	_ =	sdelay $0x3  }
0x34: {  	[smem:$0x3FB6] =	sst s10  }
0x35: {  	s10 =	sld [smem:$0x3FB5];
	_ =	sdelay $0x3  }
0x36: {  	p1 =	seq.s32 s10, $0x1;
	s10 =	sld [smem:$0x3FB6];
	_ =	sdelay $0x3  }
0x37: {  	[smem:$0x3FB6] =	sst s10  }
0x38: {  	s10 =	sld [smem:$0x3FB7]  }
0x39: {  	_ = 	snop;
	(pc) =	sbr.ind lr, $3  }
0x3a: {  	_ = 	snop  }
0x3b: {  	_ = 	snop  }
0x3c: {  	p2 =	seq.s32 s10, $0x1;
	s10 =	sld [smem:$0x3FB6]  }
0x3d: {  	_ =	shalt  }
0x3e: {  	_ =	shalt  }
0x3f: {  	_ =	shalt  }
0x40: {  	_ =	shalt  }
0x41: {  	_ =	shalt  }
0x42: {  	_ =	shalt  }
0x43: {  	_ =	shalt  }
0x44: {  	_ =	shalt  }
0x45: {  	_ =	shalt  }
0x46: {  	_ =	shalt  }
0x47: {  	_ =	shalt  }
0x48: {  	_ =	shalt  }
0x49: {  	_ =	shalt  }
0x4a: {  	_ =	shalt  }
0x4b: {  	_ =	shalt  }
0x4c: {  	_ =	shalt  }
0x4d: {  	_ =	shalt  }
0x4e: {  	_ =	shalt  }
0x4f: {  	_ =	shalt  }
0x50: {  	_ =	shalt  }
0x51: {  	_ =	shalt  }
0x52: {  	_ =	shalt  }
0x53: {  	_ =	shalt  }
0x54: {  	_ =	shalt  }
0x55: {  	_ =	shalt  }
0x56: {  	_ =	shalt  }
0x57: {  	_ =	shalt  }
0x58: {  	_ =	shalt  }
0x59: {  	_ =	shalt  }
0x5a: {  	_ =	shalt  }
0x5b: {  	_ =	shalt  }
0x5c: {  	_ =	shalt  }
0x5d: {  	_ =	shalt  }
0x5e: {  	_ =	shalt  }
0x5f: {  	_ =	shalt  }
0x60: {  	_ =	shalt  }
0x61: {  	_ =	shalt  }
0x62: {  	_ =	shalt  }
0x63: {  	_ =	shalt  }
0x64: {  	_ =	shalt  }
0x65: {  	_ =	shalt  }
0x66: {  	_ =	shalt  }
0x67: {  	_ =	shalt  }
0x68: {  	_ =	shalt  }
0x69: {  	_ =	shalt  }
0x6a: {  	_ =	shalt  }
0x6b: {  	_ =	shalt  }
0x6c: {  	_ =	shalt  }
0x6d: {  	_ =	shalt  }
0x6e: {  	_ =	shalt  }
0x6f: {  	_ =	shalt  }
0x70: {  	_ =	shalt  }
0x71: {  	_ =	shalt  }
0x72: {  	_ =	shalt  }
0x73: {  	_ =	shalt  }
0x74: {  	_ =	shalt  }
0x75: {  	_ =	shalt  }
0x76: {  	_ =	shalt  }
0x77: {  	_ =	shalt  }
0x78: {  	_ =	shalt  }
0x79: {  	_ =	shalt  }
0x7a: {  	_ =	shalt  }
0x7b: {  	_ =	shalt  }
0x7c: {  	_ =	shalt  }
0x7d: {  	_ =	shalt  }
0x7e: {  	_ =	shalt  }
0x7f: {  	_ =	shalt  }
0x80: {  	_ =	shalt  }
0x81: {  	_ =	shalt  }
0x82: {  	_ =	shalt  }
0x83: {  	_ =	shalt  }
0x84: {  	_ =	shalt  }
0x85: {  	_ =	shalt  }
0x86: {  	_ =	shalt  }
0x87: {  	_ =	shalt  }
.Lfunc_end0:
.L_simem_size_0:
called_computation.1_lowered:
.L_overlay_start_0:
0x88: {  	s2 =	sld [smem:$0x3FD9]  }
0x89: {  	s3 =	sld [smem:$0x3FFE];
	_ =	sdelay $0x1  }
0x8a: {  	s1 =	srdreg.scid  }
0x8b: {  	s0 =	sand.u32 $0x1, s1  }
0x8c: {  	s17 =	sshll.u32 s0, $0xA;
	s2 =	sadd.s32 s3, s2  }
0x8d: {  	s2 =	sadd.s32 s2, s17  }
0x8e: {  	[smem:$0x3FC2] =	sst s2  }
0x8f: {  	_ = 	snop  }
0x90: {  	s2 =	sld [smem:$0x3FD0];
	(tm) =	ssettm $0x1  }
0x91: {  	s18 =	sld [smem:$0x3FFB];
	_ =	sdelay $0x3  }
0x92: {  	_ =	strace s18  }
0x93: {  	s3 =	sld [smem:$0x3FFC];
	_ =	sdelay $0x3  }
0x94: {  	_ =	strace s3  }
0x95: {  	s3 =	sld [smem:$0x3FFD];
	_ =	sdelay $0x3  }
0x96: {  	_ =	strace s3  }
0x97: {  	_ =	strace $0x8FFFFFFF  }
0x98: {  	s19 =	sld [smem:$0x3FDB];
	_ =	sdelay $0x1  }
0x99: {  	s4 =	simm.s32 $_scs_section_size  }
0x9a: {  	s5 =	simm.s32 $_size__tile_overlayer_lowered;
	s6 =	simm.s32 $_tile_overlayer_lowered  }
0x9b: {  	s22 =	simm.s32 $0x1BFF;
	s21 =	sshll.u32 s6, $0x1;
	s3 =	sadd.s32 s4, s19  }
0x9c: {  	s7 =	simm.s32 $0x0;
	s20 =	sshll.u32 s5, $0x1;
	s5 =	sadd.s32 s21, s3  }
0x9d: {  	[timem:s7], [sflag:s22] =	dma.local [hbm:s5], s20  }
0x9e: {  	_ =	swait.ge [sflag:s22], s20  }
0x9f: {  	s4 =	ssub.s32 $0x0, s20;
	[sflag:s22] =	ssyncset.done $0x0  }
0xa0: {  	[sflag:s22] =	ssyncadd.s32 s4;
	_ =	sdelay $0x1  }
0xa1: {  	s23 =	simm.s32 $0x1B8B  }
0xa2: {  	_ =	swait.ge [sflag:s23], $0x1  }
0xa3: {  	[sflag:s23] =	ssyncset.done $0x0  }
0xa4: {  	s25 =	simm.s32 $0x1B8E;
	s24 =	sld [smem:$0x3FFE];
	[sflag:s23] =	ssyncadd.s32 $0xFFFFFFFF  }
0xa5: {  	s26 =	simm.s32 $execute0_lowered;
	[smem:$0x3FD2] =	sst s25  }
0xa6: {  	s5 =	sshll.u32 s26, $0x1;
	_ =	strace $0x80000049;
	[dreg:$0x1] =	wrdreg $0xFFFFFFFF  }
0xa7: {  	s28 =	simm.s32 $_size_execute0_lowered;
	s3 =	sadd.s32 s3, s5;
	[dreg:$0x0] =	wrdreg $0x0  }
0xa8: {  	s5 =	sshll.u32 s28, $0x1;
	[dreg:$0x2] =	wrdreg s3  }
0xa9: {  	[dreg:$0x3] =	wrdreg s5  }
0xaa: {  	[dreg:$0x4] =	wrdreg $0xC0  }
0xab: {  	_ =	task [dreg:s7], $0x5FFFF  }
0xac: {  	[dreg:$0x1] =	wrdreg $0xFFFFFFFF  }
0xad: {  	[dreg:$0x0] =	wrdreg $0x60  }
0xae: {  	[dreg:$0x2] =	wrdreg s2  }
0xaf: {  	[dreg:$0x3] =	wrdreg s24  }
0xb0: {  	[dreg:$0x4] =	wrdreg $0x38000  }
0xb1: {  	[dreg:$0x5] =	wrdreg $0x9  }
0xb2: {  	_ =	task.clear_ibuf [dreg:s7], $0x6FFFF;
	_ =	strace $0x90000049  }
0xb3: {  	s29 =	simm.s32 $0x9;
	_ =	strace $0x8000004B  }
0xb4: {  	_ =	swait.ge [sflag:s29], $0x1  }
0xb5: {  	[sflag:s29] =	ssyncadd.s32 $0xFFFFFFFF  }
0xb6: {  	_ =	strace $0x9000004B  }
0xb7: {  	_ =	sfence  }
0xb8: {  	s30 =	sld [smem:$0x0];
	_ =	sdelay $0x2  }
0xb9: {  	s31 =	sshll.u32 s1, $0xD;
	s1 =	sshrl.u32 s1, $0x2  }
0xba: {  	s3 =	sand.u32 $0x4000, s31;
	s1 =	sadd.s32 s1, s30  }
0xbb: {  	s0 =	sor.u32 s3, s0;
	s1 =	sshll.u32 s1, $0x11  }
0xbc: {  	s0 =	sor.u32 s1, s0  }
0xbd: {  	s0 =	sadd.s32 $0x8F2B, s0  }
0xbe: {  	[sflag:s0] =	ssyncadd.remote.s32 $0x1  }
0xbf: {  	_ =	sfence.sel $0xFFFF  }
0xc0: {  	[dreg:$0x0] =	wrdreg $0xFFFFFFFF;
	(pc) =	sbr.abs _section_cstart, $3  }
0xc1: {  	[dreg:$0x1] =	wrdreg $0xFFFFFFFF  }
0xc2: {  	_ =	task.clear_ibuf [dreg:s7], $0x2FFFF;
	_ =	strace $0x9FFFFFFF  }
0xc3: {  	(tm) =	ssettm $0x7FFFFFFF  }
tec
execute0_lowered:
.L_overlay_start_1:
0x0: {  	(tag) =	ssettag $0x1  }
0x1: {  	s0 =	rddreg [dreg:$0x1]  }
0x2: {  	s2 =	srdreg.scid;
	s10 =	stileid.u32;
	s1 =	simm.s32 $0x0  }
0x3: {  	s28 =	simm.s32 $0x1B800;
	s29 =	simm.s32 $0x1;
	s30 =	simm.s32 $0x2  }
0x4: {  	s2 =	sand.u32 $0x1, s2;
	s3 =	smul.u32 $0x5000, s10;
	[smem:$0x7FF] =	sst s1  }
0x5: {  	s4 =	sadd.s32 $0xC400, s0;
	s6 =	sadd.s32 $0x2400, s0;
	s5 =	smul.u32 $0x2800, s2  }
0x6: {  	s0 =	sadd.s32 $0x66400, s0;
	s9 =	smul.u32 $0x50000, s10;
	s7 =	ssub.s32 $0x2, s2  }
0x7: {  	s2 =	smul.u32 $0x140000, s2;
	s8 =	sshrl.u32 s7, $0x1;
	s3 =	sadd.s32 s5, s3  }
0x8: {  	s5 =	ssub.s32 s7, s8;
	s7 =	smul.u32 $0x14000, s10;
	s3 =	sshrl.u32 s3, $0x3  }
0x9: {  	s8 =	sshrl.u32 s9, $0x2;
	s23 =	sadd.s32 s4, s3;
	s24 =	sadd.s32 s6, s3  }
0xa: {  	s3 =	sadd.s32 $0x280, s3;
	s9 =	sor.u32 $0x2000, s7;
	s25 =	sadd.s32 s2, s7  }
0xb: {  	s10 =	sadd.s32 $0x8000, s7;
	s18 =	sadd.s32 $0xA000, s7;
	[dreg:$0x4] =	wrdreg s23  }
0xc: {  	s20 =	sadd.s32 $0xC000, s7;
	[dreg:$0x5] =	wrdreg s24;
	s4 =	sadd.s32 s4, s3  }
0xd: {  	s26 =	sadd.s32 s2, s9;
	s3 =	sadd.s32 s6, s3;
	s11 =	sshrl.u32 s25, $0x3  }
0xe: {  	s6 =	sadd.s32 $0x6000, s7;
	s19 =	sadd.s32 s2, s18;
	[dreg:$0x6] =	wrdreg s4  }
0xf: {  	s24 =	sadd.s32 $0x10000, s7;
	[dreg:$0x7] =	wrdreg s3;
	s12 =	sshrl.u32 s26, $0x3  }
0x10: {  	s3 =	sadd.s32 s0, s11;
	s11 =	sadd.s32 s2, s6;
	s25 =	sadd.s32 s2, s24  }
0x11: {  	s26 =	smax.u32 s5, $0x1;
	[dreg:$0x8] =	wrdreg s3;
	s13 =	sadd.s32 s0, s12  }
0x12: {  	s3 =	sadd.s32 $0x4000, s7;
	s15 =	sshrl.u32 s11, $0x3;
	s11 =	sshrl.u32 s19, $0x3  }
0x13: {  	s12 =	sadd.s32 s2, s10;
	[dreg:$0x9] =	wrdreg s13;
	s11 =	sadd.s32 s0, s11  }
0x14: {  	s14 =	sadd.s32 s2, s3;
	s16 =	sshrl.u32 s12, $0x3;
	[dreg:$0xd] =	wrdreg s11  }
0x15: {  	s13 =	sadd.s32 $0xE000, s7;
	s17 =	sadd.s32 s0, s16;
	s16 =	rddreg [dreg:$0x2]  }
0x16: {  	s4 =	sshrl.u32 s14, $0x3;
	s14 =	sadd.s32 s2, s20;
	[dreg:$0xc] =	wrdreg s17  }
0x17: {  	s4 =	sadd.s32 s0, s4;
	s21 =	sshrl.u32 s14, $0x3;
	s14 =	rddreg [dreg:$0x0]  }
0x18: {  	s7 =	sadd.s32 $0x12000, s7;
	s19 =	sadd.s32 s8, s16;
	[dreg:$0xa] =	wrdreg s4  }
0x19: {  	s4 =	sadd.s32 s0, s15;
	s15 =	sadd.s32 s2, s13;
	s11 =	sadd.s32 s0, s21  }
0x1a: {  	s2 =	sadd.s32 s2, s7;
	[dreg:$0xb] =	wrdreg s4;
	s22 =	sshrl.u32 s15, $0x3  }
0x1b: {  	[dreg:$0xe] =	wrdreg s11;
	s15 =	sshrl.u32 s25, $0x3;
	s23 =	sadd.s32 s0, s22  }
0x1c: {  	s2 =	sshrl.u32 s2, $0x3;
	s15 =	sadd.s32 s0, s15;
	[dreg:$0xf] =	wrdreg s23  }
0x1d: {  	s3 =	sadd.s32 s3, s16;
	s0 =	sadd.s32 s0, s2;
	[dreg:$0x10] =	wrdreg s15  }
0x1e: {  	s5 =	sadd.s32 s6, s16;
	s2 =	sadd.s32 s9, s16;
	[dreg:$0x11] =	wrdreg s0  }
0x1f: {  	s0 =	sshrl.u32 s2, $0x3;
	_ =	strace $0x8000004A;
	[dreg:$0x12] =	wrdreg s26  }
0x20: {  	s6 =	sadd.s32 s10, s16;
	s11 =	sshrl.u32 s3, $0x3;
	[dreg:$0x13] =	wrdreg s0  }
0x21: {  	s12 =	sshrl.u32 s5, $0x3;
	s4 =	sadd.s32 s18, s16;
	[dreg:$0x14] =	wrdreg s11  }
0x22: {  	s9 =	sadd.s32 s13, s16;
	s13 =	sshrl.u32 s6, $0x3;
	[dreg:$0x15] =	wrdreg s12  }
0x23: {  	s8 =	sadd.s32 s20, s16;
	s15 =	sshrl.u32 s4, $0x3;
	[dreg:$0x16] =	wrdreg s13  }
0x24: {  	s31 =	simm.s32 $0x2700;
	s17 =	sshrl.u32 s8, $0x3;
	[dreg:$0x17] =	wrdreg s15  }
0x25: {  	s10 =	sadd.s32 s24, s16;
	s18 =	sshrl.u32 s9, $0x3;
	[dreg:$0x18] =	wrdreg s17  }
0x26: {  	s7 =	sadd.s32 s7, s16;
	s20 =	sshrl.u32 s10, $0x3;
	[dreg:$0x19] =	wrdreg s18  }
0x27: {  	s24 =	sadd.s32 $0x3000, s19;
	s21 =	sshrl.u32 s7, $0x3;
	[dreg:$0x1a] =	wrdreg s20  }
0x28: {  	s5 =	sadd.s32 $0x7000, s19;
	s22 =	sadd.s32 $0x1000, s19;
	[dreg:$0x1b] =	wrdreg s21  }
0x29: {  	s8 =	sadd.s32 $0xA000, s19;
	s23 =	sadd.s32 $0x2000, s19;
	[dreg:$0x1c] =	wrdreg s22  }
0x2a: {  	s10 =	sadd.s32 $0xC000, s19;
	s25 =	sadd.s32 $0x4000, s19;
	[dreg:$0x1d] =	wrdreg s23  }
0x2b: {  	s7 =	sadd.s32 $0x9000, s19;
	s6 =	sadd.s32 $0x8000, s19;
	[dreg:$0x1e] =	wrdreg s24  }
0x2c: {  	s4 =	sadd.s32 $0x6000, s19;
	s9 =	sadd.s32 $0xB000, s19;
	[dreg:$0x1f] =	wrdreg s25  }
0x2d: {  	s26 =	sadd.s32 $0x5000, s19;
	s11 =	sadd.s32 $0xD000, s19;
	s12 =	sadd.s32 $0xE000, s19  }
0x2e: {  	s13 =	sadd.s32 $0xF000, s19;
	s17 =	sadd.s32 $0x10000, s19;
	s18 =	sadd.s32 $0x11000, s19  }
0x2f: {  	s20 =	sadd.s32 $0x12000, s19;
	s21 =	sadd.s32 $0x13000, s19;
	s22 =	simm.s32 $0x2800  }
0x30: {  	s23 =	simm.s32 $0x3;
	s24 =	simm.s32 $0x1400;
	s25 =	simm.s32 $0x80  }
0x31: {  	v0 =	vimm.f32 $0.0e+00;
	s15 =	simm.s32 $0x2780;
	[smem:$0x7FD] =	sst s26;
	s26 =	simm.s32 $0x17800  }
.LBB2_1:
0x32: {  	s0 =	simm.s32 $0x0;
	s2 =	simm.s32 $0x200  }
.LBB2_2:
0x33: {  	p0 =	sne.s32 s2, $0x3E00;
	[tilespmem:s0+$0x2870] =	vst v0  }
0x34: {  	[tilespmem:s0+$0x2800] =	vst v0  }
0x35: {  	[tilespmem:s0+$0x2810] =	vst v0  }
.Ltmp0:
0x36: {  	[tilespmem:s0+$0x2820] =	vst v0;
	(pc) =	sbr.rel @p0 .LBB2_2-.Ltmp0, $4  }
0x37: {  	[tilespmem:s0+$0x2830] =	vst v0  }
0x38: {  	[tilespmem:s0+$0x2840] =	vst v0  }
0x39: {  	[tilespmem:s0+$0x2850] =	vst v0  }
0x3a: {  	[tilespmem:s0+$0x2860] =	vst v0;
	s0 =	sshra.s32 s2, $0x2;
	s2 =	sadd.s32 $0x200, s2  }
0x3b: {  	[tilespmem:s0+$0x2870] =	vst v0  }
0x3c: {  	[tilespmem:s0+$0x2800] =	vst v0  }
0x3d: {  	[tilespmem:s0+$0x2810] =	vst v0  }
0x3e: {  	[tilespmem:s0+$0x2820] =	vst v0  }
0x3f: {  	[tilespmem:s0+$0x2830] =	vst v0  }
0x40: {  	[tilespmem:s0+$0x2840] =	vst v0  }
0x41: {  	[tilespmem:s0+$0x2850] =	vst v0  }
0x42: {  	[tilespmem:s0+$0x2860] =	vst v0  }
0x43: {  	[spmem:s19] =	stream.linear.scatter [tilespmem:s22], [sflag:$0x3], $0x1000, $0x38;
	[tilespmem:$0x1F800] =	vst v63  }
0x44: {  	_ =	swait.ge [sflag:s23], $0x1000  }
0x45: {  	[sflag:s23] =	ssyncset.done $0x0  }
0x46: {  	s2 =	rddreg [dreg:$0x1c];
	[sflag:s23] =	ssyncadd.s32 $0xFFFFF000  }
0x47: {  	[spmem:s2] =	stream.linear.scatter [tilespmem:s22], [sflag:$0x3], $0x1000, $0x38;
	[tilespmem:$0x1F800] =	vst v63  }
0x48: {  	_ =	swait.ge [sflag:s23], $0x1000  }
0x49: {  	[sflag:s23] =	ssyncset.done $0x0  }
0x4a: {  	s3 =	rddreg [dreg:$0x1d];
	[sflag:s23] =	ssyncadd.s32 $0xFFFFF000  }
0x4b: {  	[spmem:s3] =	stream.linear.scatter [tilespmem:s22], [sflag:$0x3], $0x1000, $0x38;
	[tilespmem:$0x1F800] =	vst v63  }
0x4c: {  	_ =	swait.ge [sflag:s23], $0x1000  }
0x4d: {  	[sflag:s23] =	ssyncset.done $0x0  }
0x4e: {  	s2 =	rddreg [dreg:$0x1e];
	[sflag:s23] =	ssyncadd.s32 $0xFFFFF000  }
0x4f: {  	[spmem:s2] =	stream.linear.scatter [tilespmem:s22], [sflag:$0x3], $0x1000, $0x38;
	[tilespmem:$0x1F800] =	vst v63  }
0x50: {  	_ =	swait.ge [sflag:s23], $0x1000  }
0x51: {  	[sflag:s23] =	ssyncset.done $0x0  }
0x52: {  	s3 =	rddreg [dreg:$0x1f];
	[sflag:s23] =	ssyncadd.s32 $0xFFFFF000  }
0x53: {  	[spmem:s3] =	stream.linear.scatter [tilespmem:s22], [sflag:$0x3], $0x1000, $0x38;
	[tilespmem:$0x1F800] =	vst v63  }
0x54: {  	_ =	swait.ge [sflag:s23], $0x1000  }
0x55: {  	s2 =	sld [smem:$0x7FD]  }
0x56: {  	[sflag:s23] =	ssyncset.done $0x0  }
0x57: {  	[sflag:s23] =	ssyncadd.s32 $0xFFFFF000  }
0x58: {  	[spmem:s2] =	stream.linear.scatter [tilespmem:s22], [sflag:$0x3], $0x1000, $0x38;
	[tilespmem:$0x1F800] =	vst v63  }
0x59: {  	_ =	swait.ge [sflag:s23], $0x1000  }
0x5a: {  	[sflag:s23] =	ssyncset.done $0x0  }
0x5b: {  	[sflag:s23] =	ssyncadd.s32 $0xFFFFF000  }
0x5c: {  	[spmem:s4] =	stream.linear.scatter [tilespmem:s22], [sflag:$0x3], $0x1000, $0x38;
	[tilespmem:$0x1F800] =	vst v63  }
0x5d: {  	_ =	swait.ge [sflag:s23], $0x1000  }
0x5e: {  	[sflag:s23] =	ssyncset.done $0x0  }
0x5f: {  	[sflag:s23] =	ssyncadd.s32 $0xFFFFF000  }
0x60: {  	[spmem:s5] =	stream.linear.scatter [tilespmem:s22], [sflag:$0x3], $0x1000, $0x38;
	[tilespmem:$0x1F800] =	vst v63  }
0x61: {  	_ =	swait.ge [sflag:s23], $0x1000  }
0x62: {  	[sflag:s23] =	ssyncset.done $0x0  }
0x63: {  	[sflag:s23] =	ssyncadd.s32 $0xFFFFF000  }
0x64: {  	[spmem:s6] =	stream.linear.scatter [tilespmem:s22], [sflag:$0x3], $0x1000, $0x38;
	[tilespmem:$0x1F800] =	vst v63  }
0x65: {  	_ =	swait.ge [sflag:s23], $0x1000  }
0x66: {  	[sflag:s23] =	ssyncset.done $0x0  }
0x67: {  	[sflag:s23] =	ssyncadd.s32 $0xFFFFF000  }
0x68: {  	[spmem:s7] =	stream.linear.scatter [tilespmem:s22], [sflag:$0x3], $0x1000, $0x38;
	[tilespmem:$0x1F800] =	vst v63  }
0x69: {  	_ =	swait.ge [sflag:s23], $0x1000  }
0x6a: {  	[sflag:s23] =	ssyncset.done $0x0  }
0x6b: {  	[sflag:s23] =	ssyncadd.s32 $0xFFFFF000  }
0x6c: {  	[spmem:s8] =	stream.linear.scatter [tilespmem:s22], [sflag:$0x3], $0x1000, $0x38;
	[tilespmem:$0x1F800] =	vst v63  }
0x6d: {  	_ =	swait.ge [sflag:s23], $0x1000  }
0x6e: {  	[sflag:s23] =	ssyncset.done $0x0  }
0x6f: {  	[sflag:s23] =	ssyncadd.s32 $0xFFFFF000  }
0x70: {  	[spmem:s9] =	stream.linear.scatter [tilespmem:s22], [sflag:$0x3], $0x1000, $0x38;
	[tilespmem:$0x1F800] =	vst v63  }
0x71: {  	_ =	swait.ge [sflag:s23], $0x1000  }
0x72: {  	[sflag:s23] =	ssyncset.done $0x0  }
0x73: {  	[sflag:s23] =	ssyncadd.s32 $0xFFFFF000  }
0x74: {  	[spmem:s10] =	stream.linear.scatter [tilespmem:s22], [sflag:$0x3], $0x1000, $0x38;
	[tilespmem:$0x1F800] =	vst v63  }
0x75: {  	_ =	swait.ge [sflag:s23], $0x1000  }
0x76: {  	[sflag:s23] =	ssyncset.done $0x0  }
0x77: {  	[sflag:s23] =	ssyncadd.s32 $0xFFFFF000  }
0x78: {  	[spmem:s11] =	stream.linear.scatter [tilespmem:s22], [sflag:$0x3], $0x1000, $0x38;
	[tilespmem:$0x1F800] =	vst v63  }
0x79: {  	_ =	swait.ge [sflag:s23], $0x1000  }
0x7a: {  	[sflag:s23] =	ssyncset.done $0x0  }
0x7b: {  	[sflag:s23] =	ssyncadd.s32 $0xFFFFF000  }
0x7c: {  	[spmem:s12] =	stream.linear.scatter [tilespmem:s22], [sflag:$0x3], $0x1000, $0x38;
	[tilespmem:$0x1F800] =	vst v63  }
0x7d: {  	_ =	swait.ge [sflag:s23], $0x1000  }
0x7e: {  	[sflag:s23] =	ssyncset.done $0x0  }
0x7f: {  	[sflag:s23] =	ssyncadd.s32 $0xFFFFF000  }
0x80: {  	[spmem:s13] =	stream.linear.scatter [tilespmem:s22], [sflag:$0x3], $0x1000, $0x38;
	[tilespmem:$0x1F800] =	vst v63  }
0x81: {  	_ =	swait.ge [sflag:s23], $0x1000  }
0x82: {  	[sflag:s23] =	ssyncset.done $0x0  }
0x83: {  	[sflag:s23] =	ssyncadd.s32 $0xFFFFF000  }
0x84: {  	[spmem:s17] =	stream.linear.scatter [tilespmem:s22], [sflag:$0x3], $0x1000, $0x38;
	[tilespmem:$0x1F800] =	vst v63  }
0x85: {  	_ =	swait.ge [sflag:s23], $0x1000  }
0x86: {  	[sflag:s23] =	ssyncset.done $0x0  }
0x87: {  	[sflag:s23] =	ssyncadd.s32 $0xFFFFF000  }
0x88: {  	[spmem:s18] =	stream.linear.scatter [tilespmem:s22], [sflag:$0x3], $0x1000, $0x38;
	[tilespmem:$0x1F800] =	vst v63  }
0x89: {  	_ =	swait.ge [sflag:s23], $0x1000  }
0x8a: {  	[sflag:s23] =	ssyncset.done $0x0  }
0x8b: {  	[sflag:s23] =	ssyncadd.s32 $0xFFFFF000  }
0x8c: {  	[spmem:s20] =	stream.linear.scatter [tilespmem:s22], [sflag:$0x3], $0x1000, $0x38;
	[tilespmem:$0x1F800] =	vst v63  }
0x8d: {  	_ =	swait.ge [sflag:s23], $0x1000  }
0x8e: {  	[sflag:s23] =	ssyncset.done $0x0  }
0x8f: {  	[sflag:s23] =	ssyncadd.s32 $0xFFFFF000  }
0x90: {  	[spmem:s21] =	stream.linear.scatter [tilespmem:s22], [sflag:$0x3], $0x1000, $0x38;
	[tilespmem:$0x1F800] =	vst v63  }
0x91: {  	_ =	swait.ge [sflag:s23], $0x1000  }
0x92: {  	[sflag:s23] =	ssyncset.done $0x0  }
0x93: {  	[sflag:s23] =	ssyncadd.s32 $0xFFFFF000  }
0x94: {  	[bflag:$0x0] =	sbarrier.arrive $0xFFFF  }
0x95: {  	s0 =	simm.s32 $0x0;
	s2 =	rddreg [dreg:$0x4]  }
0x96: {  	[tilespmem:s0], [sflag:$0x3] =	stream.linear.gather [hbm4b:s2+s0], $0x1400, $0x38;
	[tilespmem:$0x1F800] =	vst v63  }
0x97: {  	_ =	swait.ge [sflag:s23], $0x1400  }
0x98: {  	[sflag:s23] =	ssyncset.done $0x0  }
0x99: {  	s3 =	rddreg [dreg:$0x5];
	[sflag:s23] =	ssyncadd.s32 $0xFFFFEC00  }
0x9a: {  	[tilespmem:s24], [sflag:$0x3] =	stream.linear.gather [hbm4b:s3+s0], $0x1400, $0x38;
	[tilespmem:$0x1F800] =	vst v63  }
0x9b: {  	_ =	swait.ge [sflag:s23], $0x1400  }
0x9c: {  	[sflag:s23] =	ssyncset.done $0x0  }
0x9d: {  	[sflag:s23] =	ssyncadd.s32 $0xFFFFEC00  }
0x9e: {  	[tilespmem:s26], [sflag:$0x1] =	stream.indirect.gather [hbm4b:s14+s25], $0x80, s0, s25, $0xb8;
	[tilespmem:$0x1F800] =	vst v63  }
0x9f: {  	_ = 	snop  }
0xa0: {  	[tilespmem:s28], [sflag:$0x2] =	stream.indirect.gather [hbm4b:s14+s25], $0x80, s25, s25, $0xb8;
	[tilespmem:$0x1F800] =	vst v63  }
0xa1: {  	_ =	swait.ge [sflag:s29], $0x4000  }
0xa2: {  	[sflag:s29] =	ssyncset.done $0x0  }
0xa3: {  	s3 =	simm.s32 $0x1400;
	[sflag:s29] =	ssyncadd.s32 $0xFFFFC000  }
0xa4: {  	[spmem:s16] =	stream.indirect.scatter.add.f32 [tilespmem:s26], [sflag:$0x3], $0x80, s3, s25, $0xb8;
	[tilespmem:$0x1F800] =	vst v63  }
0xa5: {  	_ =	swait.ge [sflag:s23], $0x4000  }
0xa6: {  	[sflag:s23] =	ssyncset.done $0x0  }
0xa7: {  	s2 =	simm.s32 $0x100;
	[sflag:s23] =	ssyncadd.s32 $0xFFFFC000  }
0xa8: {  	[tilespmem:s26], [sflag:$0x1] =	stream.indirect.gather [hbm4b:s14+s25], $0x80, s2, s25, $0xb8;
	[tilespmem:$0x1F800] =	vst v63  }
0xa9: {  	_ =	swait.ge [sflag:s30], $0x4000  }
0xaa: {  	[sflag:s30] =	ssyncset.done $0x0  }
0xab: {  	s3 =	simm.s32 $0x1480;
	[sflag:s30] =	ssyncadd.s32 $0xFFFFC000  }
0xac: {  	[spmem:s16] =	stream.indirect.scatter.add.f32 [tilespmem:s28], [sflag:$0x3], $0x80, s3, s25, $0xb8;
	[tilespmem:$0x1F800] =	vst v63  }
0xad: {  	_ =	swait.ge [sflag:s23], $0x4000  }
0xae: {  	[sflag:s23] =	ssyncset.done $0x0  }
0xaf: {  	s0 =	simm.s32 $0x400;
	s2 =	simm.s32 $0x180;
	[sflag:s23] =	ssyncadd.s32 $0xFFFFC000  }
.LBB2_4:
0xb0: {  	[tilespmem:s28], [sflag:$0x2] =	stream.indirect.gather [hbm4b:s14+s25], $0x80, s2, s25, $0xb8;
	[tilespmem:$0x1F800] =	vst v63  }
0xb1: {  	s2 =	smov.u32 s0  }
0xb2: {  	p0 =	sne.s32 s0, $0x4800;
	s0 =	sadd.s32 $0x400, s0;
	_ =	swait.ge [sflag:s29], $0x4000  }
0xb3: {  	s2 =	sshra.s32 s2, $0x2;
	[sflag:s29] =	ssyncset.done $0x0  }
0xb4: {  	s3 =	sadd.s32 $0x1400, s2;
	[sflag:s29] =	ssyncadd.s32 $0xFFFFC000  }
0xb5: {  	[spmem:s16] =	stream.indirect.scatter.add.f32 [tilespmem:s26], [sflag:$0x3], $0x80, s3, s25, $0xb8;
	[tilespmem:$0x1F800] =	vst v63  }
0xb6: {  	_ =	swait.ge [sflag:s23], $0x4000  }
0xb7: {  	[sflag:s23] =	ssyncset.done $0x0  }
0xb8: {  	s3 =	sadd.s32 $0x100, s2;
	[sflag:s23] =	ssyncadd.s32 $0xFFFFC000  }
0xb9: {  	[tilespmem:s26], [sflag:$0x1] =	stream.indirect.gather [hbm4b:s14+s25], $0x80, s3, s25, $0xb8;
	[tilespmem:$0x1F800] =	vst v63  }
0xba: {  	_ =	swait.ge [sflag:s30], $0x4000  }
0xbb: {  	[sflag:s30] =	ssyncset.done $0x0  }
.Ltmp1:
0xbc: {  	s3 =	sadd.s32 $0x1480, s2;
	[sflag:s30] =	ssyncadd.s32 $0xFFFFC000;
	(pc) =	sbr.rel @p0 .LBB2_4-.Ltmp1, $4  }
0xbd: {  	[spmem:s16] =	stream.indirect.scatter.add.f32 [tilespmem:s28], [sflag:$0x3], $0x80, s3, s25, $0xb8;
	[tilespmem:$0x1F800] =	vst v63  }
0xbe: {  	_ =	swait.ge [sflag:s23], $0x4000  }
0xbf: {  	[sflag:s23] =	ssyncset.done $0x0  }
0xc0: {  	s2 =	sadd.s32 $0x180, s2;
	[sflag:s23] =	ssyncadd.s32 $0xFFFFC000  }
0xc1: {  	[tilespmem:s28], [sflag:$0x2] =	stream.indirect.gather [hbm4b:s14+s25], $0x80, s2, s25, $0xb8;
	[tilespmem:$0x1F800] =	vst v63  }
0xc2: {  	_ =	swait.ge [sflag:s29], $0x4000  }
0xc3: {  	[sflag:s29] =	ssyncset.done $0x0  }
0xc4: {  	[sflag:s29] =	ssyncadd.s32 $0xFFFFC000  }
0xc5: {  	[spmem:s16] =	stream.indirect.scatter.add.f32 [tilespmem:s26], [sflag:$0x3], $0x80, s31, s25, $0xb8;
	[tilespmem:$0x1F800] =	vst v63  }
0xc6: {  	_ =	swait.ge [sflag:s23], $0x4000  }
0xc7: {  	[sflag:s23] =	ssyncset.done $0x0  }
0xc8: {  	[sflag:s23] =	ssyncadd.s32 $0xFFFFC000  }
0xc9: {  	_ =	swait.ge [sflag:s30], $0x4000  }
0xca: {  	[sflag:s30] =	ssyncset.done $0x0  }
0xcb: {  	[sflag:s30] =	ssyncadd.s32 $0xFFFFC000  }
0xcc: {  	[spmem:s16] =	stream.indirect.scatter.add.f32 [tilespmem:s28], [sflag:$0x3], $0x80, s15, s25, $0xb8;
	[tilespmem:$0x1F800] =	vst v63  }
0xcd: {  	_ =	swait.ge [sflag:s23], $0x4000  }
0xce: {  	[sflag:s23] =	ssyncset.done $0x0  }
0xcf: {  	s0 =	simm.s32 $0x0;
	s3 =	rddreg [dreg:$0x6];
	[sflag:s23] =	ssyncadd.s32 $0xFFFFC000  }
0xd0: {  	[tilespmem:s0], [sflag:$0x3] =	stream.linear.gather [hbm4b:s3+s0], $0x1400, $0x38;
	[tilespmem:$0x1F800] =	vst v63  }
0xd1: {  	_ =	swait.ge [sflag:s23], $0x1400  }
0xd2: {  	[sflag:s23] =	ssyncset.done $0x0  }
0xd3: {  	s3 =	rddreg [dreg:$0x7];
	[sflag:s23] =	ssyncadd.s32 $0xFFFFEC00  }
0xd4: {  	[tilespmem:s24], [sflag:$0x3] =	stream.linear.gather [hbm4b:s3+s0], $0x1400, $0x38;
	[tilespmem:$0x1F800] =	vst v63  }
0xd5: {  	_ =	swait.ge [sflag:s23], $0x1400  }
0xd6: {  	[sflag:s23] =	ssyncset.done $0x0  }
0xd7: {  	[sflag:s23] =	ssyncadd.s32 $0xFFFFEC00  }
0xd8: {  	[tilespmem:s26], [sflag:$0x1] =	stream.indirect.gather [hbm4b:s14+s25], $0x80, s0, s25, $0xb8;
	[tilespmem:$0x1F800] =	vst v63  }
0xd9: {  	_ = 	snop  }
0xda: {  	[tilespmem:s28], [sflag:$0x2] =	stream.indirect.gather [hbm4b:s14+s25], $0x80, s25, s25, $0xb8;
	[tilespmem:$0x1F800] =	vst v63  }
0xdb: {  	_ =	swait.ge [sflag:s29], $0x4000  }
0xdc: {  	[sflag:s29] =	ssyncset.done $0x0  }
0xdd: {  	s3 =	simm.s32 $0x1400;
	[sflag:s29] =	ssyncadd.s32 $0xFFFFC000  }
0xde: {  	[spmem:s16] =	stream.indirect.scatter.add.f32 [tilespmem:s26], [sflag:$0x3], $0x80, s3, s25, $0xb8;
	[tilespmem:$0x1F800] =	vst v63  }
0xdf: {  	_ =	swait.ge [sflag:s23], $0x4000  }
0xe0: {  	[sflag:s23] =	ssyncset.done $0x0  }
0xe1: {  	s2 =	simm.s32 $0x100;
	[sflag:s23] =	ssyncadd.s32 $0xFFFFC000  }
0xe2: {  	[tilespmem:s26], [sflag:$0x1] =	stream.indirect.gather [hbm4b:s14+s25], $0x80, s2, s25, $0xb8;
	[tilespmem:$0x1F800] =	vst v63  }
0xe3: {  	_ =	swait.ge [sflag:s30], $0x4000  }
0xe4: {  	[sflag:s30] =	ssyncset.done $0x0  }
0xe5: {  	s3 =	simm.s32 $0x1480;
	[sflag:s30] =	ssyncadd.s32 $0xFFFFC000  }
0xe6: {  	[spmem:s16] =	stream.indirect.scatter.add.f32 [tilespmem:s28], [sflag:$0x3], $0x80, s3, s25, $0xb8;
	[tilespmem:$0x1F800] =	vst v63  }
0xe7: {  	_ =	swait.ge [sflag:s23], $0x4000  }
0xe8: {  	[sflag:s23] =	ssyncset.done $0x0  }
0xe9: {  	s0 =	simm.s32 $0x400;
	s2 =	simm.s32 $0x180;
	[sflag:s23] =	ssyncadd.s32 $0xFFFFC000  }
.LBB2_6:
0xea: {  	[tilespmem:s28], [sflag:$0x2] =	stream.indirect.gather [hbm4b:s14+s25], $0x80, s2, s25, $0xb8;
	[tilespmem:$0x1F800] =	vst v63  }
0xeb: {  	s2 =	smov.u32 s0  }
0xec: {  	p0 =	sne.s32 s0, $0x4800;
	s0 =	sadd.s32 $0x400, s0;
	_ =	swait.ge [sflag:s29], $0x4000  }
0xed: {  	s2 =	sshra.s32 s2, $0x2;
	[sflag:s29] =	ssyncset.done $0x0  }
0xee: {  	s3 =	sadd.s32 $0x1400, s2;
	[sflag:s29] =	ssyncadd.s32 $0xFFFFC000  }
0xef: {  	[spmem:s16] =	stream.indirect.scatter.add.f32 [tilespmem:s26], [sflag:$0x3], $0x80, s3, s25, $0xb8;
	[tilespmem:$0x1F800] =	vst v63  }
0xf0: {  	_ =	swait.ge [sflag:s23], $0x4000  }
0xf1: {  	[sflag:s23] =	ssyncset.done $0x0  }
0xf2: {  	s3 =	sadd.s32 $0x100, s2;
	[sflag:s23] =	ssyncadd.s32 $0xFFFFC000  }
0xf3: {  	[tilespmem:s26], [sflag:$0x1] =	stream.indirect.gather [hbm4b:s14+s25], $0x80, s3, s25, $0xb8;
	[tilespmem:$0x1F800] =	vst v63  }
0xf4: {  	_ =	swait.ge [sflag:s30], $0x4000  }
0xf5: {  	[sflag:s30] =	ssyncset.done $0x0  }
.Ltmp2:
0xf6: {  	s3 =	sadd.s32 $0x1480, s2;
	[sflag:s30] =	ssyncadd.s32 $0xFFFFC000;
	(pc) =	sbr.rel @p0 .LBB2_6-.Ltmp2, $4  }
0xf7: {  	[spmem:s16] =	stream.indirect.scatter.add.f32 [tilespmem:s28], [sflag:$0x3], $0x80, s3, s25, $0xb8;
	[tilespmem:$0x1F800] =	vst v63  }
0xf8: {  	_ =	swait.ge [sflag:s23], $0x4000  }
0xf9: {  	[sflag:s23] =	ssyncset.done $0x0  }
0xfa: {  	s2 =	sadd.s32 $0x180, s2;
	[sflag:s23] =	ssyncadd.s32 $0xFFFFC000  }
0xfb: {  	[tilespmem:s28], [sflag:$0x2] =	stream.indirect.gather [hbm4b:s14+s25], $0x80, s2, s25, $0xb8;
	[tilespmem:$0x1F800] =	vst v63  }
0xfc: {  	_ =	swait.ge [sflag:s29], $0x4000  }
0xfd: {  	[sflag:s29] =	ssyncset.done $0x0  }
0xfe: {  	[sflag:s29] =	ssyncadd.s32 $0xFFFFC000  }
0xff: {  	[spmem:s16] =	stream.indirect.scatter.add.f32 [tilespmem:s26], [sflag:$0x3], $0x80, s31, s25, $0xb8;
	[tilespmem:$0x1F800] =	vst v63  }
0x100: {  	_ =	swait.ge [sflag:s23], $0x4000  }
0x101: {  	[sflag:s23] =	ssyncset.done $0x0  }
0x102: {  	[sflag:s23] =	ssyncadd.s32 $0xFFFFC000  }
0x103: {  	_ =	swait.ge [sflag:s30], $0x4000  }
0x104: {  	[sflag:s30] =	ssyncset.done $0x0  }
0x105: {  	[sflag:s30] =	ssyncadd.s32 $0xFFFFC000  }
0x106: {  	[spmem:s16] =	stream.indirect.scatter.add.f32 [tilespmem:s28], [sflag:$0x3], $0x80, s15, s25, $0xb8;
	[tilespmem:$0x1F800] =	vst v63  }
0x107: {  	_ =	swait.ge [sflag:s23], $0x4000  }
0x108: {  	[sflag:s23] =	ssyncset.done $0x0  }
0x109: {  	s0 =	stileid.u32;
	[sflag:s23] =	ssyncadd.s32 $0xFFFFC000  }
0x10a: {  	s0 =	sshll.u32 s0, $0x6;
	[bflag:$0x0] =	sbarrier.arrive $0xFFFF  }
0x10b: {  	s2 =	sshrl.u32 s19, $0x3;
	s0 =	sor.u32 $0x1C03, s0;
	s3 =	rddreg [dreg:$0x8]  }
0x10c: {  	[hbm:s3], [sflag:s0] =	dma.local [spmem:s2], $0x400  }
0x10d: {  	_ =	swait.ge [sflag:s23], $0x400  }
0x10e: {  	[sflag:s23] =	ssyncset.done $0x0;
	s2 =	rddreg [dreg:$0x9]  }
0x10f: {  	s3 =	rddreg [dreg:$0x13];
	[sflag:s23] =	ssyncadd.s32 $0xFFFFFC00  }
0x110: {  	[hbm:s2], [sflag:s0] =	dma.local [spmem:s3], $0x400  }
0x111: {  	_ =	swait.ge [sflag:s23], $0x400  }
0x112: {  	[sflag:s23] =	ssyncset.done $0x0;
	s2 =	rddreg [dreg:$0xa]  }
0x113: {  	s3 =	rddreg [dreg:$0x14];
	[sflag:s23] =	ssyncadd.s32 $0xFFFFFC00  }
0x114: {  	[hbm:s2], [sflag:s0] =	dma.local [spmem:s3], $0x400  }
0x115: {  	_ =	swait.ge [sflag:s23], $0x400  }
0x116: {  	[sflag:s23] =	ssyncset.done $0x0;
	s2 =	rddreg [dreg:$0xb]  }
0x117: {  	s3 =	rddreg [dreg:$0x15];
	[sflag:s23] =	ssyncadd.s32 $0xFFFFFC00  }
0x118: {  	[hbm:s2], [sflag:s0] =	dma.local [spmem:s3], $0x400  }
0x119: {  	_ =	swait.ge [sflag:s23], $0x400  }
0x11a: {  	[sflag:s23] =	ssyncset.done $0x0;
	s2 =	rddreg [dreg:$0xc]  }
0x11b: {  	s3 =	rddreg [dreg:$0x16];
	[sflag:s23] =	ssyncadd.s32 $0xFFFFFC00  }
0x11c: {  	[hbm:s2], [sflag:s0] =	dma.local [spmem:s3], $0x400  }
0x11d: {  	_ =	swait.ge [sflag:s23], $0x400  }
0x11e: {  	[sflag:s23] =	ssyncset.done $0x0;
	s2 =	rddreg [dreg:$0xd]  }
0x11f: {  	s3 =	rddreg [dreg:$0x17];
	[sflag:s23] =	ssyncadd.s32 $0xFFFFFC00  }
0x120: {  	[hbm:s2], [sflag:s0] =	dma.local [spmem:s3], $0x400  }
0x121: {  	_ =	swait.ge [sflag:s23], $0x400  }
0x122: {  	[sflag:s23] =	ssyncset.done $0x0;
	s2 =	rddreg [dreg:$0xe]  }
0x123: {  	s3 =	rddreg [dreg:$0x18];
	[sflag:s23] =	ssyncadd.s32 $0xFFFFFC00  }
0x124: {  	[hbm:s2], [sflag:s0] =	dma.local [spmem:s3], $0x400  }
0x125: {  	_ =	swait.ge [sflag:s23], $0x400  }
0x126: {  	[sflag:s23] =	ssyncset.done $0x0;
	s2 =	rddreg [dreg:$0xf]  }
0x127: {  	s3 =	rddreg [dreg:$0x19];
	[sflag:s23] =	ssyncadd.s32 $0xFFFFFC00  }
0x128: {  	[hbm:s2], [sflag:s0] =	dma.local [spmem:s3], $0x400  }
0x129: {  	_ =	swait.ge [sflag:s23], $0x400  }
0x12a: {  	[sflag:s23] =	ssyncset.done $0x0;
	s2 =	rddreg [dreg:$0x10]  }
0x12b: {  	s3 =	rddreg [dreg:$0x1a];
	[sflag:s23] =	ssyncadd.s32 $0xFFFFFC00  }
0x12c: {  	[hbm:s2], [sflag:s0] =	dma.local [spmem:s3], $0x400  }
0x12d: {  	_ =	swait.ge [sflag:s23], $0x400  }
0x12e: {  	[sflag:s23] =	ssyncset.done $0x0;
	s2 =	rddreg [dreg:$0x11]  }
0x12f: {  	s3 =	rddreg [dreg:$0x1b];
	[sflag:s23] =	ssyncadd.s32 $0xFFFFFC00  }
0x130: {  	[hbm:s2], [sflag:s0] =	dma.local [spmem:s3], $0x400  }
0x131: {  	_ =	swait.ge [sflag:s23], $0x400  }
0x132: {  	s1 =	sadd.s32 $0x1, s1;
	s3 =	rddreg [dreg:$0x12]  }
0x133: {  	p0 =	sne.s32 s1, s3  }
.Ltmp3:
0x134: {  	_ = 	snop;
	(pc) =	sbr.rel @p0 .LBB2_1-.Ltmp3, $3  }
0x135: {  	_ =	sdelay $0x1  }
0x136: {  	[sflag:s23] =	ssyncset.done $0x0  }
0x137: {  	[sflag:s23] =	ssyncadd.s32 $0xFFFFFC00  }
0x138: {  	_ =	sfence.sel $0x180000  }
0x139: {  	[bflag:$0x0] =	sbarrier.arrive $0xFFFF  }
0x13a: {  	_ =	strace $0x9000004A  }
0x13b: {  	s0 =	stileid.u32;
	[bflag:$0x2] =	sbarrier.arrive $0xFFFF  }
0x13c: {  	p0 =	sne.s32 s0, $0x0;
	s0 =	rddreg [dreg:$0x3]  }
0x13d: {  	s0 =	sadd.s32 @!p0 $0x100000, s0  }
0x13e: {  	[sflag:s0] =	ssyncadd.tile.s32 @!p0 $0x1;
	_ =	shalt  }
.Lfunc_end2:
_tile_overlayer_lowered:
.L_overlay_start_2:
0x13f: {  	(tag) =	ssettag $0x2  }
0x140: {  	s0 =	rddreg [dreg:$0x0];
	s2 =	stileid.u32  }
0x141: {  	s1 =	rddreg [dreg:$0x1];
	p0 =	sne.s32 s2, $0x0  }
0x142: {  	s3 =	rddreg [dreg:$0x2];
	[bflag:$0x3] =	sbarrier.arrive $0xFFFF;
	s2 =	simm.s32 @!p0 $0x1C03  }
0x143: {  	[timem:s3], [sflag:s2] =	dma.local @!p0 [hbm:s0], s1  }
0x144: {  	s0 =	simm.s32 @!p0 $0x3  }
0x145: {  	_ =	swait.ge @!p0 [sflag:s0], s1  }
0x146: {  	s1 =	ssub.s32 @!p0 $0x0, s1;
	[sflag:s0] =	ssyncset.done @!p0 $0x0  }
0x147: {  	[sflag:s0] =	ssyncadd.s32 @!p0 s1  }
0x148: {  	[bflag:$0x3] =	sbarrier.arrive $0xFFFF  }
0x149: {  	_ =	shalt  }

// kernel: kernel.14.cloned.1.call-start
scs
__scs_entry_jumppad:
0x0: {  	(pc) =	sbr.rel $0x88, $3  }
0x1: {  	(tag) =	ssettag $0x0;
	lr =	simm.s32 $0x1  }
0x2: {  	[smem:$0x3F9B] =	sst lr;
	_ =	strace $0xD0000000  }
0x3: {  	_ = 	snop  }
0x4: {  	_ = 	snop  }
0x5: {  	_ = 	snop  }
0x6: {  	_ = 	snop  }
0x7: {  	_ = 	snop  }
__scs_overlays_trampoline_lowered:
0x8: {  	[smem:$0x3FAA] =	sst s0  }
0x9: {  	[smem:$0x3FAB] =	sst s1  }
0xa: {  	[smem:$0x3FAC] =	sst s2  }
0xb: {  	[smem:$0x3FAD] =	sst s3  }
0xc: {  	[smem:$0x3FAE] =	sst s4  }
0xd: {  	[smem:$0x3FAF] =	sst s5  }
0xe: {  	[smem:$0x3FB0] =	sst s6  }
0xf: {  	[smem:$0x3FB1] =	sst s7  }
0x10: {  	[smem:$0x3FB2] =	sst s8  }
0x11: {  	[smem:$0x3FB3] =	sst s9;
	s0 =	simm.s32 @!p0 $0x0  }
0x12: {  	s1 =	sld [smem:$0x3F99];
	s0 =	simm.s32 @p0 $0x1  }
0x13: {  	[smem:$0x3FB4] =	sst s0;
	s0 =	simm.s32 @!p1 $0x0  }
0x14: {  	s2 =	sld [smem:$0x3F98];
	s0 =	simm.s32 @p1 $0x1  }
0x15: {  	[smem:$0x3FB5] =	sst s0;
	s0 =	simm.s32 @!p2 $0x0  }
0x16: {  	s3 =	sld [smem:$0x3FDB];
	s0 =	simm.s32 @p2 $0x1  }
0x17: {  	s4 =	simm.s32 $0x1BF5;
	[smem:$0x3FB7] =	sst s0  }
0x18: {  	s0 =	sld [smem:$0x3F9A];
	_ =	swait.ge [sflag:s4], $0x0  }
0x19: {  	s7 =	sld [smem:$0x3F9B]  }
0x1a: {  	s8 =	sadd.s32 $0xFFFFE003, lr  }
0x1b: {  	s9 =	sadd.s32 $0xFFFFFEF7, lr;
	s5 =	simm.s32 $0xFFFFFFFF;
	p2 =	slt.u32 s8, $0xFFFFF086  }
0x1c: {  	p1 =	slt.u32 s9, $0xF7A;
	s5 =	simm.s32 @!p2 $0x0  }
0x1d: {  	s5 =	simm.s32 @p1 $0x1;
	p0 =	seq.s32 s7, s2  }
0x1e: {  	s7 =	smul.u32 @!p0 $0xF7A, s2;
	p2 =	seq.s32 @!p0 s5, $0x0  }
0x1f: {  	s9 =	smul.u32 $0xF7A, s1;
	s8 =	simm.s32 @!p0 $0x1BF5;
	p2 =	por !p2, p0  }
0x20: {  	[sflag:s8] =	ssyncset.s32 @!p0 $0xFFFFF086;
	s6 =	sadd.s32 @!p0 s3, s7;
	s7 =	simm.s32 @!p0 $0x108  }
0x21: {  	s3 =	sadd.s32 s3, s9;
	s6 =	sadd.s32 @!p0 $0x88, s6;
	s7 =	simm.s32 @p2 $0x1082  }
0x22: {  	[simem:s7], [sflag:s8] =	dma.local @!p0 [hbm:s6], $0xF7A  }
0x23: {  	s9 =	sor.u32 $0xD0000000, s2;
	s6 =	simm.s32 $0x108;
	_ =	swait.ge @!p0 [sflag:s8], $0x0  }
0x24: {  	s3 =	sadd.s32 $0x88, s3;
	s6 =	simm.s32 @!p1 $0x1082;
	[sflag:s4] =	ssyncset.s32 $0xFFFFF086  }
0x25: {  	[simem:s6], [sflag:s4] =	dma.local [hbm:s3], $0xF7A  }
0x26: {  	[smem:$0x3F9B] =	sst s1;
	(tag) =	ssettag s2;
	_ =	strace s9  }
0x27: {  	s1 =	sld [smem:$0x3FAB]  }
0x28: {  	s2 =	sld [smem:$0x3FAC]  }
0x29: {  	s4 =	sld [smem:$0x3FAE]  }
0x2a: {  	p0 =	seq.s32 s5, $0x0;
	s5 =	sld [smem:$0x3FAF]  }
0x2b: {  	s6 =	sld [smem:$0x3FB0]  }
0x2c: {  	s7 =	sld [smem:$0x3FB1]  }
0x2d: {  	s3 =	simm.s32 $0x108;
	s8 =	sld [smem:$0x3FB2]  }
0x2e: {  	s3 =	simm.s32 @!p0 $0x1082;
	s9 =	sld [smem:$0x3FB3]  }
0x2f: {  	lr =	sadd.s32 s0, s3;
	s0 =	sld [smem:$0x3FAA]  }
0x30: {  	s3 =	sld [smem:$0x3FAD]  }
0x31: {  	[smem:$0x3FB6] =	sst s10  }
0x32: {  	s10 =	sld [smem:$0x3FB4];
	_ =	sdelay $0x3  }
0x33: {  	p0 =	seq.s32 s10, $0x1;
	s10 =	sld [smem:$0x3FB6];
	_ =	sdelay $0x3  }
0x34: {  	[smem:$0x3FB6] =	sst s10  }
0x35: {  	s10 =	sld [smem:$0x3FB5];
	_ =	sdelay $0x3  }
0x36: {  	p1 =	seq.s32 s10, $0x1;
	s10 =	sld [smem:$0x3FB6];
	_ =	sdelay $0x3  }
0x37: {  	[smem:$0x3FB6] =	sst s10  }
0x38: {  	s10 =	sld [smem:$0x3FB7]  }
0x39: {  	_ = 	snop;
	(pc) =	sbr.ind lr, $3  }
0x3a: {  	_ = 	snop  }
0x3b: {  	_ = 	snop  }
0x3c: {  	p2 =	seq.s32 s10, $0x1;
	s10 =	sld [smem:$0x3FB6]  }
0x3d: {  	_ =	shalt  }
0x3e: {  	_ =	shalt  }
0x3f: {  	_ =	shalt  }
0x40: {  	_ =	shalt  }
0x41: {  	_ =	shalt  }
0x42: {  	_ =	shalt  }
0x43: {  	_ =	shalt  }
0x44: {  	_ =	shalt  }
0x45: {  	_ =	shalt  }
0x46: {  	_ =	shalt  }
0x47: {  	_ =	shalt  }
0x48: {  	_ =	shalt  }
0x49: {  	_ =	shalt  }
0x4a: {  	_ =	shalt  }
0x4b: {  	_ =	shalt  }
0x4c: {  	_ =	shalt  }
0x4d: {  	_ =	shalt  }
0x4e: {  	_ =	shalt  }
0x4f: {  	_ =	shalt  }
0x50: {  	_ =	shalt  }
0x51: {  	_ =	shalt  }
0x52: {  	_ =	shalt  }
0x53: {  	_ =	shalt  }
0x54: {  	_ =	shalt  }
0x55: {  	_ =	shalt  }
0x56: {  	_ =	shalt  }
0x57: {  	_ =	shalt  }
0x58: {  	_ =	shalt  }
0x59: {  	_ =	shalt  }
0x5a: {  	_ =	shalt  }
0x5b: {  	_ =	shalt  }
0x5c: {  	_ =	shalt  }
0x5d: {  	_ =	shalt  }
0x5e: {  	_ =	shalt  }
0x5f: {  	_ =	shalt  }
0x60: {  	_ =	shalt  }
0x61: {  	_ =	shalt  }
0x62: {  	_ =	shalt  }
0x63: {  	_ =	shalt  }
0x64: {  	_ =	shalt  }
0x65: {  	_ =	shalt  }
0x66: {  	_ =	shalt  }
0x67: {  	_ =	shalt  }
0x68: {  	_ =	shalt  }
0x69: {  	_ =	shalt  }
0x6a: {  	_ =	shalt  }
0x6b: {  	_ =	shalt  }
0x6c: {  	_ =	shalt  }
0x6d: {  	_ =	shalt  }
0x6e: {  	_ =	shalt  }
0x6f: {  	_ =	shalt  }
0x70: {  	_ =	shalt  }
0x71: {  	_ =	shalt  }
0x72: {  	_ =	shalt  }
0x73: {  	_ =	shalt  }
0x74: {  	_ =	shalt  }
0x75: {  	_ =	shalt  }
0x76: {  	_ =	shalt  }
0x77: {  	_ =	shalt  }
0x78: {  	_ =	shalt  }
0x79: {  	_ =	shalt  }
0x7a: {  	_ =	shalt  }
0x7b: {  	_ =	shalt  }
0x7c: {  	_ =	shalt  }
0x7d: {  	_ =	shalt  }
0x7e: {  	_ =	shalt  }
0x7f: {  	_ =	shalt  }
0x80: {  	_ =	shalt  }
0x81: {  	_ =	shalt  }
0x82: {  	_ =	shalt  }
0x83: {  	_ =	shalt  }
0x84: {  	_ =	shalt  }
0x85: {  	_ =	shalt  }
0x86: {  	_ =	shalt  }
0x87: {  	_ =	shalt  }
.Lfunc_end0:
.L_simem_size_0:
called_computation.2_lowered:
.L_overlay_start_0:
0x88: {  	s2 =	sld [smem:$0x3FD9]  }
0x89: {  	s3 =	sld [smem:$0x3FFE];
	_ =	sdelay $0x1  }
0x8a: {  	s1 =	srdreg.scid  }
0x8b: {  	s0 =	sand.u32 $0x1, s1  }
0x8c: {  	s17 =	sshll.u32 s0, $0xA;
	s2 =	sadd.s32 s3, s2  }
0x8d: {  	s2 =	sadd.s32 s2, s17  }
0x8e: {  	[smem:$0x3FC2] =	sst s2  }
0x8f: {  	_ = 	snop  }
0x90: {  	s2 =	sld [smem:$0x3FD0];
	(tm) =	ssettm $0x1  }
0x91: {  	s18 =	sld [smem:$0x3FFB];
	_ =	sdelay $0x3  }
0x92: {  	_ =	strace s18  }
0x93: {  	s3 =	sld [smem:$0x3FFC];
	_ =	sdelay $0x3  }
0x94: {  	_ =	strace s3  }
0x95: {  	s3 =	sld [smem:$0x3FFD];
	_ =	sdelay $0x3  }
0x96: {  	_ =	strace s3  }
0x97: {  	_ =	strace $0x8FFFFFFF  }
0x98: {  	s19 =	sld [smem:$0x3FDB];
	_ =	sdelay $0x1  }
0x99: {  	s4 =	simm.s32 $_scs_section_size  }
0x9a: {  	s5 =	simm.s32 $_size__tile_overlayer_lowered;
	s6 =	simm.s32 $_tile_overlayer_lowered  }
0x9b: {  	s22 =	simm.s32 $0x1BFF;
	s21 =	sshll.u32 s6, $0x1;
	s3 =	sadd.s32 s4, s19  }
0x9c: {  	s7 =	simm.s32 $0x0;
	s20 =	sshll.u32 s5, $0x1;
	s5 =	sadd.s32 s21, s3  }
0x9d: {  	[timem:s7], [sflag:s22] =	dma.local [hbm:s5], s20  }
0x9e: {  	_ =	swait.ge [sflag:s22], s20  }
0x9f: {  	s4 =	ssub.s32 $0x0, s20;
	[sflag:s22] =	ssyncset.done $0x0  }
0xa0: {  	[sflag:s22] =	ssyncadd.s32 s4;
	_ =	sdelay $0x1  }
0xa1: {  	s23 =	simm.s32 $0x1B8B  }
0xa2: {  	_ =	swait.ge [sflag:s23], $0x1  }
0xa3: {  	[sflag:s23] =	ssyncset.done $0x0  }
0xa4: {  	s25 =	simm.s32 $0x1B8E;
	s24 =	sld [smem:$0x3FFE];
	[sflag:s23] =	ssyncadd.s32 $0xFFFFFFFF  }
0xa5: {  	s26 =	simm.s32 $execute0_lowered;
	[smem:$0x3FD2] =	sst s25  }
0xa6: {  	s5 =	sshll.u32 s26, $0x1;
	_ =	strace $0x8000004C;
	[dreg:$0x1] =	wrdreg $0xFFFFFFFF  }
0xa7: {  	s28 =	simm.s32 $_size_execute0_lowered;
	s3 =	sadd.s32 s3, s5;
	[dreg:$0x0] =	wrdreg $0x0  }
0xa8: {  	s5 =	sshll.u32 s28, $0x1;
	[dreg:$0x2] =	wrdreg s3  }
0xa9: {  	[dreg:$0x3] =	wrdreg s5  }
0xaa: {  	[dreg:$0x4] =	wrdreg $0xC0  }
0xab: {  	_ =	task [dreg:s7], $0x5FFFF  }
0xac: {  	[dreg:$0x1] =	wrdreg $0xFFFFFFFF  }
0xad: {  	[dreg:$0x0] =	wrdreg $0x60  }
0xae: {  	[dreg:$0x2] =	wrdreg s2  }
0xaf: {  	[dreg:$0x3] =	wrdreg s24  }
0xb0: {  	[dreg:$0x4] =	wrdreg $0x38000  }
0xb1: {  	[dreg:$0x5] =	wrdreg $0x9  }
0xb2: {  	_ =	task.clear_ibuf [dreg:s7], $0x6FFFF;
	_ =	strace $0x9000004C  }
0xb3: {  	s29 =	simm.s32 $0x9;
	_ =	strace $0x8000004E  }
0xb4: {  	_ =	swait.ge [sflag:s29], $0x1  }
0xb5: {  	[sflag:s29] =	ssyncadd.s32 $0xFFFFFFFF  }
0xb6: {  	_ =	strace $0x9000004E  }
0xb7: {  	_ =	sfence  }
0xb8: {  	s30 =	sld [smem:$0x0];
	_ =	sdelay $0x2  }
0xb9: {  	s31 =	sshll.u32 s1, $0xD;
	s1 =	sshrl.u32 s1, $0x2  }
0xba: {  	s3 =	sand.u32 $0x4000, s31;
	s1 =	sadd.s32 s1, s30  }
0xbb: {  	s0 =	sor.u32 s3, s0;
	s1 =	sshll.u32 s1, $0x11  }
0xbc: {  	s0 =	sor.u32 s1, s0  }
0xbd: {  	s0 =	sadd.s32 $0x8F2B, s0  }
0xbe: {  	[sflag:s0] =	ssyncadd.remote.s32 $0x1  }
0xbf: {  	_ =	sfence.sel $0xFFFF  }
0xc0: {  	[dreg:$0x0] =	wrdreg $0xFFFFFFFF;
	(pc) =	sbr.abs _section_cstart, $3  }
0xc1: {  	[dreg:$0x1] =	wrdreg $0xFFFFFFFF  }
0xc2: {  	_ =	task.clear_ibuf [dreg:s7], $0x2FFFF;
	_ =	strace $0x9FFFFFFF  }
0xc3: {  	(tm) =	ssettm $0x7FFFFFFF  }
tec
execute0_lowered:
.L_overlay_start_1:
0x0: {  	(tag) =	ssettag $0x1  }
0x1: {  	s0 =	rddreg [dreg:$0x1]  }
0x2: {  	s2 =	srdreg.scid;
	s10 =	stileid.u32;
	s1 =	simm.s32 $0x0  }
0x3: {  	s28 =	simm.s32 $0x1B800;
	s29 =	simm.s32 $0x1;
	s30 =	simm.s32 $0x2  }
0x4: {  	s2 =	sand.u32 $0x1, s2;
	s3 =	smul.u32 $0x5000, s10;
	[smem:$0x7FF] =	sst s1  }
0x5: {  	s4 =	sadd.s32 $0xC400, s0;
	s6 =	sadd.s32 $0x2400, s0;
	s5 =	smul.u32 $0x2800, s2  }
0x6: {  	s0 =	sadd.s32 $0x66400, s0;
	s9 =	smul.u32 $0x50000, s10;
	s7 =	ssub.s32 $0x2, s2  }
0x7: {  	s2 =	smul.u32 $0x140000, s2;
	s8 =	sshrl.u32 s7, $0x1;
	s3 =	sadd.s32 s5, s3  }
0x8: {  	s5 =	ssub.s32 s7, s8;
	s7 =	smul.u32 $0x14000, s10;
	s3 =	sshrl.u32 s3, $0x3  }
0x9: {  	s8 =	sshrl.u32 s9, $0x2;
	s23 =	sadd.s32 s4, s3;
	s24 =	sadd.s32 s6, s3  }
0xa: {  	s3 =	sadd.s32 $0x280, s3;
	s9 =	sor.u32 $0x2000, s7;
	s25 =	sadd.s32 s2, s7  }
0xb: {  	s10 =	sadd.s32 $0x8000, s7;
	s18 =	sadd.s32 $0xA000, s7;
	[dreg:$0x4] =	wrdreg s23  }
0xc: {  	s20 =	sadd.s32 $0xC000, s7;
	[dreg:$0x5] =	wrdreg s24;
	s4 =	sadd.s32 s4, s3  }
0xd: {  	s26 =	sadd.s32 s2, s9;
	s3 =	sadd.s32 s6, s3;
	s11 =	sshrl.u32 s25, $0x3  }
0xe: {  	s6 =	sadd.s32 $0x6000, s7;
	s19 =	sadd.s32 s2, s18;
	[dreg:$0x6] =	wrdreg s4  }
0xf: {  	s24 =	sadd.s32 $0x10000, s7;
	[dreg:$0x7] =	wrdreg s3;
	s12 =	sshrl.u32 s26, $0x3  }
0x10: {  	s3 =	sadd.s32 s0, s11;
	s11 =	sadd.s32 s2, s6;
	s25 =	sadd.s32 s2, s24  }
0x11: {  	s26 =	smax.u32 s5, $0x1;
	[dreg:$0x8] =	wrdreg s3;
	s13 =	sadd.s32 s0, s12  }
0x12: {  	s3 =	sadd.s32 $0x4000, s7;
	s15 =	sshrl.u32 s11, $0x3;
	s11 =	sshrl.u32 s19, $0x3  }
0x13: {  	s12 =	sadd.s32 s2, s10;
	[dreg:$0x9] =	wrdreg s13;
	s11 =	sadd.s32 s0, s11  }
0x14: {  	s14 =	sadd.s32 s2, s3;
	s16 =	sshrl.u32 s12, $0x3;
	[dreg:$0xd] =	wrdreg s11  }
0x15: {  	s13 =	sadd.s32 $0xE000, s7;
	s17 =	sadd.s32 s0, s16;
	s16 =	rddreg [dreg:$0x2]  }
0x16: {  	s4 =	sshrl.u32 s14, $0x3;
	s14 =	sadd.s32 s2, s20;
	[dreg:$0xc] =	wrdreg s17  }
0x17: {  	s4 =	sadd.s32 s0, s4;
	s21 =	sshrl.u32 s14, $0x3;
	s14 =	rddreg [dreg:$0x0]  }
0x18: {  	s7 =	sadd.s32 $0x12000, s7;
	s19 =	sadd.s32 s8, s16;
	[dreg:$0xa] =	wrdreg s4  }
0x19: {  	s4 =	sadd.s32 s0, s15;
	s15 =	sadd.s32 s2, s13;
	s11 =	sadd.s32 s0, s21  }
0x1a: {  	s2 =	sadd.s32 s2, s7;
	[dreg:$0xb] =	wrdreg s4;
	s22 =	sshrl.u32 s15, $0x3  }
0x1b: {  	[dreg:$0xe] =	wrdreg s11;
	s15 =	sshrl.u32 s25, $0x3;
	s23 =	sadd.s32 s0, s22  }
0x1c: {  	s2 =	sshrl.u32 s2, $0x3;
	s15 =	sadd.s32 s0, s15;
	[dreg:$0xf] =	wrdreg s23  }
0x1d: {  	s3 =	sadd.s32 s3, s16;
	s0 =	sadd.s32 s0, s2;
	[dreg:$0x10] =	wrdreg s15  }
0x1e: {  	s5 =	sadd.s32 s6, s16;
	s2 =	sadd.s32 s9, s16;
	[dreg:$0x11] =	wrdreg s0  }
0x1f: {  	s0 =	sshrl.u32 s2, $0x3;
	_ =	strace $0x8000004D;
	[dreg:$0x12] =	wrdreg s26  }
0x20: {  	s6 =	sadd.s32 s10, s16;
	s11 =	sshrl.u32 s3, $0x3;
	[dreg:$0x13] =	wrdreg s0  }
0x21: {  	s12 =	sshrl.u32 s5, $0x3;
	s4 =	sadd.s32 s18, s16;
	[dreg:$0x14] =	wrdreg s11  }
0x22: {  	s9 =	sadd.s32 s13, s16;
	s13 =	sshrl.u32 s6, $0x3;
	[dreg:$0x15] =	wrdreg s12  }
0x23: {  	s8 =	sadd.s32 s20, s16;
	s15 =	sshrl.u32 s4, $0x3;
	[dreg:$0x16] =	wrdreg s13  }
0x24: {  	s31 =	simm.s32 $0x2700;
	s17 =	sshrl.u32 s8, $0x3;
	[dreg:$0x17] =	wrdreg s15  }
0x25: {  	s10 =	sadd.s32 s24, s16;
	s18 =	sshrl.u32 s9, $0x3;
	[dreg:$0x18] =	wrdreg s17  }
0x26: {  	s7 =	sadd.s32 s7, s16;
	s20 =	sshrl.u32 s10, $0x3;
	[dreg:$0x19] =	wrdreg s18  }
0x27: {  	s24 =	sadd.s32 $0x3000, s19;
	s21 =	sshrl.u32 s7, $0x3;
	[dreg:$0x1a] =	wrdreg s20  }
0x28: {  	s5 =	sadd.s32 $0x7000, s19;
	s22 =	sadd.s32 $0x1000, s19;
	[dreg:$0x1b] =	wrdreg s21  }
0x29: {  	s8 =	sadd.s32 $0xA000, s19;
	s23 =	sadd.s32 $0x2000, s19;
	[dreg:$0x1c] =	wrdreg s22  }
0x2a: {  	s10 =	sadd.s32 $0xC000, s19;
	s25 =	sadd.s32 $0x4000, s19;
	[dreg:$0x1d] =	wrdreg s23  }
0x2b: {  	s7 =	sadd.s32 $0x9000, s19;
	s6 =	sadd.s32 $0x8000, s19;
	[dreg:$0x1e] =	wrdreg s24  }
0x2c: {  	s4 =	sadd.s32 $0x6000, s19;
	s9 =	sadd.s32 $0xB000, s19;
	[dreg:$0x1f] =	wrdreg s25  }
0x2d: {  	s26 =	sadd.s32 $0x5000, s19;
	s11 =	sadd.s32 $0xD000, s19;
	s12 =	sadd.s32 $0xE000, s19  }
0x2e: {  	s13 =	sadd.s32 $0xF000, s19;
	s17 =	sadd.s32 $0x10000, s19;
	s18 =	sadd.s32 $0x11000, s19  }
0x2f: {  	s20 =	sadd.s32 $0x12000, s19;
	s21 =	sadd.s32 $0x13000, s19;
	s22 =	simm.s32 $0x2800  }
0x30: {  	s23 =	simm.s32 $0x3;
	s24 =	simm.s32 $0x1400;
	s25 =	simm.s32 $0x80  }
0x31: {  	v0 =	vimm.f32 $0.0e+00;
	s15 =	simm.s32 $0x2780;
	[smem:$0x7FD] =	sst s26;
	s26 =	simm.s32 $0x17800  }
.LBB2_1:
0x32: {  	s0 =	simm.s32 $0x0;
	s2 =	simm.s32 $0x200  }
.LBB2_2:
0x33: {  	p0 =	sne.s32 s2, $0x3E00;
	[tilespmem:s0+$0x2870] =	vst v0  }
0x34: {  	[tilespmem:s0+$0x2800] =	vst v0  }
0x35: {  	[tilespmem:s0+$0x2810] =	vst v0  }
.Ltmp0:
0x36: {  	[tilespmem:s0+$0x2820] =	vst v0;
	(pc) =	sbr.rel @p0 .LBB2_2-.Ltmp0, $4  }
0x37: {  	[tilespmem:s0+$0x2830] =	vst v0  }
0x38: {  	[tilespmem:s0+$0x2840] =	vst v0  }
0x39: {  	[tilespmem:s0+$0x2850] =	vst v0  }
0x3a: {  	[tilespmem:s0+$0x2860] =	vst v0;
	s0 =	sshra.s32 s2, $0x2;
	s2 =	sadd.s32 $0x200, s2  }
0x3b: {  	[tilespmem:s0+$0x2870] =	vst v0  }
0x3c: {  	[tilespmem:s0+$0x2800] =	vst v0  }
0x3d: {  	[tilespmem:s0+$0x2810] =	vst v0  }
0x3e: {  	[tilespmem:s0+$0x2820] =	vst v0  }
0x3f: {  	[tilespmem:s0+$0x2830] =	vst v0  }
0x40: {  	[tilespmem:s0+$0x2840] =	vst v0  }
0x41: {  	[tilespmem:s0+$0x2850] =	vst v0  }
0x42: {  	[tilespmem:s0+$0x2860] =	vst v0  }
0x43: {  	[spmem:s19] =	stream.linear.scatter [tilespmem:s22], [sflag:$0x3], $0x1000, $0x38;
	[tilespmem:$0x1F800] =	vst v63  }
0x44: {  	_ =	swait.ge [sflag:s23], $0x1000  }
0x45: {  	[sflag:s23] =	ssyncset.done $0x0  }
0x46: {  	s2 =	rddreg [dreg:$0x1c];
	[sflag:s23] =	ssyncadd.s32 $0xFFFFF000  }
0x47: {  	[spmem:s2] =	stream.linear.scatter [tilespmem:s22], [sflag:$0x3], $0x1000, $0x38;
	[tilespmem:$0x1F800] =	vst v63  }
0x48: {  	_ =	swait.ge [sflag:s23], $0x1000  }
0x49: {  	[sflag:s23] =	ssyncset.done $0x0  }
0x4a: {  	s3 =	rddreg [dreg:$0x1d];
	[sflag:s23] =	ssyncadd.s32 $0xFFFFF000  }
0x4b: {  	[spmem:s3] =	stream.linear.scatter [tilespmem:s22], [sflag:$0x3], $0x1000, $0x38;
	[tilespmem:$0x1F800] =	vst v63  }
0x4c: {  	_ =	swait.ge [sflag:s23], $0x1000  }
0x4d: {  	[sflag:s23] =	ssyncset.done $0x0  }
0x4e: {  	s2 =	rddreg [dreg:$0x1e];
	[sflag:s23] =	ssyncadd.s32 $0xFFFFF000  }
0x4f: {  	[spmem:s2] =	stream.linear.scatter [tilespmem:s22], [sflag:$0x3], $0x1000, $0x38;
	[tilespmem:$0x1F800] =	vst v63  }
0x50: {  	_ =	swait.ge [sflag:s23], $0x1000  }
0x51: {  	[sflag:s23] =	ssyncset.done $0x0  }
0x52: {  	s3 =	rddreg [dreg:$0x1f];
	[sflag:s23] =	ssyncadd.s32 $0xFFFFF000  }
0x53: {  	[spmem:s3] =	stream.linear.scatter [tilespmem:s22], [sflag:$0x3], $0x1000, $0x38;
	[tilespmem:$0x1F800] =	vst v63  }
0x54: {  	_ =	swait.ge [sflag:s23], $0x1000  }
0x55: {  	s2 =	sld [smem:$0x7FD]  }
0x56: {  	[sflag:s23] =	ssyncset.done $0x0  }
0x57: {  	[sflag:s23] =	ssyncadd.s32 $0xFFFFF000  }
0x58: {  	[spmem:s2] =	stream.linear.scatter [tilespmem:s22], [sflag:$0x3], $0x1000, $0x38;
	[tilespmem:$0x1F800] =	vst v63  }
0x59: {  	_ =	swait.ge [sflag:s23], $0x1000  }
0x5a: {  	[sflag:s23] =	ssyncset.done $0x0  }
0x5b: {  	[sflag:s23] =	ssyncadd.s32 $0xFFFFF000  }
0x5c: {  	[spmem:s4] =	stream.linear.scatter [tilespmem:s22], [sflag:$0x3], $0x1000, $0x38;
	[tilespmem:$0x1F800] =	vst v63  }
0x5d: {  	_ =	swait.ge [sflag:s23], $0x1000  }
0x5e: {  	[sflag:s23] =	ssyncset.done $0x0  }
0x5f: {  	[sflag:s23] =	ssyncadd.s32 $0xFFFFF000  }
0x60: {  	[spmem:s5] =	stream.linear.scatter [tilespmem:s22], [sflag:$0x3], $0x1000, $0x38;
	[tilespmem:$0x1F800] =	vst v63  }
0x61: {  	_ =	swait.ge [sflag:s23], $0x1000  }
0x62: {  	[sflag:s23] =	ssyncset.done $0x0  }
0x63: {  	[sflag:s23] =	ssyncadd.s32 $0xFFFFF000  }
0x64: {  	[spmem:s6] =	stream.linear.scatter [tilespmem:s22], [sflag:$0x3], $0x1000, $0x38;
	[tilespmem:$0x1F800] =	vst v63  }
0x65: {  	_ =	swait.ge [sflag:s23], $0x1000  }
0x66: {  	[sflag:s23] =	ssyncset.done $0x0  }
0x67: {  	[sflag:s23] =	ssyncadd.s32 $0xFFFFF000  }
0x68: {  	[spmem:s7] =	stream.linear.scatter [tilespmem:s22], [sflag:$0x3], $0x1000, $0x38;
	[tilespmem:$0x1F800] =	vst v63  }
0x69: {  	_ =	swait.ge [sflag:s23], $0x1000  }
0x6a: {  	[sflag:s23] =	ssyncset.done $0x0  }
0x6b: {  	[sflag:s23] =	ssyncadd.s32 $0xFFFFF000  }
0x6c: {  	[spmem:s8] =	stream.linear.scatter [tilespmem:s22], [sflag:$0x3], $0x1000, $0x38;
	[tilespmem:$0x1F800] =	vst v63  }
0x6d: {  	_ =	swait.ge [sflag:s23], $0x1000  }
0x6e: {  	[sflag:s23] =	ssyncset.done $0x0  }
0x6f: {  	[sflag:s23] =	ssyncadd.s32 $0xFFFFF000  }
0x70: {  	[spmem:s9] =	stream.linear.scatter [tilespmem:s22], [sflag:$0x3], $0x1000, $0x38;
	[tilespmem:$0x1F800] =	vst v63  }
0x71: {  	_ =	swait.ge [sflag:s23], $0x1000  }
0x72: {  	[sflag:s23] =	ssyncset.done $0x0  }
0x73: {  	[sflag:s23] =	ssyncadd.s32 $0xFFFFF000  }
0x74: {  	[spmem:s10] =	stream.linear.scatter [tilespmem:s22], [sflag:$0x3], $0x1000, $0x38;
	[tilespmem:$0x1F800] =	vst v63  }
0x75: {  	_ =	swait.ge [sflag:s23], $0x1000  }
0x76: {  	[sflag:s23] =	ssyncset.done $0x0  }
0x77: {  	[sflag:s23] =	ssyncadd.s32 $0xFFFFF000  }
0x78: {  	[spmem:s11] =	stream.linear.scatter [tilespmem:s22], [sflag:$0x3], $0x1000, $0x38;
	[tilespmem:$0x1F800] =	vst v63  }
0x79: {  	_ =	swait.ge [sflag:s23], $0x1000  }
0x7a: {  	[sflag:s23] =	ssyncset.done $0x0  }
0x7b: {  	[sflag:s23] =	ssyncadd.s32 $0xFFFFF000  }
0x7c: {  	[spmem:s12] =	stream.linear.scatter [tilespmem:s22], [sflag:$0x3], $0x1000, $0x38;
	[tilespmem:$0x1F800] =	vst v63  }
0x7d: {  	_ =	swait.ge [sflag:s23], $0x1000  }
0x7e: {  	[sflag:s23] =	ssyncset.done $0x0  }
0x7f: {  	[sflag:s23] =	ssyncadd.s32 $0xFFFFF000  }
0x80: {  	[spmem:s13] =	stream.linear.scatter [tilespmem:s22], [sflag:$0x3], $0x1000, $0x38;
	[tilespmem:$0x1F800] =	vst v63  }
0x81: {  	_ =	swait.ge [sflag:s23], $0x1000  }
0x82: {  	[sflag:s23] =	ssyncset.done $0x0  }
0x83: {  	[sflag:s23] =	ssyncadd.s32 $0xFFFFF000  }
0x84: {  	[spmem:s17] =	stream.linear.scatter [tilespmem:s22], [sflag:$0x3], $0x1000, $0x38;
	[tilespmem:$0x1F800] =	vst v63  }
0x85: {  	_ =	swait.ge [sflag:s23], $0x1000  }
0x86: {  	[sflag:s23] =	ssyncset.done $0x0  }
0x87: {  	[sflag:s23] =	ssyncadd.s32 $0xFFFFF000  }
0x88: {  	[spmem:s18] =	stream.linear.scatter [tilespmem:s22], [sflag:$0x3], $0x1000, $0x38;
	[tilespmem:$0x1F800] =	vst v63  }
0x89: {  	_ =	swait.ge [sflag:s23], $0x1000  }
0x8a: {  	[sflag:s23] =	ssyncset.done $0x0  }
0x8b: {  	[sflag:s23] =	ssyncadd.s32 $0xFFFFF000  }
0x8c: {  	[spmem:s20] =	stream.linear.scatter [tilespmem:s22], [sflag:$0x3], $0x1000, $0x38;
	[tilespmem:$0x1F800] =	vst v63  }
0x8d: {  	_ =	swait.ge [sflag:s23], $0x1000  }
0x8e: {  	[sflag:s23] =	ssyncset.done $0x0  }
0x8f: {  	[sflag:s23] =	ssyncadd.s32 $0xFFFFF000  }
0x90: {  	[spmem:s21] =	stream.linear.scatter [tilespmem:s22], [sflag:$0x3], $0x1000, $0x38;
	[tilespmem:$0x1F800] =	vst v63  }
0x91: {  	_ =	swait.ge [sflag:s23], $0x1000  }
0x92: {  	[sflag:s23] =	ssyncset.done $0x0  }
0x93: {  	[sflag:s23] =	ssyncadd.s32 $0xFFFFF000  }
0x94: {  	[bflag:$0x0] =	sbarrier.arrive $0xFFFF  }
0x95: {  	s0 =	simm.s32 $0x0;
	s2 =	rddreg [dreg:$0x4]  }
0x96: {  	[tilespmem:s0], [sflag:$0x3] =	stream.linear.gather [hbm4b:s2+s0], $0x1400, $0x38;
	[tilespmem:$0x1F800] =	vst v63  }
0x97: {  	_ =	swait.ge [sflag:s23], $0x1400  }
0x98: {  	[sflag:s23] =	ssyncset.done $0x0  }
0x99: {  	s3 =	rddreg [dreg:$0x5];
	[sflag:s23] =	ssyncadd.s32 $0xFFFFEC00  }
0x9a: {  	[tilespmem:s24], [sflag:$0x3] =	stream.linear.gather [hbm4b:s3+s0], $0x1400, $0x38;
	[tilespmem:$0x1F800] =	vst v63  }
0x9b: {  	_ =	swait.ge [sflag:s23], $0x1400  }
0x9c: {  	[sflag:s23] =	ssyncset.done $0x0  }
0x9d: {  	[sflag:s23] =	ssyncadd.s32 $0xFFFFEC00  }
0x9e: {  	[tilespmem:s26], [sflag:$0x1] =	stream.indirect.gather [hbm4b:s14+s25], $0x80, s0, s25, $0xb8;
	[tilespmem:$0x1F800] =	vst v63  }
0x9f: {  	_ = 	snop  }
0xa0: {  	[tilespmem:s28], [sflag:$0x2] =	stream.indirect.gather [hbm4b:s14+s25], $0x80, s25, s25, $0xb8;
	[tilespmem:$0x1F800] =	vst v63  }
0xa1: {  	_ =	swait.ge [sflag:s29], $0x4000  }
0xa2: {  	[sflag:s29] =	ssyncset.done $0x0  }
0xa3: {  	s3 =	simm.s32 $0x1400;
	[sflag:s29] =	ssyncadd.s32 $0xFFFFC000  }
0xa4: {  	[spmem:s16] =	stream.indirect.scatter.add.f32 [tilespmem:s26], [sflag:$0x3], $0x80, s3, s25, $0xb8;
	[tilespmem:$0x1F800] =	vst v63  }
0xa5: {  	_ =	swait.ge [sflag:s23], $0x4000  }
0xa6: {  	[sflag:s23] =	ssyncset.done $0x0  }
0xa7: {  	s2 =	simm.s32 $0x100;
	[sflag:s23] =	ssyncadd.s32 $0xFFFFC000  }
0xa8: {  	[tilespmem:s26], [sflag:$0x1] =	stream.indirect.gather [hbm4b:s14+s25], $0x80, s2, s25, $0xb8;
	[tilespmem:$0x1F800] =	vst v63  }
0xa9: {  	_ =	swait.ge [sflag:s30], $0x4000  }
0xaa: {  	[sflag:s30] =	ssyncset.done $0x0  }
0xab: {  	s3 =	simm.s32 $0x1480;
	[sflag:s30] =	ssyncadd.s32 $0xFFFFC000  }
0xac: {  	[spmem:s16] =	stream.indirect.scatter.add.f32 [tilespmem:s28], [sflag:$0x3], $0x80, s3, s25, $0xb8;
	[tilespmem:$0x1F800] =	vst v63  }
0xad: {  	_ =	swait.ge [sflag:s23], $0x4000  }
0xae: {  	[sflag:s23] =	ssyncset.done $0x0  }
0xaf: {  	s0 =	simm.s32 $0x400;
	s2 =	simm.s32 $0x180;
	[sflag:s23] =	ssyncadd.s32 $0xFFFFC000  }
.LBB2_4:
0xb0: {  	[tilespmem:s28], [sflag:$0x2] =	stream.indirect.gather [hbm4b:s14+s25], $0x80, s2, s25, $0xb8;
	[tilespmem:$0x1F800] =	vst v63  }
0xb1: {  	s2 =	smov.u32 s0  }
0xb2: {  	p0 =	sne.s32 s0, $0x4800;
	s0 =	sadd.s32 $0x400, s0;
	_ =	swait.ge [sflag:s29], $0x4000  }
0xb3: {  	s2 =	sshra.s32 s2, $0x2;
	[sflag:s29] =	ssyncset.done $0x0  }
0xb4: {  	s3 =	sadd.s32 $0x1400, s2;
	[sflag:s29] =	ssyncadd.s32 $0xFFFFC000  }
0xb5: {  	[spmem:s16] =	stream.indirect.scatter.add.f32 [tilespmem:s26], [sflag:$0x3], $0x80, s3, s25, $0xb8;
	[tilespmem:$0x1F800] =	vst v63  }
0xb6: {  	_ =	swait.ge [sflag:s23], $0x4000  }
0xb7: {  	[sflag:s23] =	ssyncset.done $0x0  }
0xb8: {  	s3 =	sadd.s32 $0x100, s2;
	[sflag:s23] =	ssyncadd.s32 $0xFFFFC000  }
0xb9: {  	[tilespmem:s26], [sflag:$0x1] =	stream.indirect.gather [hbm4b:s14+s25], $0x80, s3, s25, $0xb8;
	[tilespmem:$0x1F800] =	vst v63  }
0xba: {  	_ =	swait.ge [sflag:s30], $0x4000  }
0xbb: {  	[sflag:s30] =	ssyncset.done $0x0  }
.Ltmp1:
0xbc: {  	s3 =	sadd.s32 $0x1480, s2;
	[sflag:s30] =	ssyncadd.s32 $0xFFFFC000;
	(pc) =	sbr.rel @p0 .LBB2_4-.Ltmp1, $4  }
0xbd: {  	[spmem:s16] =	stream.indirect.scatter.add.f32 [tilespmem:s28], [sflag:$0x3], $0x80, s3, s25, $0xb8;
	[tilespmem:$0x1F800] =	vst v63  }
0xbe: {  	_ =	swait.ge [sflag:s23], $0x4000  }
0xbf: {  	[sflag:s23] =	ssyncset.done $0x0  }
0xc0: {  	s2 =	sadd.s32 $0x180, s2;
	[sflag:s23] =	ssyncadd.s32 $0xFFFFC000  }
0xc1: {  	[tilespmem:s28], [sflag:$0x2] =	stream.indirect.gather [hbm4b:s14+s25], $0x80, s2, s25, $0xb8;
	[tilespmem:$0x1F800] =	vst v63  }
0xc2: {  	_ =	swait.ge [sflag:s29], $0x4000  }
0xc3: {  	[sflag:s29] =	ssyncset.done $0x0  }
0xc4: {  	[sflag:s29] =	ssyncadd.s32 $0xFFFFC000  }
0xc5: {  	[spmem:s16] =	stream.indirect.scatter.add.f32 [tilespmem:s26], [sflag:$0x3], $0x80, s31, s25, $0xb8;
	[tilespmem:$0x1F800] =	vst v63  }
0xc6: {  	_ =	swait.ge [sflag:s23], $0x4000  }
0xc7: {  	[sflag:s23] =	ssyncset.done $0x0  }
0xc8: {  	[sflag:s23] =	ssyncadd.s32 $0xFFFFC000  }
0xc9: {  	_ =	swait.ge [sflag:s30], $0x4000  }
0xca: {  	[sflag:s30] =	ssyncset.done $0x0  }
0xcb: {  	[sflag:s30] =	ssyncadd.s32 $0xFFFFC000  }
0xcc: {  	[spmem:s16] =	stream.indirect.scatter.add.f32 [tilespmem:s28], [sflag:$0x3], $0x80, s15, s25, $0xb8;
	[tilespmem:$0x1F800] =	vst v63  }
0xcd: {  	_ =	swait.ge [sflag:s23], $0x4000  }
0xce: {  	[sflag:s23] =	ssyncset.done $0x0  }
0xcf: {  	s0 =	simm.s32 $0x0;
	s3 =	rddreg [dreg:$0x6];
	[sflag:s23] =	ssyncadd.s32 $0xFFFFC000  }
0xd0: {  	[tilespmem:s0], [sflag:$0x3] =	stream.linear.gather [hbm4b:s3+s0], $0x1400, $0x38;
	[tilespmem:$0x1F800] =	vst v63  }
0xd1: {  	_ =	swait.ge [sflag:s23], $0x1400  }
0xd2: {  	[sflag:s23] =	ssyncset.done $0x0  }
0xd3: {  	s3 =	rddreg [dreg:$0x7];
	[sflag:s23] =	ssyncadd.s32 $0xFFFFEC00  }
0xd4: {  	[tilespmem:s24], [sflag:$0x3] =	stream.linear.gather [hbm4b:s3+s0], $0x1400, $0x38;
	[tilespmem:$0x1F800] =	vst v63  }
0xd5: {  	_ =	swait.ge [sflag:s23], $0x1400  }
0xd6: {  	[sflag:s23] =	ssyncset.done $0x0  }
0xd7: {  	[sflag:s23] =	ssyncadd.s32 $0xFFFFEC00  }
0xd8: {  	[tilespmem:s26], [sflag:$0x1] =	stream.indirect.gather [hbm4b:s14+s25], $0x80, s0, s25, $0xb8;
	[tilespmem:$0x1F800] =	vst v63  }
0xd9: {  	_ = 	snop  }
0xda: {  	[tilespmem:s28], [sflag:$0x2] =	stream.indirect.gather [hbm4b:s14+s25], $0x80, s25, s25, $0xb8;
	[tilespmem:$0x1F800] =	vst v63  }
0xdb: {  	_ =	swait.ge [sflag:s29], $0x4000  }
0xdc: {  	[sflag:s29] =	ssyncset.done $0x0  }
0xdd: {  	s3 =	simm.s32 $0x1400;
	[sflag:s29] =	ssyncadd.s32 $0xFFFFC000  }
0xde: {  	[spmem:s16] =	stream.indirect.scatter.add.f32 [tilespmem:s26], [sflag:$0x3], $0x80, s3, s25, $0xb8;
	[tilespmem:$0x1F800] =	vst v63  }
0xdf: {  	_ =	swait.ge [sflag:s23], $0x4000  }
0xe0: {  	[sflag:s23] =	ssyncset.done $0x0  }
0xe1: {  	s2 =	simm.s32 $0x100;
	[sflag:s23] =	ssyncadd.s32 $0xFFFFC000  }
0xe2: {  	[tilespmem:s26], [sflag:$0x1] =	stream.indirect.gather [hbm4b:s14+s25], $0x80, s2, s25, $0xb8;
	[tilespmem:$0x1F800] =	vst v63  }
0xe3: {  	_ =	swait.ge [sflag:s30], $0x4000  }
0xe4: {  	[sflag:s30] =	ssyncset.done $0x0  }
0xe5: {  	s3 =	simm.s32 $0x1480;
	[sflag:s30] =	ssyncadd.s32 $0xFFFFC000  }
0xe6: {  	[spmem:s16] =	stream.indirect.scatter.add.f32 [tilespmem:s28], [sflag:$0x3], $0x80, s3, s25, $0xb8;
	[tilespmem:$0x1F800] =	vst v63  }
0xe7: {  	_ =	swait.ge [sflag:s23], $0x4000  }
0xe8: {  	[sflag:s23] =	ssyncset.done $0x0  }
0xe9: {  	s0 =	simm.s32 $0x400;
	s2 =	simm.s32 $0x180;
	[sflag:s23] =	ssyncadd.s32 $0xFFFFC000  }
.LBB2_6:
0xea: {  	[tilespmem:s28], [sflag:$0x2] =	stream.indirect.gather [hbm4b:s14+s25], $0x80, s2, s25, $0xb8;
	[tilespmem:$0x1F800] =	vst v63  }
0xeb: {  	s2 =	smov.u32 s0  }
0xec: {  	p0 =	sne.s32 s0, $0x4800;
	s0 =	sadd.s32 $0x400, s0;
	_ =	swait.ge [sflag:s29], $0x4000  }
0xed: {  	s2 =	sshra.s32 s2, $0x2;
	[sflag:s29] =	ssyncset.done $0x0  }
0xee: {  	s3 =	sadd.s32 $0x1400, s2;
	[sflag:s29] =	ssyncadd.s32 $0xFFFFC000  }
0xef: {  	[spmem:s16] =	stream.indirect.scatter.add.f32 [tilespmem:s26], [sflag:$0x3], $0x80, s3, s25, $0xb8;
	[tilespmem:$0x1F800] =	vst v63  }
0xf0: {  	_ =	swait.ge [sflag:s23], $0x4000  }
0xf1: {  	[sflag:s23] =	ssyncset.done $0x0  }
0xf2: {  	s3 =	sadd.s32 $0x100, s2;
	[sflag:s23] =	ssyncadd.s32 $0xFFFFC000  }
0xf3: {  	[tilespmem:s26], [sflag:$0x1] =	stream.indirect.gather [hbm4b:s14+s25], $0x80, s3, s25, $0xb8;
	[tilespmem:$0x1F800] =	vst v63  }
0xf4: {  	_ =	swait.ge [sflag:s30], $0x4000  }
0xf5: {  	[sflag:s30] =	ssyncset.done $0x0  }
.Ltmp2:
0xf6: {  	s3 =	sadd.s32 $0x1480, s2;
	[sflag:s30] =	ssyncadd.s32 $0xFFFFC000;
	(pc) =	sbr.rel @p0 .LBB2_6-.Ltmp2, $4  }
0xf7: {  	[spmem:s16] =	stream.indirect.scatter.add.f32 [tilespmem:s28], [sflag:$0x3], $0x80, s3, s25, $0xb8;
	[tilespmem:$0x1F800] =	vst v63  }
0xf8: {  	_ =	swait.ge [sflag:s23], $0x4000  }
0xf9: {  	[sflag:s23] =	ssyncset.done $0x0  }
0xfa: {  	s2 =	sadd.s32 $0x180, s2;
	[sflag:s23] =	ssyncadd.s32 $0xFFFFC000  }
0xfb: {  	[tilespmem:s28], [sflag:$0x2] =	stream.indirect.gather [hbm4b:s14+s25], $0x80, s2, s25, $0xb8;
	[tilespmem:$0x1F800] =	vst v63  }
0xfc: {  	_ =	swait.ge [sflag:s29], $0x4000  }
0xfd: {  	[sflag:s29] =	ssyncset.done $0x0  }
0xfe: {  	[sflag:s29] =	ssyncadd.s32 $0xFFFFC000  }
0xff: {  	[spmem:s16] =	stream.indirect.scatter.add.f32 [tilespmem:s26], [sflag:$0x3], $0x80, s31, s25, $0xb8;
	[tilespmem:$0x1F800] =	vst v63  }
0x100: {  	_ =	swait.ge [sflag:s23], $0x4000  }
0x101: {  	[sflag:s23] =	ssyncset.done $0x0  }
0x102: {  	[sflag:s23] =	ssyncadd.s32 $0xFFFFC000  }
0x103: {  	_ =	swait.ge [sflag:s30], $0x4000  }
0x104: {  	[sflag:s30] =	ssyncset.done $0x0  }
0x105: {  	[sflag:s30] =	ssyncadd.s32 $0xFFFFC000  }
0x106: {  	[spmem:s16] =	stream.indirect.scatter.add.f32 [tilespmem:s28], [sflag:$0x3], $0x80, s15, s25, $0xb8;
	[tilespmem:$0x1F800] =	vst v63  }
0x107: {  	_ =	swait.ge [sflag:s23], $0x4000  }
0x108: {  	[sflag:s23] =	ssyncset.done $0x0  }
0x109: {  	s0 =	stileid.u32;
	[sflag:s23] =	ssyncadd.s32 $0xFFFFC000  }
0x10a: {  	s0 =	sshll.u32 s0, $0x6;
	[bflag:$0x0] =	sbarrier.arrive $0xFFFF  }
0x10b: {  	s2 =	sshrl.u32 s19, $0x3;
	s0 =	sor.u32 $0x1C03, s0;
	s3 =	rddreg [dreg:$0x8]  }
0x10c: {  	[hbm:s3], [sflag:s0] =	dma.local [spmem:s2], $0x400  }
0x10d: {  	_ =	swait.ge [sflag:s23], $0x400  }
0x10e: {  	[sflag:s23] =	ssyncset.done $0x0;
	s2 =	rddreg [dreg:$0x9]  }
0x10f: {  	s3 =	rddreg [dreg:$0x13];
	[sflag:s23] =	ssyncadd.s32 $0xFFFFFC00  }
0x110: {  	[hbm:s2], [sflag:s0] =	dma.local [spmem:s3], $0x400  }
0x111: {  	_ =	swait.ge [sflag:s23], $0x400  }
0x112: {  	[sflag:s23] =	ssyncset.done $0x0;
	s2 =	rddreg [dreg:$0xa]  }
0x113: {  	s3 =	rddreg [dreg:$0x14];
	[sflag:s23] =	ssyncadd.s32 $0xFFFFFC00  }
0x114: {  	[hbm:s2], [sflag:s0] =	dma.local [spmem:s3], $0x400  }
0x115: {  	_ =	swait.ge [sflag:s23], $0x400  }
0x116: {  	[sflag:s23] =	ssyncset.done $0x0;
	s2 =	rddreg [dreg:$0xb]  }
0x117: {  	s3 =	rddreg [dreg:$0x15];
	[sflag:s23] =	ssyncadd.s32 $0xFFFFFC00  }
0x118: {  	[hbm:s2], [sflag:s0] =	dma.local [spmem:s3], $0x400  }
0x119: {  	_ =	swait.ge [sflag:s23], $0x400  }
0x11a: {  	[sflag:s23] =	ssyncset.done $0x0;
	s2 =	rddreg [dreg:$0xc]  }
0x11b: {  	s3 =	rddreg [dreg:$0x16];
	[sflag:s23] =	ssyncadd.s32 $0xFFFFFC00  }
0x11c: {  	[hbm:s2], [sflag:s0] =	dma.local [spmem:s3], $0x400  }
0x11d: {  	_ =	swait.ge [sflag:s23], $0x400  }
0x11e: {  	[sflag:s23] =	ssyncset.done $0x0;
	s2 =	rddreg [dreg:$0xd]  }
0x11f: {  	s3 =	rddreg [dreg:$0x17];
	[sflag:s23] =	ssyncadd.s32 $0xFFFFFC00  }
0x120: {  	[hbm:s2], [sflag:s0] =	dma.local [spmem:s3], $0x400  }
0x121: {  	_ =	swait.ge [sflag:s23], $0x400  }
0x122: {  	[sflag:s23] =	ssyncset.done $0x0;
	s2 =	rddreg [dreg:$0xe]  }
0x123: {  	s3 =	rddreg [dreg:$0x18];
	[sflag:s23] =	ssyncadd.s32 $0xFFFFFC00  }
0x124: {  	[hbm:s2], [sflag:s0] =	dma.local [spmem:s3], $0x400  }
0x125: {  	_ =	swait.ge [sflag:s23], $0x400  }
0x126: {  	[sflag:s23] =	ssyncset.done $0x0;
	s2 =	rddreg [dreg:$0xf]  }
0x127: {  	s3 =	rddreg [dreg:$0x19];
	[sflag:s23] =	ssyncadd.s32 $0xFFFFFC00  }
0x128: {  	[hbm:s2], [sflag:s0] =	dma.local [spmem:s3], $0x400  }
0x129: {  	_ =	swait.ge [sflag:s23], $0x400  }
0x12a: {  	[sflag:s23] =	ssyncset.done $0x0;
	s2 =	rddreg [dreg:$0x10]  }
0x12b: {  	s3 =	rddreg [dreg:$0x1a];
	[sflag:s23] =	ssyncadd.s32 $0xFFFFFC00  }
0x12c: {  	[hbm:s2], [sflag:s0] =	dma.local [spmem:s3], $0x400  }
0x12d: {  	_ =	swait.ge [sflag:s23], $0x400  }
0x12e: {  	[sflag:s23] =	ssyncset.done $0x0;
	s2 =	rddreg [dreg:$0x11]  }
0x12f: {  	s3 =	rddreg [dreg:$0x1b];
	[sflag:s23] =	ssyncadd.s32 $0xFFFFFC00  }
0x130: {  	[hbm:s2], [sflag:s0] =	dma.local [spmem:s3], $0x400  }
0x131: {  	_ =	swait.ge [sflag:s23], $0x400  }
0x132: {  	s1 =	sadd.s32 $0x1, s1;
	s3 =	rddreg [dreg:$0x12]  }
0x133: {  	p0 =	sne.s32 s1, s3  }
.Ltmp3:
0x134: {  	_ = 	snop;
	(pc) =	sbr.rel @p0 .LBB2_1-.Ltmp3, $3  }
0x135: {  	_ =	sdelay $0x1  }
0x136: {  	[sflag:s23] =	ssyncset.done $0x0  }
0x137: {  	[sflag:s23] =	ssyncadd.s32 $0xFFFFFC00  }
0x138: {  	_ =	sfence.sel $0x180000  }
0x139: {  	[bflag:$0x0] =	sbarrier.arrive $0xFFFF  }
0x13a: {  	_ =	strace $0x9000004D  }
0x13b: {  	s0 =	stileid.u32;
	[bflag:$0x2] =	sbarrier.arrive $0xFFFF  }
0x13c: {  	p0 =	sne.s32 s0, $0x0;
	s0 =	rddreg [dreg:$0x3]  }
0x13d: {  	s0 =	sadd.s32 @!p0 $0x100000, s0  }
0x13e: {  	[sflag:s0] =	ssyncadd.tile.s32 @!p0 $0x1;
	_ =	shalt  }
.Lfunc_end2:
_tile_overlayer_lowered:
.L_overlay_start_2:
0x13f: {  	(tag) =	ssettag $0x2  }
0x140: {  	s0 =	rddreg [dreg:$0x0];
	s2 =	stileid.u32  }
0x141: {  	s1 =	rddreg [dreg:$0x1];
	p0 =	sne.s32 s2, $0x0  }
0x142: {  	s3 =	rddreg [dreg:$0x2];
	[bflag:$0x3] =	sbarrier.arrive $0xFFFF;
	s2 =	simm.s32 @!p0 $0x1C03  }
0x143: {  	[timem:s3], [sflag:s2] =	dma.local @!p0 [hbm:s0], s1  }
0x144: {  	s0 =	simm.s32 @!p0 $0x3  }
0x145: {  	_ =	swait.ge @!p0 [sflag:s0], s1  }
0x146: {  	s1 =	ssub.s32 @!p0 $0x0, s1;
	[sflag:s0] =	ssyncset.done @!p0 $0x0  }
0x147: {  	[sflag:s0] =	ssyncadd.s32 @!p0 s1  }
0x148: {  	[bflag:$0x3] =	sbarrier.arrive $0xFFFF  }
0x149: {  	_ =	shalt  }

// kernel: kernel.8.cloned.1.call-start
scs
__scs_entry_jumppad:
0x0: {  	(pc) =	sbr.rel $0x88, $3  }
0x1: {  	(tag) =	ssettag $0x0;
	lr =	simm.s32 $0x1  }
0x2: {  	[smem:$0x3F9B] =	sst lr;
	_ =	strace $0xD0000000  }
0x3: {  	_ = 	snop  }
0x4: {  	_ = 	snop  }
0x5: {  	_ = 	snop  }
0x6: {  	_ = 	snop  }
0x7: {  	_ = 	snop  }
__scs_overlays_trampoline_lowered:
0x8: {  	[smem:$0x3FAA] =	sst s0  }
0x9: {  	[smem:$0x3FAB] =	sst s1  }
0xa: {  	[smem:$0x3FAC] =	sst s2  }
0xb: {  	[smem:$0x3FAD] =	sst s3  }
0xc: {  	[smem:$0x3FAE] =	sst s4  }
0xd: {  	[smem:$0x3FAF] =	sst s5  }
0xe: {  	[smem:$0x3FB0] =	sst s6  }
0xf: {  	[smem:$0x3FB1] =	sst s7  }
0x10: {  	[smem:$0x3FB2] =	sst s8  }
0x11: {  	[smem:$0x3FB3] =	sst s9;
	s0 =	simm.s32 @!p0 $0x0  }
0x12: {  	s1 =	sld [smem:$0x3F99];
	s0 =	simm.s32 @p0 $0x1  }
0x13: {  	[smem:$0x3FB4] =	sst s0;
	s0 =	simm.s32 @!p1 $0x0  }
0x14: {  	s2 =	sld [smem:$0x3F98];
	s0 =	simm.s32 @p1 $0x1  }
0x15: {  	[smem:$0x3FB5] =	sst s0;
	s0 =	simm.s32 @!p2 $0x0  }
0x16: {  	s3 =	sld [smem:$0x3FDB];
	s0 =	simm.s32 @p2 $0x1  }
0x17: {  	s4 =	simm.s32 $0x1BF5;
	[smem:$0x3FB7] =	sst s0  }
0x18: {  	s0 =	sld [smem:$0x3F9A];
	_ =	swait.ge [sflag:s4], $0x0  }
0x19: {  	s7 =	sld [smem:$0x3F9B]  }
0x1a: {  	s8 =	sadd.s32 $0xFFFFE003, lr  }
0x1b: {  	s9 =	sadd.s32 $0xFFFFFEF7, lr;
	s5 =	simm.s32 $0xFFFFFFFF;
	p2 =	slt.u32 s8, $0xFFFFF086  }
0x1c: {  	p1 =	slt.u32 s9, $0xF7A;
	s5 =	simm.s32 @!p2 $0x0  }
0x1d: {  	s5 =	simm.s32 @p1 $0x1;
	p0 =	seq.s32 s7, s2  }
0x1e: {  	s7 =	smul.u32 @!p0 $0xF7A, s2;
	p2 =	seq.s32 @!p0 s5, $0x0  }
0x1f: {  	s9 =	smul.u32 $0xF7A, s1;
	s8 =	simm.s32 @!p0 $0x1BF5;
	p2 =	por !p2, p0  }
0x20: {  	[sflag:s8] =	ssyncset.s32 @!p0 $0xFFFFF086;
	s6 =	sadd.s32 @!p0 s3, s7;
	s7 =	simm.s32 @!p0 $0x108  }
0x21: {  	s3 =	sadd.s32 s3, s9;
	s6 =	sadd.s32 @!p0 $0x88, s6;
	s7 =	simm.s32 @p2 $0x1082  }
0x22: {  	[simem:s7], [sflag:s8] =	dma.local @!p0 [hbm:s6], $0xF7A  }
0x23: {  	s9 =	sor.u32 $0xD0000000, s2;
	s6 =	simm.s32 $0x108;
	_ =	swait.ge @!p0 [sflag:s8], $0x0  }
0x24: {  	s3 =	sadd.s32 $0x88, s3;
	s6 =	simm.s32 @!p1 $0x1082;
	[sflag:s4] =	ssyncset.s32 $0xFFFFF086  }
0x25: {  	[simem:s6], [sflag:s4] =	dma.local [hbm:s3], $0xF7A  }
0x26: {  	[smem:$0x3F9B] =	sst s1;
	(tag) =	ssettag s2;
	_ =	strace s9  }
0x27: {  	s1 =	sld [smem:$0x3FAB]  }
0x28: {  	s2 =	sld [smem:$0x3FAC]  }
0x29: {  	s4 =	sld [smem:$0x3FAE]  }
0x2a: {  	p0 =	seq.s32 s5, $0x0;
	s5 =	sld [smem:$0x3FAF]  }
0x2b: {  	s6 =	sld [smem:$0x3FB0]  }
0x2c: {  	s7 =	sld [smem:$0x3FB1]  }
0x2d: {  	s3 =	simm.s32 $0x108;
	s8 =	sld [smem:$0x3FB2]  }
0x2e: {  	s3 =	simm.s32 @!p0 $0x1082;
	s9 =	sld [smem:$0x3FB3]  }
0x2f: {  	lr =	sadd.s32 s0, s3;
	s0 =	sld [smem:$0x3FAA]  }
0x30: {  	s3 =	sld [smem:$0x3FAD]  }
0x31: {  	[smem:$0x3FB6] =	sst s10  }
0x32: {  	s10 =	sld [smem:$0x3FB4];
	_ =	sdelay $0x3  }
0x33: {  	p0 =	seq.s32 s10, $0x1;
	s10 =	sld [smem:$0x3FB6];
	_ =	sdelay $0x3  }
0x34: {  	[smem:$0x3FB6] =	sst s10  }
0x35: {  	s10 =	sld [smem:$0x3FB5];
	_ =	sdelay $0x3  }
0x36: {  	p1 =	seq.s32 s10, $0x1;
	s10 =	sld [smem:$0x3FB6];
	_ =	sdelay $0x3  }
0x37: {  	[smem:$0x3FB6] =	sst s10  }
0x38: {  	s10 =	sld [smem:$0x3FB7]  }
0x39: {  	_ = 	snop;
	(pc) =	sbr.ind lr, $3  }
0x3a: {  	_ = 	snop  }
0x3b: {  	_ = 	snop  }
0x3c: {  	p2 =	seq.s32 s10, $0x1;
	s10 =	sld [smem:$0x3FB6]  }
0x3d: {  	_ =	shalt  }
0x3e: {  	_ =	shalt  }
0x3f: {  	_ =	shalt  }
0x40: {  	_ =	shalt  }
0x41: {  	_ =	shalt  }
0x42: {  	_ =	shalt  }
0x43: {  	_ =	shalt  }
0x44: {  	_ =	shalt  }
0x45: {  	_ =	shalt  }
0x46: {  	_ =	shalt  }
0x47: {  	_ =	shalt  }
0x48: {  	_ =	shalt  }
0x49: {  	_ =	shalt  }
0x4a: {  	_ =	shalt  }
0x4b: {  	_ =	shalt  }
0x4c: {  	_ =	shalt  }
0x4d: {  	_ =	shalt  }
0x4e: {  	_ =	shalt  }
0x4f: {  	_ =	shalt  }
0x50: {  	_ =	shalt  }
0x51: {  	_ =	shalt  }
0x52: {  	_ =	shalt  }
0x53: {  	_ =	shalt  }
0x54: {  	_ =	shalt  }
0x55: {  	_ =	shalt  }
0x56: {  	_ =	shalt  }
0x57: {  	_ =	shalt  }
0x58: {  	_ =	shalt  }
0x59: {  	_ =	shalt  }
0x5a: {  	_ =	shalt  }
0x5b: {  	_ =	shalt  }
0x5c: {  	_ =	shalt  }
0x5d: {  	_ =	shalt  }
0x5e: {  	_ =	shalt  }
0x5f: {  	_ =	shalt  }
0x60: {  	_ =	shalt  }
0x61: {  	_ =	shalt  }
0x62: {  	_ =	shalt  }
0x63: {  	_ =	shalt  }
0x64: {  	_ =	shalt  }
0x65: {  	_ =	shalt  }
0x66: {  	_ =	shalt  }
0x67: {  	_ =	shalt  }
0x68: {  	_ =	shalt  }
0x69: {  	_ =	shalt  }
0x6a: {  	_ =	shalt  }
0x6b: {  	_ =	shalt  }
0x6c: {  	_ =	shalt  }
0x6d: {  	_ =	shalt  }
0x6e: {  	_ =	shalt  }
0x6f: {  	_ =	shalt  }
0x70: {  	_ =	shalt  }
0x71: {  	_ =	shalt  }
0x72: {  	_ =	shalt  }
0x73: {  	_ =	shalt  }
0x74: {  	_ =	shalt  }
0x75: {  	_ =	shalt  }
0x76: {  	_ =	shalt  }
0x77: {  	_ =	shalt  }
0x78: {  	_ =	shalt  }
0x79: {  	_ =	shalt  }
0x7a: {  	_ =	shalt  }
0x7b: {  	_ =	shalt  }
0x7c: {  	_ =	shalt  }
0x7d: {  	_ =	shalt  }
0x7e: {  	_ =	shalt  }
0x7f: {  	_ =	shalt  }
0x80: {  	_ =	shalt  }
0x81: {  	_ =	shalt  }
0x82: {  	_ =	shalt  }
0x83: {  	_ =	shalt  }
0x84: {  	_ =	shalt  }
0x85: {  	_ =	shalt  }
0x86: {  	_ =	shalt  }
0x87: {  	_ =	shalt  }
.Lfunc_end0:
.L_simem_size_0:
called_computation_lowered:
.L_overlay_start_0:
0x88: {  	s2 =	sld [smem:$0x3FD9]  }
0x89: {  	s3 =	sld [smem:$0x3FFE];
	_ =	sdelay $0x1  }
0x8a: {  	s1 =	srdreg.scid  }
0x8b: {  	s0 =	sand.u32 $0x1, s1  }
0x8c: {  	s16 =	sshll.u32 s0, $0xA;
	s2 =	sadd.s32 s3, s2  }
0x8d: {  	s2 =	sadd.s32 s2, s16  }
0x8e: {  	[smem:$0x3FC2] =	sst s2  }
0x8f: {  	_ = 	snop  }
0x90: {  	(tm) =	ssettm $0x1  }
0x91: {  	s17 =	sld [smem:$0x3FFB];
	_ =	sdelay $0x3  }
0x92: {  	_ =	strace s17  }
0x93: {  	s2 =	sld [smem:$0x3FFC];
	_ =	sdelay $0x3  }
0x94: {  	_ =	strace s2  }
0x95: {  	s2 =	sld [smem:$0x3FFD];
	_ =	sdelay $0x3  }
0x96: {  	_ =	strace s2  }
0x97: {  	_ =	strace $0x8FFFFFFF  }
0x98: {  	s18 =	sld [smem:$0x3FDB];
	_ =	sdelay $0x1  }
0x99: {  	s19 =	simm.s32 $_scs_section_size  }
0x9a: {  	s4 =	simm.s32 $_size__tile_overlayer_lowered;
	s5 =	simm.s32 $_tile_overlayer_lowered  }
0x9b: {  	s22 =	simm.s32 $0x1BFF;
	s21 =	sshll.u32 s5, $0x1;
	s2 =	sadd.s32 s19, s18  }
0x9c: {  	s6 =	simm.s32 $0x0;
	s20 =	sshll.u32 s4, $0x1;
	s4 =	sadd.s32 s21, s2  }
0x9d: {  	[timem:s6], [sflag:s22] =	dma.local [hbm:s4], s20  }
0x9e: {  	_ =	swait.ge [sflag:s22], s20  }
0x9f: {  	s3 =	ssub.s32 $0x0, s20;
	[sflag:s22] =	ssyncset.done $0x0  }
0xa0: {  	[sflag:s22] =	ssyncadd.s32 s3;
	_ =	sdelay $0x1  }
0xa1: {  	s23 =	simm.s32 $0x1B8B  }
0xa2: {  	_ =	swait.ge [sflag:s23], $0x1  }
0xa3: {  	[sflag:s23] =	ssyncset.done $0x0  }
0xa4: {  	s25 =	simm.s32 $0x1B8E;
	s24 =	sld [smem:$0x3FFE];
	[sflag:s23] =	ssyncadd.s32 $0xFFFFFFFF  }
0xa5: {  	s26 =	simm.s32 $execute0_lowered;
	[smem:$0x3FD2] =	sst s25  }
0xa6: {  	s4 =	sshll.u32 s26, $0x1;
	_ =	strace $0x80000046;
	[dreg:$0x1] =	wrdreg $0xFFFFFFFF  }
0xa7: {  	s28 =	simm.s32 $_size_execute0_lowered;
	s2 =	sadd.s32 s2, s4;
	[dreg:$0x0] =	wrdreg $0x0  }
0xa8: {  	s4 =	sshll.u32 s28, $0x1;
	[dreg:$0x2] =	wrdreg s2  }
0xa9: {  	[dreg:$0x3] =	wrdreg s4  }
0xaa: {  	[dreg:$0x4] =	wrdreg $0xC0  }
0xab: {  	_ =	task [dreg:s6], $0x5FFFF  }
0xac: {  	[dreg:$0x1] =	wrdreg $0xFFFFFFFF  }
0xad: {  	[dreg:$0x0] =	wrdreg $0x60  }
0xae: {  	[dreg:$0x2] =	wrdreg s24  }
0xaf: {  	[dreg:$0x3] =	wrdreg $0x64000  }
0xb0: {  	[dreg:$0x4] =	wrdreg $0x9  }
0xb1: {  	_ =	task.clear_ibuf [dreg:s6], $0x5FFFF;
	_ =	strace $0x90000046  }
0xb2: {  	s29 =	simm.s32 $0x9;
	_ =	strace $0x80000048  }
0xb3: {  	_ =	swait.ge [sflag:s29], $0x1  }
0xb4: {  	[sflag:s29] =	ssyncadd.s32 $0xFFFFFFFF  }
0xb5: {  	_ =	strace $0x90000048  }
0xb6: {  	_ =	sfence  }
0xb7: {  	s30 =	sld [smem:$0x0];
	_ =	sdelay $0x2  }
0xb8: {  	s31 =	sshll.u32 s1, $0xD;
	s1 =	sshrl.u32 s1, $0x2  }
0xb9: {  	s3 =	sand.u32 $0x4000, s31;
	s1 =	sadd.s32 s1, s30  }
0xba: {  	s0 =	sor.u32 s3, s0;
	s1 =	sshll.u32 s1, $0x11  }
0xbb: {  	s0 =	sor.u32 s1, s0  }
0xbc: {  	s0 =	sadd.s32 $0x8F2B, s0  }
0xbd: {  	[sflag:s0] =	ssyncadd.remote.s32 $0x1  }
0xbe: {  	_ =	sfence.sel $0xFFFF  }
0xbf: {  	[dreg:$0x0] =	wrdreg $0xFFFFFFFF;
	(pc) =	sbr.abs _section_cstart, $3  }
0xc0: {  	[dreg:$0x1] =	wrdreg $0xFFFFFFFF  }
0xc1: {  	_ =	task.clear_ibuf [dreg:s6], $0x2FFFF;
	_ =	strace $0x9FFFFFFF  }
0xc2: {  	(tm) =	ssettm $0x7FFFFFFF  }
0xc3: {  	_ =	shalt  }
tec
execute0_lowered:
.L_overlay_start_1:
0x0: {  	(tag) =	ssettag $0x1  }
0x1: {  	s0 =	srdreg.scid;
	s8 =	stileid.u32  }
0x2: {  	s4 =	rddreg [dreg:$0x0];
	s3 =	smul.u32 $0x5000, s8  }
0x3: {  	s1 =	rddreg [dreg:$0x1];
	s6 =	smul.u32 $0x14000, s8  }
0x4: {  	s2 =	simm.s32 $0x0;
	s0 =	sand.u32 $0x1, s0;
	s8 =	smul.u32 $0x50000, s8  }
0x5: {  	[smem:$0x7FF] =	sst s2;
	s5 =	smul.u32 $0x2800, s0  }
0x6: {  	s9 =	sor.u32 $0x2000, s6;
	s10 =	sadd.s32 $0x4000, s6;
	s12 =	sadd.s32 $0x6000, s6  }
0x7: {  	s19 =	sadd.s32 $0x8000, s6;
	s13 =	sadd.s32 $0xA000, s6;
	s3 =	sadd.s32 s5, s3  }
0x8: {  	s5 =	smul.u32 $0x140000, s0;
	s0 =	ssub.s32 $0x2, s0;
	s3 =	sshrl.u32 s3, $0x3  }
0x9: {  	s7 =	sshrl.u32 s0, $0x1;
	s3 =	sadd.s32 s3, s4;
	s4 =	sadd.s32 $0x16400, s4  }
0xa: {  	s0 =	ssub.s32 s0, s7;
	s14 =	sadd.s32 s5, s6;
	s15 =	sadd.s32 s5, s9  }
0xb: {  	s11 =	sadd.s32 s5, s10;
	s17 =	sadd.s32 s5, s12;
	s20 =	sadd.s32 s5, s19  }
0xc: {  	s7 =	sshrl.u32 s14, $0x3;
	s16 =	sshrl.u32 s11, $0x3;
	s18 =	sshrl.u32 s17, $0x3  }
0xd: {  	s14 =	sadd.s32 s5, s13;
	s17 =	sadd.s32 $0x10000, s6;
	s7 =	sadd.s32 s4, s7  }
0xe: {  	s0 =	smax.u32 s0, $0x1;
	[dreg:$0x3] =	wrdreg s7;
	s7 =	sshrl.u32 s15, $0x3  }
0xf: {  	s13 =	sadd.s32 s13, s1;
	s21 =	sshrl.u32 s14, $0x3;
	s7 =	sadd.s32 s4, s7  }
0x10: {  	s25 =	sadd.s32 s5, s17;
	[dreg:$0x4] =	wrdreg s7;
	s7 =	sadd.s32 s4, s16  }
0x11: {  	s15 =	sadd.s32 $0xC000, s6;
	[dreg:$0x5] =	wrdreg s7;
	s7 =	sadd.s32 s4, s18  }
0x12: {  	s22 =	sadd.s32 s5, s15;
	[dreg:$0x6] =	wrdreg s7;
	s7 =	sshrl.u32 s20, $0x3  }
0x13: {  	s26 =	sshrl.u32 s25, $0x3;
	s23 =	sshrl.u32 s22, $0x3;
	s7 =	sadd.s32 s4, s7  }
0x14: {  	s16 =	sadd.s32 $0xE000, s6;
	[dreg:$0x7] =	wrdreg s7;
	s7 =	sadd.s32 s4, s21  }
0x15: {  	s24 =	sadd.s32 s5, s16;
	[dreg:$0x8] =	wrdreg s7;
	s7 =	sadd.s32 s4, s23  }
0x16: {  	s6 =	sadd.s32 $0x12000, s6;
	[dreg:$0x9] =	wrdreg s7;
	s7 =	sshrl.u32 s24, $0x3  }
0x17: {  	s5 =	sadd.s32 s5, s6;
	s18 =	sadd.s32 s15, s1;
	s7 =	sadd.s32 s4, s7  }
0x18: {  	s5 =	sshrl.u32 s5, $0x3;
	[dreg:$0xa] =	wrdreg s7;
	s7 =	sadd.s32 s4, s26  }
0x19: {  	s6 =	sadd.s32 s6, s1;
	s4 =	sadd.s32 s4, s5;
	[dreg:$0xb] =	wrdreg s7  }
0x1a: {  	s5 =	sshrl.u32 s8, $0x2;
	[dreg:$0xc] =	wrdreg s4;
	s7 =	sadd.s32 $0x2400, s3  }
0x1b: {  	s3 =	sadd.s32 $0x2680, s3;
	_ =	strace $0x80000047;
	[dreg:$0xd] =	wrdreg s7  }
0x1c: {  	s8 =	sadd.s32 s9, s1;
	s9 =	sadd.s32 s10, s1;
	[dreg:$0xe] =	wrdreg s3  }
0x1d: {  	s10 =	sadd.s32 s12, s1;
	s21 =	sshrl.u32 s9, $0x3;
	[dreg:$0xf] =	wrdreg s0  }
0x1e: {  	s12 =	sadd.s32 s19, s1;
	s22 =	sshrl.u32 s10, $0x3;
	[dreg:$0x11] =	wrdreg s21  }
0x1f: {  	s20 =	sadd.s32 s17, s1;
	s23 =	sshrl.u32 s12, $0x3;
	[dreg:$0x12] =	wrdreg s22  }
0x20: {  	s25 =	sshrl.u32 s18, $0x3;
	s24 =	sshrl.u32 s13, $0x3;
	[dreg:$0x13] =	wrdreg s23  }
0x21: {  	s18 =	simm.s32 $0x5400;
	s19 =	sadd.s32 s16, s1;
	[dreg:$0x14] =	wrdreg s24  }
0x22: {  	s14 =	sadd.s32 s5, s1;
	s26 =	sshrl.u32 s19, $0x3;
	[dreg:$0x15] =	wrdreg s25  }
0x23: {  	s19 =	simm.s32 $0x1;
	s0 =	sshrl.u32 s8, $0x3;
	[dreg:$0x16] =	wrdreg s26  }
0x24: {  	s25 =	sshrl.u32 s20, $0x3;
	s26 =	sshrl.u32 s6, $0x3;
	s28 =	sadd.s32 $0x1000, s14  }
0x25: {  	s29 =	sadd.s32 $0x2000, s14;
	s30 =	sadd.s32 $0x3000, s14;
	s31 =	sadd.s32 $0x4000, s14  }
0x26: {  	s10 =	sadd.s32 $0x5000, s14;
	s3 =	sadd.s32 $0x7000, s14;
	s4 =	sadd.s32 $0x8000, s14  }
0x27: {  	s5 =	sadd.s32 $0x9000, s14;
	s6 =	sadd.s32 $0xA000, s14;
	s7 =	sadd.s32 $0xB000, s14  }
0x28: {  	s8 =	sadd.s32 $0xC000, s14;
	s9 =	sadd.s32 $0xD000, s14;
	s11 =	sadd.s32 $0xE000, s14  }
0x29: {  	s12 =	sadd.s32 $0xF000, s14;
	s13 =	sadd.s32 $0x10000, s14;
	s15 =	sadd.s32 $0x11000, s14  }
0x2a: {  	s16 =	sadd.s32 $0x12000, s14;
	s17 =	sadd.s32 $0x13000, s14;
	s20 =	simm.s32 $0x80  }
0x2b: {  	v0 =	vimm.f32 $1.000000000e+00;
	v1 =	vimm.f32 $0.0e+00;
	s21 =	simm.s32 $0x1400;
	[dreg:$0x10] =	wrdreg s0;
	s0 =	sadd.s32 $0x6000, s14  }
.LBB2_1:
0x2c: {  	s22 =	simm.s32 $0x0;
	s23 =	simm.s32 $0x200  }
.LBB2_2:
0x2d: {  	p0 =	sne.s32 s23, $0xFE00;
	[tilespmem:s22+$0x1470] =	vst v0  }
0x2e: {  	[tilespmem:s22+$0x1400] =	vst v0  }
0x2f: {  	[tilespmem:s22+$0x1410] =	vst v0  }
.Ltmp0:
0x30: {  	[tilespmem:s22+$0x1420] =	vst v0;
	(pc) =	sbr.rel @p0 .LBB2_2-.Ltmp0, $4  }
0x31: {  	[tilespmem:s22+$0x1430] =	vst v0  }
0x32: {  	[tilespmem:s22+$0x1440] =	vst v0  }
0x33: {  	[tilespmem:s22+$0x1450] =	vst v0  }
0x34: {  	[tilespmem:s22+$0x1460] =	vst v0;
	s22 =	sshra.s32 s23, $0x2;
	s23 =	sadd.s32 $0x200, s23  }
0x35: {  	[tilespmem:s22+$0x1470] =	vst v0  }
0x36: {  	[tilespmem:s22+$0x1400] =	vst v0  }
0x37: {  	[tilespmem:s22+$0x1410] =	vst v0  }
0x38: {  	[tilespmem:s22+$0x1420] =	vst v0  }
0x39: {  	[tilespmem:s22+$0x1430] =	vst v0  }
0x3a: {  	[tilespmem:s22+$0x1440] =	vst v0  }
0x3b: {  	[tilespmem:s22+$0x1450] =	vst v0  }
0x3c: {  	[tilespmem:s22+$0x1460] =	vst v0;
	s22 =	simm.s32 $0x0;
	s23 =	simm.s32 $0x200  }
.LBB2_4:
0x3d: {  	p0 =	sne.s32 s23, $0x3E00;
	[tilespmem:s22+$0x5470] =	vst v1  }
0x3e: {  	[tilespmem:s22+$0x5400] =	vst v1  }
0x3f: {  	[tilespmem:s22+$0x5410] =	vst v1  }
.Ltmp1:
0x40: {  	[tilespmem:s22+$0x5420] =	vst v1;
	(pc) =	sbr.rel @p0 .LBB2_4-.Ltmp1, $4  }
0x41: {  	[tilespmem:s22+$0x5430] =	vst v1  }
0x42: {  	[tilespmem:s22+$0x5440] =	vst v1  }
0x43: {  	[tilespmem:s22+$0x5450] =	vst v1  }
0x44: {  	[tilespmem:s22+$0x5460] =	vst v1;
	s22 =	sshra.s32 s23, $0x2;
	s23 =	sadd.s32 $0x200, s23  }
0x45: {  	[tilespmem:s22+$0x5470] =	vst v1  }
0x46: {  	[tilespmem:s22+$0x5400] =	vst v1  }
0x47: {  	[tilespmem:s22+$0x5410] =	vst v1  }
0x48: {  	[tilespmem:s22+$0x5420] =	vst v1  }
0x49: {  	[tilespmem:s22+$0x5430] =	vst v1  }
0x4a: {  	[tilespmem:s22+$0x5440] =	vst v1  }
0x4b: {  	[tilespmem:s22+$0x5450] =	vst v1  }
0x4c: {  	[tilespmem:s22+$0x5460] =	vst v1  }
0x4d: {  	[spmem:s14] =	stream.linear.scatter [tilespmem:s18], [sflag:$0x1], $0x1000, $0x38;
	[tilespmem:$0x1A400] =	vst v63  }
0x4e: {  	_ =	swait.ge [sflag:s19], $0x1000  }
0x4f: {  	[sflag:s19] =	ssyncset.done $0x0  }
0x50: {  	[sflag:s19] =	ssyncadd.s32 $0xFFFFF000  }
0x51: {  	[spmem:s28] =	stream.linear.scatter [tilespmem:s18], [sflag:$0x1], $0x1000, $0x38;
	[tilespmem:$0x1A400] =	vst v63  }
0x52: {  	_ =	swait.ge [sflag:s19], $0x1000  }
0x53: {  	[sflag:s19] =	ssyncset.done $0x0  }
0x54: {  	[sflag:s19] =	ssyncadd.s32 $0xFFFFF000  }
0x55: {  	[spmem:s29] =	stream.linear.scatter [tilespmem:s18], [sflag:$0x1], $0x1000, $0x38;
	[tilespmem:$0x1A400] =	vst v63  }
0x56: {  	_ =	swait.ge [sflag:s19], $0x1000  }
0x57: {  	[sflag:s19] =	ssyncset.done $0x0  }
0x58: {  	[sflag:s19] =	ssyncadd.s32 $0xFFFFF000  }
0x59: {  	[spmem:s30] =	stream.linear.scatter [tilespmem:s18], [sflag:$0x1], $0x1000, $0x38;
	[tilespmem:$0x1A400] =	vst v63  }
0x5a: {  	_ =	swait.ge [sflag:s19], $0x1000  }
0x5b: {  	[sflag:s19] =	ssyncset.done $0x0  }
0x5c: {  	[sflag:s19] =	ssyncadd.s32 $0xFFFFF000  }
0x5d: {  	[spmem:s31] =	stream.linear.scatter [tilespmem:s18], [sflag:$0x1], $0x1000, $0x38;
	[tilespmem:$0x1A400] =	vst v63  }
0x5e: {  	_ =	swait.ge [sflag:s19], $0x1000  }
0x5f: {  	[sflag:s19] =	ssyncset.done $0x0  }
0x60: {  	[sflag:s19] =	ssyncadd.s32 $0xFFFFF000  }
0x61: {  	[spmem:s10] =	stream.linear.scatter [tilespmem:s18], [sflag:$0x1], $0x1000, $0x38;
	[tilespmem:$0x1A400] =	vst v63  }
0x62: {  	_ =	swait.ge [sflag:s19], $0x1000  }
0x63: {  	[sflag:s19] =	ssyncset.done $0x0  }
0x64: {  	[sflag:s19] =	ssyncadd.s32 $0xFFFFF000  }
0x65: {  	[spmem:s0] =	stream.linear.scatter [tilespmem:s18], [sflag:$0x1], $0x1000, $0x38;
	[tilespmem:$0x1A400] =	vst v63  }
0x66: {  	_ =	swait.ge [sflag:s19], $0x1000  }
0x67: {  	[sflag:s19] =	ssyncset.done $0x0  }
0x68: {  	[sflag:s19] =	ssyncadd.s32 $0xFFFFF000  }
0x69: {  	[spmem:s3] =	stream.linear.scatter [tilespmem:s18], [sflag:$0x1], $0x1000, $0x38;
	[tilespmem:$0x1A400] =	vst v63  }
0x6a: {  	_ =	swait.ge [sflag:s19], $0x1000  }
0x6b: {  	[sflag:s19] =	ssyncset.done $0x0  }
0x6c: {  	[sflag:s19] =	ssyncadd.s32 $0xFFFFF000  }
0x6d: {  	[spmem:s4] =	stream.linear.scatter [tilespmem:s18], [sflag:$0x1], $0x1000, $0x38;
	[tilespmem:$0x1A400] =	vst v63  }
0x6e: {  	_ =	swait.ge [sflag:s19], $0x1000  }
0x6f: {  	[sflag:s19] =	ssyncset.done $0x0  }
0x70: {  	[sflag:s19] =	ssyncadd.s32 $0xFFFFF000  }
0x71: {  	[spmem:s5] =	stream.linear.scatter [tilespmem:s18], [sflag:$0x1], $0x1000, $0x38;
	[tilespmem:$0x1A400] =	vst v63  }
0x72: {  	_ =	swait.ge [sflag:s19], $0x1000  }
0x73: {  	[sflag:s19] =	ssyncset.done $0x0  }
0x74: {  	[sflag:s19] =	ssyncadd.s32 $0xFFFFF000  }
0x75: {  	[spmem:s6] =	stream.linear.scatter [tilespmem:s18], [sflag:$0x1], $0x1000, $0x38;
	[tilespmem:$0x1A400] =	vst v63  }
0x76: {  	_ =	swait.ge [sflag:s19], $0x1000  }
0x77: {  	[sflag:s19] =	ssyncset.done $0x0  }
0x78: {  	[sflag:s19] =	ssyncadd.s32 $0xFFFFF000  }
0x79: {  	[spmem:s7] =	stream.linear.scatter [tilespmem:s18], [sflag:$0x1], $0x1000, $0x38;
	[tilespmem:$0x1A400] =	vst v63  }
0x7a: {  	_ =	swait.ge [sflag:s19], $0x1000  }
0x7b: {  	[sflag:s19] =	ssyncset.done $0x0  }
0x7c: {  	[sflag:s19] =	ssyncadd.s32 $0xFFFFF000  }
0x7d: {  	[spmem:s8] =	stream.linear.scatter [tilespmem:s18], [sflag:$0x1], $0x1000, $0x38;
	[tilespmem:$0x1A400] =	vst v63  }
0x7e: {  	_ =	swait.ge [sflag:s19], $0x1000  }
0x7f: {  	[sflag:s19] =	ssyncset.done $0x0  }
0x80: {  	[sflag:s19] =	ssyncadd.s32 $0xFFFFF000  }
0x81: {  	[spmem:s9] =	stream.linear.scatter [tilespmem:s18], [sflag:$0x1], $0x1000, $0x38;
	[tilespmem:$0x1A400] =	vst v63  }
0x82: {  	_ =	swait.ge [sflag:s19], $0x1000  }
0x83: {  	[sflag:s19] =	ssyncset.done $0x0  }
0x84: {  	[sflag:s19] =	ssyncadd.s32 $0xFFFFF000  }
0x85: {  	[spmem:s11] =	stream.linear.scatter [tilespmem:s18], [sflag:$0x1], $0x1000, $0x38;
	[tilespmem:$0x1A400] =	vst v63  }
0x86: {  	_ =	swait.ge [sflag:s19], $0x1000  }
0x87: {  	[sflag:s19] =	ssyncset.done $0x0  }
0x88: {  	[sflag:s19] =	ssyncadd.s32 $0xFFFFF000  }
0x89: {  	[spmem:s12] =	stream.linear.scatter [tilespmem:s18], [sflag:$0x1], $0x1000, $0x38;
	[tilespmem:$0x1A400] =	vst v63  }
0x8a: {  	_ =	swait.ge [sflag:s19], $0x1000  }
0x8b: {  	[sflag:s19] =	ssyncset.done $0x0  }
0x8c: {  	[sflag:s19] =	ssyncadd.s32 $0xFFFFF000  }
0x8d: {  	[spmem:s13] =	stream.linear.scatter [tilespmem:s18], [sflag:$0x1], $0x1000, $0x38;
	[tilespmem:$0x1A400] =	vst v63  }
0x8e: {  	_ =	swait.ge [sflag:s19], $0x1000  }
0x8f: {  	[sflag:s19] =	ssyncset.done $0x0  }
0x90: {  	[sflag:s19] =	ssyncadd.s32 $0xFFFFF000  }
0x91: {  	[spmem:s15] =	stream.linear.scatter [tilespmem:s18], [sflag:$0x1], $0x1000, $0x38;
	[tilespmem:$0x1A400] =	vst v63  }
0x92: {  	_ =	swait.ge [sflag:s19], $0x1000  }
0x93: {  	[sflag:s19] =	ssyncset.done $0x0  }
0x94: {  	[sflag:s19] =	ssyncadd.s32 $0xFFFFF000  }
0x95: {  	[spmem:s16] =	stream.linear.scatter [tilespmem:s18], [sflag:$0x1], $0x1000, $0x38;
	[tilespmem:$0x1A400] =	vst v63  }
0x96: {  	_ =	swait.ge [sflag:s19], $0x1000  }
0x97: {  	[sflag:s19] =	ssyncset.done $0x0  }
0x98: {  	[sflag:s19] =	ssyncadd.s32 $0xFFFFF000  }
0x99: {  	[spmem:s17] =	stream.linear.scatter [tilespmem:s18], [sflag:$0x1], $0x1000, $0x38;
	[tilespmem:$0x1A400] =	vst v63  }
0x9a: {  	_ =	swait.ge [sflag:s19], $0x1000  }
0x9b: {  	[sflag:s19] =	ssyncset.done $0x0  }
0x9c: {  	[sflag:s19] =	ssyncadd.s32 $0xFFFFF000  }
0x9d: {  	[bflag:$0x0] =	sbarrier.arrive $0xFFFF  }
0x9e: {  	s24 =	simm.s32 $0x0;
	s23 =	rddreg [dreg:$0xd]  }
0x9f: {  	[tilespmem:s24], [sflag:$0x1] =	stream.linear.gather [hbm4b:s23+s24], $0x1400, $0x38;
	[tilespmem:$0x1A400] =	vst v63  }
0xa0: {  	_ =	swait.ge [sflag:s19], $0x1400  }
0xa1: {  	[sflag:s19] =	ssyncset.done $0x0  }
0xa2: {  	s24 =	simm.s32 $0x0;
	[sflag:s19] =	ssyncadd.s32 $0xFFFFEC00  }
0xa3: {  	[spmem:s1] =	stream.indirect.scatter.add.f32 [tilespmem:s21], [sflag:$0x1], $0x80, s24, s20, $0xb8;
	[tilespmem:$0x1A400] =	vst v63  }
0xa4: {  	_ =	swait.ge [sflag:s19], $0x4000  }
0xa5: {  	s22 =	simm.s32 $0x200;
	[sflag:s19] =	ssyncset.done $0x0  }
.LBB2_6:
0xa6: {  	s23 =	sshra.s32 s22, $0x2;
	[sflag:s19] =	ssyncadd.s32 $0xFFFFC000;
	p0 =	sne.s32 s22, $0x4E00  }
0xa7: {  	[spmem:s1] =	stream.indirect.scatter.add.f32 [tilespmem:s21], [sflag:$0x1], $0x80, s23, s20, $0xb8;
	[tilespmem:$0x1A400] =	vst v63  }
.Ltmp2:
0xa8: {  	_ = 	snop;
	(pc) =	sbr.rel @p0 .LBB2_6-.Ltmp2, $4  }
0xa9: {  	_ = 	snop  }
0xaa: {  	s22 =	sadd.s32 $0x200, s22  }
0xab: {  	_ =	swait.ge [sflag:s19], $0x4000  }
0xac: {  	[sflag:s19] =	ssyncset.done $0x0  }
0xad: {  	[sflag:s19] =	ssyncadd.s32 $0xFFFFC000;
	s22 =	simm.s32 $0x0;
	s23 =	rddreg [dreg:$0xe]  }
0xae: {  	[tilespmem:s22], [sflag:$0x1] =	stream.linear.gather [hbm4b:s23+s22], $0x1400, $0x38;
	[tilespmem:$0x1A400] =	vst v63  }
0xaf: {  	_ =	swait.ge [sflag:s19], $0x1400  }
0xb0: {  	[sflag:s19] =	ssyncset.done $0x0  }
0xb1: {  	s24 =	simm.s32 $0x0;
	[sflag:s19] =	ssyncadd.s32 $0xFFFFEC00  }
0xb2: {  	[spmem:s1] =	stream.indirect.scatter.add.f32 [tilespmem:s21], [sflag:$0x1], $0x80, s24, s20, $0xb8;
	[tilespmem:$0x1A400] =	vst v63  }
0xb3: {  	_ =	swait.ge [sflag:s19], $0x4000  }
0xb4: {  	s22 =	simm.s32 $0x200;
	[sflag:s19] =	ssyncset.done $0x0  }
.LBB2_8:
0xb5: {  	s23 =	sshra.s32 s22, $0x2;
	[sflag:s19] =	ssyncadd.s32 $0xFFFFC000;
	p0 =	sne.s32 s22, $0x4E00  }
0xb6: {  	[spmem:s1] =	stream.indirect.scatter.add.f32 [tilespmem:s21], [sflag:$0x1], $0x80, s23, s20, $0xb8;
	[tilespmem:$0x1A400] =	vst v63  }
.Ltmp3:
0xb7: {  	_ = 	snop;
	(pc) =	sbr.rel @p0 .LBB2_8-.Ltmp3, $4  }
0xb8: {  	_ = 	snop  }
0xb9: {  	s22 =	sadd.s32 $0x200, s22  }
0xba: {  	_ =	swait.ge [sflag:s19], $0x4000  }
0xbb: {  	[sflag:s19] =	ssyncset.done $0x0  }
0xbc: {  	[sflag:s19] =	ssyncadd.s32 $0xFFFFC000;
	s22 =	stileid.u32  }
0xbd: {  	s22 =	sshll.u32 s22, $0x6;
	[bflag:$0x0] =	sbarrier.arrive $0xFFFF  }
0xbe: {  	s23 =	sshrl.u32 s14, $0x3;
	s22 =	sor.u32 $0x1C01, s22;
	s24 =	rddreg [dreg:$0x3]  }
0xbf: {  	[hbm:s24], [sflag:s22] =	dma.local [spmem:s23], $0x400  }
0xc0: {  	_ =	swait.ge [sflag:s19], $0x400  }
0xc1: {  	[sflag:s19] =	ssyncset.done $0x0;
	s23 =	rddreg [dreg:$0x4]  }
0xc2: {  	s24 =	rddreg [dreg:$0x10];
	[sflag:s19] =	ssyncadd.s32 $0xFFFFFC00  }
0xc3: {  	[hbm:s23], [sflag:s22] =	dma.local [spmem:s24], $0x400  }
0xc4: {  	_ =	swait.ge [sflag:s19], $0x400  }
0xc5: {  	[sflag:s19] =	ssyncset.done $0x0;
	s23 =	rddreg [dreg:$0x5]  }
0xc6: {  	s24 =	rddreg [dreg:$0x11];
	[sflag:s19] =	ssyncadd.s32 $0xFFFFFC00  }
0xc7: {  	[hbm:s23], [sflag:s22] =	dma.local [spmem:s24], $0x400  }
0xc8: {  	_ =	swait.ge [sflag:s19], $0x400  }
0xc9: {  	[sflag:s19] =	ssyncset.done $0x0;
	s23 =	rddreg [dreg:$0x6]  }
0xca: {  	s24 =	rddreg [dreg:$0x12];
	[sflag:s19] =	ssyncadd.s32 $0xFFFFFC00  }
0xcb: {  	[hbm:s23], [sflag:s22] =	dma.local [spmem:s24], $0x400  }
0xcc: {  	_ =	swait.ge [sflag:s19], $0x400  }
0xcd: {  	[sflag:s19] =	ssyncset.done $0x0;
	s23 =	rddreg [dreg:$0x7]  }
0xce: {  	s24 =	rddreg [dreg:$0x13];
	[sflag:s19] =	ssyncadd.s32 $0xFFFFFC00  }
0xcf: {  	[hbm:s23], [sflag:s22] =	dma.local [spmem:s24], $0x400  }
0xd0: {  	_ =	swait.ge [sflag:s19], $0x400  }
0xd1: {  	[sflag:s19] =	ssyncset.done $0x0;
	s23 =	rddreg [dreg:$0x8]  }
0xd2: {  	s24 =	rddreg [dreg:$0x14];
	[sflag:s19] =	ssyncadd.s32 $0xFFFFFC00  }
0xd3: {  	[hbm:s23], [sflag:s22] =	dma.local [spmem:s24], $0x400  }
0xd4: {  	_ =	swait.ge [sflag:s19], $0x400  }
0xd5: {  	[sflag:s19] =	ssyncset.done $0x0;
	s23 =	rddreg [dreg:$0x9]  }
0xd6: {  	s24 =	rddreg [dreg:$0x15];
	[sflag:s19] =	ssyncadd.s32 $0xFFFFFC00  }
0xd7: {  	[hbm:s23], [sflag:s22] =	dma.local [spmem:s24], $0x400  }
0xd8: {  	_ =	swait.ge [sflag:s19], $0x400  }
0xd9: {  	[sflag:s19] =	ssyncset.done $0x0;
	s23 =	rddreg [dreg:$0xa]  }
0xda: {  	s24 =	rddreg [dreg:$0x16];
	[sflag:s19] =	ssyncadd.s32 $0xFFFFFC00  }
0xdb: {  	[hbm:s23], [sflag:s22] =	dma.local [spmem:s24], $0x400  }
0xdc: {  	_ =	swait.ge [sflag:s19], $0x400  }
0xdd: {  	[sflag:s19] =	ssyncset.done $0x0  }
0xde: {  	s24 =	rddreg [dreg:$0xb];
	[sflag:s19] =	ssyncadd.s32 $0xFFFFFC00  }
0xdf: {  	[hbm:s24], [sflag:s22] =	dma.local [spmem:s25], $0x400  }
0xe0: {  	_ =	swait.ge [sflag:s19], $0x400  }
0xe1: {  	[sflag:s19] =	ssyncset.done $0x0  }
0xe2: {  	s24 =	rddreg [dreg:$0xc];
	[sflag:s19] =	ssyncadd.s32 $0xFFFFFC00  }
0xe3: {  	[hbm:s24], [sflag:s22] =	dma.local [spmem:s26], $0x400  }
0xe4: {  	_ =	swait.ge [sflag:s19], $0x400  }
0xe5: {  	s2 =	sadd.s32 $0x1, s2;
	s24 =	rddreg [dreg:$0xf]  }
0xe6: {  	p0 =	sne.s32 s2, s24  }
.Ltmp4:
0xe7: {  	_ = 	snop;
	(pc) =	sbr.rel @p0 .LBB2_1-.Ltmp4, $3  }
0xe8: {  	_ =	sdelay $0x1  }
0xe9: {  	[sflag:s19] =	ssyncset.done $0x0  }
0xea: {  	[sflag:s19] =	ssyncadd.s32 $0xFFFFFC00  }
0xeb: {  	_ =	sfence.sel $0x180000  }
0xec: {  	[bflag:$0x0] =	sbarrier.arrive $0xFFFF  }
0xed: {  	_ =	strace $0x90000047  }
0xee: {  	s0 =	stileid.u32;
	[bflag:$0x2] =	sbarrier.arrive $0xFFFF  }
0xef: {  	p0 =	sne.s32 s0, $0x0;
	s0 =	rddreg [dreg:$0x2]  }
0xf0: {  	s0 =	sadd.s32 @!p0 $0x100000, s0  }
0xf1: {  	[sflag:s0] =	ssyncadd.tile.s32 @!p0 $0x1;
	_ =	shalt  }
.Lfunc_end2:
_tile_overlayer_lowered:
.L_overlay_start_2:
0xf2: {  	(tag) =	ssettag $0x2  }
0xf3: {  	s0 =	rddreg [dreg:$0x0];
	s2 =	stileid.u32  }
0xf4: {  	s1 =	rddreg [dreg:$0x1];
	p0 =	sne.s32 s2, $0x0  }
0xf5: {  	s3 =	rddreg [dreg:$0x2];
	[bflag:$0x3] =	sbarrier.arrive $0xFFFF;
	s2 =	simm.s32 @!p0 $0x1C01  }
0xf6: {  	[timem:s3], [sflag:s2] =	dma.local @!p0 [hbm:s0], s1  }
0xf7: {  	s0 =	simm.s32 @!p0 $0x1  }
0xf8: {  	_ =	swait.ge @!p0 [sflag:s0], s1  }
0xf9: {  	s1 =	ssub.s32 @!p0 $0x0, s1;
	[sflag:s0] =	ssyncset.done @!p0 $0x0  }
0xfa: {  	[sflag:s0] =	ssyncadd.s32 @!p0 s1  }
0xfb: {  	[bflag:$0x3] =	sbarrier.arrive $0xFFFF  }
0xfc: {  	_ =	shalt  }

</sc_bundles>
